<compile_context>
chip_gen: v7x
topology: tpu7x:2x2x1
jax: 0.10.2.dev20260603
libtpu: 0.0.44.dev20260713+nightly
codegen_flags: <defaults>
</compile_context>

<pallas_src>
import functools

import jax
import jax.numpy as jnp
from jax import lax
from jax.experimental import pallas as pl
from jax.experimental.pallas import tpu as pltpu
from jax.experimental.pallas import tpu_sc as plsc

N = 10000
E = 160000
IN_DIM = 256
HID = 256
CH = 128
NT = 16
NC = 2
EPT = E // NT
BLK = 80
NBLK = EPT // BLK
NP = 10240
ZROWS = 128
ROWS_PT = NP // NT

BN = 1000



def _mm_gates_body(x_ref, h_ref, wx_ref, wh_ref, b_ref, o0, o1, o2, o3):
    acc = jnp.dot(x_ref[...], wx_ref[...], preferred_element_type=jnp.float32)
    acc = acc + jnp.dot(h_ref[...], wh_ref[...],
                        preferred_element_type=jnp.float32)
    acc = acc + b_ref[...]
    o0[...] = acc[:, 0 * CH:1 * CH]
    o1[...] = acc[:, 1 * CH:2 * CH]
    o2[...] = acc[:, 2 * CH:3 * CH]
    o3[...] = acc[:, 3 * CH:4 * CH]


def _mm_gates(x, h, wxT, whT, b):
    grid = (N // BN,)
    return pl.pallas_call(
        _mm_gates_body,
        grid=grid,
        in_specs=[
            pl.BlockSpec((BN, IN_DIM), lambda i: (i, 0)),
            pl.BlockSpec((BN, HID), lambda i: (i, 0)),
            pl.BlockSpec((IN_DIM, 2 * HID), lambda i: (0, 0)),
            pl.BlockSpec((HID, 2 * HID), lambda i: (0, 0)),
            pl.BlockSpec((1, 2 * HID), lambda i: (0, 0)),
        ],
        out_specs=[pl.BlockSpec((BN, CH), lambda i: (i, 0))] * 4,
        out_shape=[jax.ShapeDtypeStruct((N, CH), jnp.float32)] * 4,
    )(x, h, wxT, whT, b)


def _mm_cand_body(x_ref, h_ref, g0, g1, wx_ref, wh_ref, b_ref, o0, o1):
    r0 = jax.nn.sigmoid(g0[...])
    r1 = jax.nn.sigmoid(g1[...])
    rh = jnp.concatenate(
        [r0 * h_ref[:, :CH], r1 * h_ref[:, CH:]], axis=1)
    acc = jnp.dot(x_ref[...], wx_ref[...], preferred_element_type=jnp.float32)
    acc = acc + jnp.dot(rh, wh_ref[...], preferred_element_type=jnp.float32)
    acc = acc + b_ref[...]
    o0[...] = acc[:, :CH]
    o1[...] = acc[:, CH:]


def _mm_cand(x, h, g0, g1, wxT, whT, b):
    grid = (N // BN,)
    return pl.pallas_call(
        _mm_cand_body,
        grid=grid,
        in_specs=[
            pl.BlockSpec((BN, IN_DIM), lambda i: (i, 0)),
            pl.BlockSpec((BN, HID), lambda i: (i, 0)),
            pl.BlockSpec((BN, CH), lambda i: (i, 0)),
            pl.BlockSpec((BN, CH), lambda i: (i, 0)),
            pl.BlockSpec((IN_DIM, HID), lambda i: (0, 0)),
            pl.BlockSpec((HID, HID), lambda i: (0, 0)),
            pl.BlockSpec((1, HID), lambda i: (0, 0)),
        ],
        out_specs=[pl.BlockSpec((BN, CH), lambda i: (i, 0))] * 2,
        out_shape=[jax.ShapeDtypeStruct((N, CH), jnp.float32)] * 2,
    )(x, h, g0, g1, wxT, whT, b)


def _final_body(h_ref, g2, g3, t0, t1, o_ref):
    u = jax.nn.sigmoid(jnp.concatenate([g2[...], g3[...]], axis=1))
    c = jnp.tanh(jnp.concatenate([t0[...], t1[...]], axis=1))
    o_ref[...] = u * h_ref[...] + (1.0 - u) * c


def _final(h, g2, g3, t0, t1):
    grid = (N // BN,)
    return pl.pallas_call(
        _final_body,
        grid=grid,
        in_specs=[
            pl.BlockSpec((BN, HID), lambda i: (i, 0)),
            pl.BlockSpec((BN, CH), lambda i: (i, 0)),
            pl.BlockSpec((BN, CH), lambda i: (i, 0)),
            pl.BlockSpec((BN, CH), lambda i: (i, 0)),
            pl.BlockSpec((BN, CH), lambda i: (i, 0)),
        ],
        out_specs=pl.BlockSpec((BN, HID), lambda i: (i, 0)),
        out_shape=jax.ShapeDtypeStruct((N, HID), jnp.float32),
    )(h, g2, g3, t0, t1)




def _make_spmm(num_chunks):
    cpc = num_chunks // NC
    mesh = plsc.VectorSubcoreMesh(core_axis_name="c", subcore_axis_name="s")

    out_type = [jax.ShapeDtypeStruct((NP, CH), jnp.float32)] * num_chunks
    scratch = [
        pltpu.VMEM((NBLK, BLK), jnp.int32),
        pltpu.VMEM((NBLK, BLK), jnp.int32),
        pltpu.VMEM((BLK * 16,), jnp.float32),
        pltpu.VMEM((BLK, CH), jnp.float32),
        pltpu.VMEM_SHARED((NP, CH), jnp.float32),
        pltpu.SemaphoreType.DMA,
    ]

    @functools.partial(pl.kernel, mesh=mesh, out_type=out_type,
                       scratch_types=scratch)
    def spmm(*refs):
        dense = refs[:num_chunks]
        col_hbm, row_hbm, val_hbm = refs[num_chunks:num_chunks + 3]
        outs = refs[num_chunks + 3:2 * num_chunks + 3]
        col_v, row_v, vrbuf, gbuf, acc, sem = refs[2 * num_chunks + 3:]

        core = lax.axis_index("c")
        sub = lax.axis_index("s")

        pltpu.sync_copy(col_hbm.at[sub], col_v)
        pltpu.sync_copy(row_hbm.at[sub], row_v)

        zero16 = jnp.zeros((16,), jnp.float32)

        def zrow(i, carry):
            for j in range(CH // 16):
                gbuf[i, pl.ds(j * 16, 16)] = zero16
            return carry

        def edge_loop(dref):
            def ebody(b, carry):
                pltpu.sync_copy(
                    val_hbm.at[pl.ds((sub * NBLK + b) * BLK * 16, BLK * 16)],
                    vrbuf)
                cp = pltpu.async_copy(dref.at[col_v.at[b]], gbuf, sem)
                cp.wait()

                def srow(i, c2):
                    v = vrbuf[pl.ds(i * 16, 16)]
                    for j in range(CH // 16):
                        sl = pl.ds(j * 16, 16)
                        gbuf[i, sl] = gbuf[i, sl] * v
                    return c2

                lax.fori_loop(0, BLK, srow, 0)
                pltpu.sync_copy(gbuf, acc.at[row_v.at[b]], add=True)
                return carry

            lax.fori_loop(0, NBLK, ebody, 0)

        for k in range(cpc):
            lax.fori_loop(0, BLK, zrow, 0)
            for z in range(ROWS_PT // BLK):
                pltpu.sync_copy(
                    gbuf, acc.at[pl.ds(sub * ROWS_PT + z * BLK, BLK)])
            plsc.subcore_barrier()

            for cc in range(NC):
                @pl.when(core == cc)
                def _(k=k, cc=cc):
                    edge_loop(dense[cc * cpc + k])

            plsc.subcore_barrier()

            for cc in range(NC):
                @pl.when(core == cc)
                def _(k=k, cc=cc):
                    sl = pl.ds(sub * ROWS_PT, ROWS_PT)
                    pltpu.sync_copy(acc.at[sl], outs[cc * cpc + k].at[sl])

            plsc.subcore_barrier()

    return spmm


_spmm4 = _make_spmm(4)
_spmm2 = _make_spmm(2)




def kernel(x, h, adj_values, W_gates, b_gates, W_cand, b_cand, edge_index):
    row = edge_index[0].astype(jnp.int32).reshape(NT, NBLK, BLK)
    col = edge_index[1].astype(jnp.int32).reshape(NT, NBLK, BLK)
    val = jnp.broadcast_to(
        adj_values.astype(jnp.float32)[:, None], (E, 16)).reshape(E * 16)

    wgxT = W_gates[:, :IN_DIM].T
    wghT = W_gates[:, IN_DIM:].T
    wcxT = W_cand[:, :IN_DIM].T
    wchT = W_cand[:, IN_DIM:].T
    bg = b_gates.reshape(1, 2 * HID)
    bc = b_cand.reshape(1, HID)

    g0, g1, g2, g3 = _mm_gates(x, h, wgxT, wghT, bg)
    s0, s1, s2, s3 = _spmm4(g0, g1, g2, g3, col, row, val)
    c0, c1 = _mm_cand(x, h, s0, s1, wcxT, wchT, bc)
    t0, t1 = _spmm2(c0, c1, col, row, val)
    return _final(h, s2, s3, t0, t1)

# --- scband reference (transcript-rebuilt; emitter-appended) ---
"""Pipeline reference for scband-simple-tgcncell-54382875902413 (READ-ONLY COPY).

The authoritative reference and input builder live on the scoring server;
editing this copy changes nothing except your own understanding.
"""

import jax, jax.numpy as jnp
import numpy as np

N = 10000
E = 160000
IN_DIM = 256
HID = 256


def setup_inputs(seed: int = 0) -> dict:
    key = jax.random.key(seed)
    ks = jax.random.split(key, 8)
    x = jax.random.normal(ks[0], (N, IN_DIM), dtype=jnp.float32)
    h = jax.random.normal(ks[1], (N, HID), dtype=jnp.float32)
    edge_index = jax.random.randint(ks[2], (2, E), 0, N, dtype=jnp.int64)
    adj_values = jax.random.uniform(ks[3], (E,), dtype=jnp.float32)
    # nn.Linear(in_dim + hidden_dim, hidden_dim * 2)
    W_gates = jax.random.normal(ks[4], (HID * 2, IN_DIM + HID), dtype=jnp.float32) * 0.05
    b_gates = jax.random.normal(ks[5], (HID * 2,), dtype=jnp.float32) * 0.05
    # nn.Linear(in_dim + hidden_dim, hidden_dim)
    W_cand = jax.random.normal(ks[6], (HID, IN_DIM + HID), dtype=jnp.float32) * 0.05
    b_cand = jax.random.normal(ks[7], (HID,), dtype=jnp.float32) * 0.05
    return {
        "x": x,
        "h": h,
        "adj_values": adj_values,
        "W_gates": W_gates,
        "b_gates": b_gates,
        "W_cand": W_cand,
        "b_cand": b_cand,
        "edge_index": edge_index,
    }


def _spmm(edge_index, values, dense):
    # out[i] = sum_j adj[i, j] * dense[j]
    row = edge_index[0]
    col = edge_index[1]
    gathered = jnp.take(dense, col, axis=0) * values[:, None]
    return jax.ops.segment_sum(gathered, row, num_segments=N)


def reference(x, h, adj_values, W_gates, b_gates, W_cand, b_cand, edge_index):
    # dropout is identity in eval mode
    combined = jnp.concatenate([x, h], axis=1)
    gates_dense = combined @ W_gates.T + b_gates
    gates = _spmm(edge_index, adj_values, gates_dense)
    sg = jax.nn.sigmoid(gates)
    r, u = jnp.split(sg, 2, axis=1)
    cand_in = jnp.concatenate([x, r * h], axis=1)
    cand_dense = cand_in @ W_cand.T + b_cand
    cand = _spmm(edge_index, adj_values, cand_dense)
    c = jnp.tanh(cand)
    return u * h + (1.0 - u) * c

if __name__ == "__main__":
    import jax
    _d = setup_inputs()
    print(jax.jit(kernel)(*tuple(_d.values())))

</pallas_src>

<mosaic_0001>
#map = affine_map<(d0, d1) -> (0, 0)>
#map1 = affine_map<(d0, d1) -> (0, 0, 0)>
#map2 = affine_map<(d0, d1) -> (0)>
module attributes {stable_mosaic.version = 14 : i64} {
  func.func @spmm(%arg0: i32, %arg1: i32, %arg2: memref<10000x128xf32, #tpu.memory_space<hbm>>, %arg3: memref<10000x128xf32, #tpu.memory_space<hbm>>, %arg4: memref<10000x128xf32, #tpu.memory_space<hbm>>, %arg5: memref<10000x128xf32, #tpu.memory_space<hbm>>, %arg6: memref<16x125x80xi32, #tpu.memory_space<hbm>>, %arg7: memref<16x125x80xi32, #tpu.memory_space<hbm>>, %arg8: memref<2560000xf32, #tpu.memory_space<hbm>>, %arg9: memref<10240x128xf32, #tpu.memory_space<hbm>>, %arg10: memref<10240x128xf32, #tpu.memory_space<hbm>>, %arg11: memref<10240x128xf32, #tpu.memory_space<hbm>>, %arg12: memref<10240x128xf32, #tpu.memory_space<hbm>>, %arg13: memref<125x80xi32, #tpu.memory_space<vmem>>, %arg14: memref<125x80xi32, #tpu.memory_space<vmem>>, %arg15: memref<1280xf32, #tpu.memory_space<vmem>>, %arg16: memref<80x128xf32, #tpu.memory_space<vmem>>, %arg17: memref<10240x128xf32, #tpu.memory_space<vmem_shared>>, %arg18: memref<!tpu.dma_semaphore, #tpu.memory_space<semaphore_mem>>) attributes {dimension_semantics = [#tpu.dimension_semantics<core_parallel>, #tpu.dimension_semantics<subcore_parallel>], iteration_bounds = array<i64: 2, 16>, scalar_prefetch = 0 : i64, scratch_operands = 6 : i64, tpu.core_type = #tpu.core_type<sc_vector_subcore>, window_params = [{transform_indices = #map}, {transform_indices = #map}, {transform_indices = #map}, {transform_indices = #map}, {transform_indices = #map1}, {transform_indices = #map1}, {transform_indices = #map2}, {transform_indices = #map}, {transform_indices = #map}, {transform_indices = #map}, {transform_indices = #map}]} {
    "tpu.region"() ({
      %run_scoped3A = tpu.sem_alloc : memref<!tpu.dma_semaphore, #tpu.memory_space<semaphore_mem>>
      %dma_start3A = arith.constant 0 : i32
      %dma_start3A_116 = arith.constant 0 : i32
      %dma_start3A_117 = tpu.memref_slice %arg6[%arg1, %dma_start3A, %dma_start3A_116] : memref<16x125x80xi32, #tpu.memory_space<hbm>> -> memref<1x125x80xi32, #tpu.memory_space<hbm>>
      %dma_start3A_118 = tpu.memref_squeeze %dma_start3A_117 : memref<1x125x80xi32, #tpu.memory_space<hbm>> -> memref<125x80xi32, #tpu.memory_space<hbm>>
      %dma_start3A_119 = arith.constant 0 : i32
      %dma_start3A_120 = arith.constant 0 : i32
      %dma_start3A_121 = tpu.memref_slice %arg6[%arg1, %dma_start3A_119, %dma_start3A_120] : memref<16x125x80xi32, #tpu.memory_space<hbm>> -> memref<1x125x80xi32, #tpu.memory_space<hbm>>
      %dma_start3A_122 = tpu.memref_squeeze %dma_start3A_121 : memref<1x125x80xi32, #tpu.memory_space<hbm>> -> memref<125x80xi32, #tpu.memory_space<hbm>>
      tpu.enqueue_dma source(%dma_start3A_122 : memref<125x80xi32, #tpu.memory_space<hbm>>) target(%arg13 : memref<125x80xi32, #tpu.memory_space<vmem>>) target_semaphore(%run_scoped3A : memref<!tpu.dma_semaphore, #tpu.memory_space<semaphore_mem>>)
      %dma_wait3A = arith.constant 0 : i32
      %dma_wait3A_123 = arith.constant 0 : i32
      %dma_wait3A_124 = tpu.memref_slice %arg6[%arg1, %dma_wait3A, %dma_wait3A_123] : memref<16x125x80xi32, #tpu.memory_space<hbm>> -> memref<1x125x80xi32, #tpu.memory_space<hbm>>
      %dma_wait3A_125 = tpu.memref_squeeze %dma_wait3A_124 : memref<1x125x80xi32, #tpu.memory_space<hbm>> -> memref<125x80xi32, #tpu.memory_space<hbm>>
      %dma_wait3A_126 = arith.constant 0 : i32
      %dma_wait3A_127 = arith.constant 0 : i32
      %dma_wait3A_128 = tpu.memref_slice %arg6[%arg1, %dma_wait3A_126, %dma_wait3A_127] : memref<16x125x80xi32, #tpu.memory_space<hbm>> -> memref<1x125x80xi32, #tpu.memory_space<hbm>>
      %dma_wait3A_129 = tpu.memref_squeeze %dma_wait3A_128 : memref<1x125x80xi32, #tpu.memory_space<hbm>> -> memref<125x80xi32, #tpu.memory_space<hbm>>
      tpu.wait_dma2 semaphore(%run_scoped3A : memref<!tpu.dma_semaphore, #tpu.memory_space<semaphore_mem>>) src(%dma_wait3A_129 : memref<125x80xi32, #tpu.memory_space<hbm>>) dst(%arg13 : memref<125x80xi32, #tpu.memory_space<vmem>>)
      tpu.yield
    }) : () -> ()
    "tpu.region"() ({
      %run_scoped3A = tpu.sem_alloc : memref<!tpu.dma_semaphore, #tpu.memory_space<semaphore_mem>>
      %dma_start3A = arith.constant 0 : i32
      %dma_start3A_116 = arith.constant 0 : i32
      %dma_start3A_117 = tpu.memref_slice %arg7[%arg1, %dma_start3A, %dma_start3A_116] : memref<16x125x80xi32, #tpu.memory_space<hbm>> -> memref<1x125x80xi32, #tpu.memory_space<hbm>>
      %dma_start3A_118 = tpu.memref_squeeze %dma_start3A_117 : memref<1x125x80xi32, #tpu.memory_space<hbm>> -> memref<125x80xi32, #tpu.memory_space<hbm>>
      %dma_start3A_119 = arith.constant 0 : i32
      %dma_start3A_120 = arith.constant 0 : i32
      %dma_start3A_121 = tpu.memref_slice %arg7[%arg1, %dma_start3A_119, %dma_start3A_120] : memref<16x125x80xi32, #tpu.memory_space<hbm>> -> memref<1x125x80xi32, #tpu.memory_space<hbm>>
      %dma_start3A_122 = tpu.memref_squeeze %dma_start3A_121 : memref<1x125x80xi32, #tpu.memory_space<hbm>> -> memref<125x80xi32, #tpu.memory_space<hbm>>
      tpu.enqueue_dma source(%dma_start3A_122 : memref<125x80xi32, #tpu.memory_space<hbm>>) target(%arg14 : memref<125x80xi32, #tpu.memory_space<vmem>>) target_semaphore(%run_scoped3A : memref<!tpu.dma_semaphore, #tpu.memory_space<semaphore_mem>>)
      %dma_wait3A = arith.constant 0 : i32
      %dma_wait3A_123 = arith.constant 0 : i32
      %dma_wait3A_124 = tpu.memref_slice %arg7[%arg1, %dma_wait3A, %dma_wait3A_123] : memref<16x125x80xi32, #tpu.memory_space<hbm>> -> memref<1x125x80xi32, #tpu.memory_space<hbm>>
      %dma_wait3A_125 = tpu.memref_squeeze %dma_wait3A_124 : memref<1x125x80xi32, #tpu.memory_space<hbm>> -> memref<125x80xi32, #tpu.memory_space<hbm>>
      %dma_wait3A_126 = arith.constant 0 : i32
      %dma_wait3A_127 = arith.constant 0 : i32
      %dma_wait3A_128 = tpu.memref_slice %arg7[%arg1, %dma_wait3A_126, %dma_wait3A_127] : memref<16x125x80xi32, #tpu.memory_space<hbm>> -> memref<1x125x80xi32, #tpu.memory_space<hbm>>
      %dma_wait3A_129 = tpu.memref_squeeze %dma_wait3A_128 : memref<1x125x80xi32, #tpu.memory_space<hbm>> -> memref<125x80xi32, #tpu.memory_space<hbm>>
      tpu.wait_dma2 semaphore(%run_scoped3A : memref<!tpu.dma_semaphore, #tpu.memory_space<semaphore_mem>>) src(%dma_wait3A_129 : memref<125x80xi32, #tpu.memory_space<hbm>>) dst(%arg14 : memref<125x80xi32, #tpu.memory_space<vmem>>)
      tpu.yield
    }) : () -> ()
    %broadcast_in_dim3A = arith.constant 0.000000e+00 : f32
    %broadcast_in_dim3A_0 = vector.broadcast %broadcast_in_dim3A : f32 to vector<16xf32>
    %scan3A = arith.constant 0 : i32
    %scan3A_1 = arith.constant 0 : i32
    %scan3A_2 = arith.constant 80 : i32
    %scan3A_3 = arith.addi %scan3A_1, %scan3A_2 : i32
    %scan3A_4 = arith.constant 1 : i32
    scf.for %scan3A_116 = %scan3A_1 to %scan3A_3 step %scan3A_4  : i32 {
      %swap3A = arith.index_cast %scan3A_116 : i32 to index
      %swap3A_117 = arith.constant 0 : index
      %swap3A_118 = tpu.vector_load %arg16[%swap3A, %swap3A_117] {strides = array<i32>} : memref<80x128xf32, #tpu.memory_space<vmem>>, vector<1x16xf32>,
      %swap3A_119 = vector.shape_cast %swap3A_118 : vector<1x16xf32> to vector<16xf32>
      %swap3A_120 = vector.shape_cast %broadcast_in_dim3A_0 : vector<16xf32> to vector<1x16xf32>
      tpu.vector_store %arg16[%swap3A, %swap3A_117], %swap3A_120 {strides = array<i32>} : memref<80x128xf32, #tpu.memory_space<vmem>>, vector<1x16xf32>,
      %swap3A_121 = arith.index_cast %scan3A_116 : i32 to index
      %swap3A_122 = arith.constant 16 : index
      %swap3A_123 = tpu.vector_load %arg16[%swap3A_121, %swap3A_122] {strides = array<i32>} : memref<80x128xf32, #tpu.memory_space<vmem>>, vector<1x16xf32>,
      %swap3A_124 = vector.shape_cast %swap3A_123 : vector<1x16xf32> to vector<16xf32>
      %swap3A_125 = vector.shape_cast %broadcast_in_dim3A_0 : vector<16xf32> to vector<1x16xf32>
      tpu.vector_store %arg16[%swap3A_121, %swap3A_122], %swap3A_125 {strides = array<i32>} : memref<80x128xf32, #tpu.memory_space<vmem>>, vector<1x16xf32>,
      %swap3A_126 = arith.index_cast %scan3A_116 : i32 to index
      %swap3A_127 = arith.constant 32 : index
      %swap3A_128 = tpu.vector_load %arg16[%swap3A_126, %swap3A_127] {strides = array<i32>} : memref<80x128xf32, #tpu.memory_space<vmem>>, vector<1x16xf32>,
      %swap3A_129 = vector.shape_cast %swap3A_128 : vector<1x16xf32> to vector<16xf32>
      %swap3A_130 = vector.shape_cast %broadcast_in_dim3A_0 : vector<16xf32> to vector<1x16xf32>
      tpu.vector_store %arg16[%swap3A_126, %swap3A_127], %swap3A_130 {strides = array<i32>} : memref<80x128xf32, #tpu.memory_space<vmem>>, vector<1x16xf32>,
      %swap3A_131 = arith.index_cast %scan3A_116 : i32 to index
      %swap3A_132 = arith.constant 48 : index
      %swap3A_133 = tpu.vector_load %arg16[%swap3A_131, %swap3A_132] {strides = array<i32>} : memref<80x128xf32, #tpu.memory_space<vmem>>, vector<1x16xf32>,
      %swap3A_134 = vector.shape_cast %swap3A_133 : vector<1x16xf32> to vector<16xf32>
      %swap3A_135 = vector.shape_cast %broadcast_in_dim3A_0 : vector<16xf32> to vector<1x16xf32>
      tpu.vector_store %arg16[%swap3A_131, %swap3A_132], %swap3A_135 {strides = array<i32>} : memref<80x128xf32, #tpu.memory_space<vmem>>, vector<1x16xf32>,
      %swap3A_136 = arith.index_cast %scan3A_116 : i32 to index
      %swap3A_137 = arith.constant 64 : index
      %swap3A_138 = tpu.vector_load %arg16[%swap3A_136, %swap3A_137] {strides = array<i32>} : memref<80x128xf32, #tpu.memory_space<vmem>>, vector<1x16xf32>,
      %swap3A_139 = vector.shape_cast %swap3A_138 : vector<1x16xf32> to vector<16xf32>
      %swap3A_140 = vector.shape_cast %broadcast_in_dim3A_0 : vector<16xf32> to vector<1x16xf32>
      tpu.vector_store %arg16[%swap3A_136, %swap3A_137], %swap3A_140 {strides = array<i32>} : memref<80x128xf32, #tpu.memory_space<vmem>>, vector<1x16xf32>,
      %swap3A_141 = arith.index_cast %scan3A_116 : i32 to index
      %swap3A_142 = arith.constant 80 : index
      %swap3A_143 = tpu.vector_load %arg16[%swap3A_141, %swap3A_142] {strides = array<i32>} : memref<80x128xf32, #tpu.memory_space<vmem>>, vector<1x16xf32>,
      %swap3A_144 = vector.shape_cast %swap3A_143 : vector<1x16xf32> to vector<16xf32>
      %swap3A_145 = vector.shape_cast %broadcast_in_dim3A_0 : vector<16xf32> to vector<1x16xf32>
      tpu.vector_store %arg16[%swap3A_141, %swap3A_142], %swap3A_145 {strides = array<i32>} : memref<80x128xf32, #tpu.memory_space<vmem>>, vector<1x16xf32>,
      %swap3A_146 = arith.index_cast %scan3A_116 : i32 to index
      %swap3A_147 = arith.constant 96 : index
      %swap3A_148 = tpu.vector_load %arg16[%swap3A_146, %swap3A_147] {strides = array<i32>} : memref<80x128xf32, #tpu.memory_space<vmem>>, vector<1x16xf32>,
      %swap3A_149 = vector.shape_cast %swap3A_148 : vector<1x16xf32> to vector<16xf32>
      %swap3A_150 = vector.shape_cast %broadcast_in_dim3A_0 : vector<16xf32> to vector<1x16xf32>
      tpu.vector_store %arg16[%swap3A_146, %swap3A_147], %swap3A_150 {strides = array<i32>} : memref<80x128xf32, #tpu.memory_space<vmem>>, vector<1x16xf32>,
      %swap3A_151 = arith.index_cast %scan3A_116 : i32 to index
      %swap3A_152 = arith.constant 112 : index
      %swap3A_153 = tpu.vector_load %arg16[%swap3A_151, %swap3A_152] {strides = array<i32>} : memref<80x128xf32, #tpu.memory_space<vmem>>, vector<1x16xf32>,
      %swap3A_154 = vector.shape_cast %swap3A_153 : vector<1x16xf32> to vector<16xf32>
      %swap3A_155 = vector.shape_cast %broadcast_in_dim3A_0 : vector<16xf32> to vector<1x16xf32>
      tpu.vector_store %arg16[%swap3A_151, %swap3A_152], %swap3A_155 {strides = array<i32>} : memref<80x128xf32, #tpu.memory_space<vmem>>, vector<1x16xf32>,
    }
    %scan3A_5 = arith.constant 80 : i32
    %mul3A = arith.constant 640 : i32
    %mul3A_6 = arith.muli %arg1, %mul3A : i32
    %add3A = arith.constant 0 : i32
    %add3A_7 = arith.addi %mul3A_6, %add3A : i32
    "tpu.region"() ({
      %run_scoped3A = tpu.sem_alloc : memref<!tpu.dma_semaphore, #tpu.memory_space<semaphore_mem>>
      %dma_start3A = arith.constant 0 : i32
      %dma_start3A_116 = tpu.memref_slice %arg17[%add3A_7, %dma_start3A] : memref<10240x128xf32, #tpu.memory_space<vmem_shared>> -> memref<80x128xf32, #tpu.memory_space<vmem_shared>>
      %dma_start3A_117 = arith.constant 0 : i32
      %dma_start3A_118 = tpu.memref_slice %arg17[%add3A_7, %dma_start3A_117] : memref<10240x128xf32, #tpu.memory_space<vmem_shared>> -> memref<80x128xf32, #tpu.memory_space<vmem_shared>>
      tpu.enqueue_dma source(%arg16 : memref<80x128xf32, #tpu.memory_space<vmem>>) target(%dma_start3A_118 : memref<80x128xf32, #tpu.memory_space<vmem_shared>>) target_semaphore(%run_scoped3A : memref<!tpu.dma_semaphore, #tpu.memory_space<semaphore_mem>>)
      %dma_wait3A = arith.constant 0 : i32
      %dma_wait3A_119 = tpu.memref_slice %arg17[%add3A_7, %dma_wait3A] : memref<10240x128xf32, #tpu.memory_space<vmem_shared>> -> memref<80x128xf32, #tpu.memory_space<vmem_shared>>
      %dma_wait3A_120 = arith.constant 0 : i32
      %dma_wait3A_121 = tpu.memref_slice %arg17[%add3A_7, %dma_wait3A_120] : memref<10240x128xf32, #tpu.memory_space<vmem_shared>> -> memref<80x128xf32, #tpu.memory_space<vmem_shared>>
      tpu.wait_dma2 semaphore(%run_scoped3A : memref<!tpu.dma_semaphore, #tpu.memory_space<semaphore_mem>>) src(%arg16 : memref<80x128xf32, #tpu.memory_space<vmem>>) dst(%dma_wait3A_121 : memref<80x128xf32, #tpu.memory_space<vmem_shared>>)
      tpu.yield
    }) : () -> ()
    %mul3A_8 = arith.constant 640 : i32
    %mul3A_9 = arith.muli %arg1, %mul3A_8 : i32
    %add3A_10 = arith.constant 80 : i32
    %add3A_11 = arith.addi %mul3A_9, %add3A_10 : i32
    "tpu.region"() ({
      %run_scoped3A = tpu.sem_alloc : memref<!tpu.dma_semaphore, #tpu.memory_space<semaphore_mem>>
      %dma_start3A = arith.constant 0 : i32
      %dma_start3A_116 = tpu.memref_slice %arg17[%add3A_11, %dma_start3A] : memref<10240x128xf32, #tpu.memory_space<vmem_shared>> -> memref<80x128xf32, #tpu.memory_space<vmem_shared>>
      %dma_start3A_117 = arith.constant 0 : i32
      %dma_start3A_118 = tpu.memref_slice %arg17[%add3A_11, %dma_start3A_117] : memref<10240x128xf32, #tpu.memory_space<vmem_shared>> -> memref<80x128xf32, #tpu.memory_space<vmem_shared>>
      tpu.enqueue_dma source(%arg16 : memref<80x128xf32, #tpu.memory_space<vmem>>) target(%dma_start3A_118 : memref<80x128xf32, #tpu.memory_space<vmem_shared>>) target_semaphore(%run_scoped3A : memref<!tpu.dma_semaphore, #tpu.memory_space<semaphore_mem>>)
      %dma_wait3A = arith.constant 0 : i32
      %dma_wait3A_119 = tpu.memref_slice %arg17[%add3A_11, %dma_wait3A] : memref<10240x128xf32, #tpu.memory_space<vmem_shared>> -> memref<80x128xf32, #tpu.memory_space<vmem_shared>>
      %dma_wait3A_120 = arith.constant 0 : i32
      %dma_wait3A_121 = tpu.memref_slice %arg17[%add3A_11, %dma_wait3A_120] : memref<10240x128xf32, #tpu.memory_space<vmem_shared>> -> memref<80x128xf32, #tpu.memory_space<vmem_shared>>
      tpu.wait_dma2 semaphore(%run_scoped3A : memref<!tpu.dma_semaphore, #tpu.memory_space<semaphore_mem>>) src(%arg16 : memref<80x128xf32, #tpu.memory_space<vmem>>) dst(%dma_wait3A_121 : memref<80x128xf32, #tpu.memory_space<vmem_shared>>)
      tpu.yield
    }) : () -> ()
    %mul3A_12 = arith.constant 640 : i32
    %mul3A_13 = arith.muli %arg1, %mul3A_12 : i32
    %add3A_14 = arith.constant 160 : i32
    %add3A_15 = arith.addi %mul3A_13, %add3A_14 : i32
    "tpu.region"() ({
      %run_scoped3A = tpu.sem_alloc : memref<!tpu.dma_semaphore, #tpu.memory_space<semaphore_mem>>
      %dma_start3A = arith.constant 0 : i32
      %dma_start3A_116 = tpu.memref_slice %arg17[%add3A_15, %dma_start3A] : memref<10240x128xf32, #tpu.memory_space<vmem_shared>> -> memref<80x128xf32, #tpu.memory_space<vmem_shared>>
      %dma_start3A_117 = arith.constant 0 : i32
      %dma_start3A_118 = tpu.memref_slice %arg17[%add3A_15, %dma_start3A_117] : memref<10240x128xf32, #tpu.memory_space<vmem_shared>> -> memref<80x128xf32, #tpu.memory_space<vmem_shared>>
      tpu.enqueue_dma source(%arg16 : memref<80x128xf32, #tpu.memory_space<vmem>>) target(%dma_start3A_118 : memref<80x128xf32, #tpu.memory_space<vmem_shared>>) target_semaphore(%run_scoped3A : memref<!tpu.dma_semaphore, #tpu.memory_space<semaphore_mem>>)
      %dma_wait3A = arith.constant 0 : i32
      %dma_wait3A_119 = tpu.memref_slice %arg17[%add3A_15, %dma_wait3A] : memref<10240x128xf32, #tpu.memory_space<vmem_shared>> -> memref<80x128xf32, #tpu.memory_space<vmem_shared>>
      %dma_wait3A_120 = arith.constant 0 : i32
      %dma_wait3A_121 = tpu.memref_slice %arg17[%add3A_15, %dma_wait3A_120] : memref<10240x128xf32, #tpu.memory_space<vmem_shared>> -> memref<80x128xf32, #tpu.memory_space<vmem_shared>>
      tpu.wait_dma2 semaphore(%run_scoped3A : memref<!tpu.dma_semaphore, #tpu.memory_space<semaphore_mem>>) src(%arg16 : memref<80x128xf32, #tpu.memory_space<vmem>>) dst(%dma_wait3A_121 : memref<80x128xf32, #tpu.memory_space<vmem_shared>>)
      tpu.yield
    }) : () -> ()
    %mul3A_16 = arith.constant 640 : i32
    %mul3A_17 = arith.muli %arg1, %mul3A_16 : i32
    %add3A_18 = arith.constant 240 : i32
    %add3A_19 = arith.addi %mul3A_17, %add3A_18 : i32
    "tpu.region"() ({
      %run_scoped3A = tpu.sem_alloc : memref<!tpu.dma_semaphore, #tpu.memory_space<semaphore_mem>>
      %dma_start3A = arith.constant 0 : i32
      %dma_start3A_116 = tpu.memref_slice %arg17[%add3A_19, %dma_start3A] : memref<10240x128xf32, #tpu.memory_space<vmem_shared>> -> memref<80x128xf32, #tpu.memory_space<vmem_shared>>
      %dma_start3A_117 = arith.constant 0 : i32
      %dma_start3A_118 = tpu.memref_slice %arg17[%add3A_19, %dma_start3A_117] : memref<10240x128xf32, #tpu.memory_space<vmem_shared>> -> memref<80x128xf32, #tpu.memory_space<vmem_shared>>
      tpu.enqueue_dma source(%arg16 : memref<80x128xf32, #tpu.memory_space<vmem>>) target(%dma_start3A_118 : memref<80x128xf32, #tpu.memory_space<vmem_shared>>) target_semaphore(%run_scoped3A : memref<!tpu.dma_semaphore, #tpu.memory_space<semaphore_mem>>)
      %dma_wait3A = arith.constant 0 : i32
      %dma_wait3A_119 = tpu.memref_slice %arg17[%add3A_19, %dma_wait3A] : memref<10240x128xf32, #tpu.memory_space<vmem_shared>> -> memref<80x128xf32, #tpu.memory_space<vmem_shared>>
      %dma_wait3A_120 = arith.constant 0 : i32
      %dma_wait3A_121 = tpu.memref_slice %arg17[%add3A_19, %dma_wait3A_120] : memref<10240x128xf32, #tpu.memory_space<vmem_shared>> -> memref<80x128xf32, #tpu.memory_space<vmem_shared>>
      tpu.wait_dma2 semaphore(%run_scoped3A : memref<!tpu.dma_semaphore, #tpu.memory_space<semaphore_mem>>) src(%arg16 : memref<80x128xf32, #tpu.memory_space<vmem>>) dst(%dma_wait3A_121 : memref<80x128xf32, #tpu.memory_space<vmem_shared>>)
      tpu.yield
    }) : () -> ()
    %mul3A_20 = arith.constant 640 : i32
    %mul3A_21 = arith.muli %arg1, %mul3A_20 : i32
    %add3A_22 = arith.constant 320 : i32
    %add3A_23 = arith.addi %mul3A_21, %add3A_22 : i32
    "tpu.region"() ({
      %run_scoped3A = tpu.sem_alloc : memref<!tpu.dma_semaphore, #tpu.memory_space<semaphore_mem>>
      %dma_start3A = arith.constant 0 : i32
      %dma_start3A_116 = tpu.memref_slice %arg17[%add3A_23, %dma_start3A] : memref<10240x128xf32, #tpu.memory_space<vmem_shared>> -> memref<80x128xf32, #tpu.memory_space<vmem_shared>>
      %dma_start3A_117 = arith.constant 0 : i32
      %dma_start3A_118 = tpu.memref_slice %arg17[%add3A_23, %dma_start3A_117] : memref<10240x128xf32, #tpu.memory_space<vmem_shared>> -> memref<80x128xf32, #tpu.memory_space<vmem_shared>>
      tpu.enqueue_dma source(%arg16 : memref<80x128xf32, #tpu.memory_space<vmem>>) target(%dma_start3A_118 : memref<80x128xf32, #tpu.memory_space<vmem_shared>>) target_semaphore(%run_scoped3A : memref<!tpu.dma_semaphore, #tpu.memory_space<semaphore_mem>>)
      %dma_wait3A = arith.constant 0 : i32
      %dma_wait3A_119 = tpu.memref_slice %arg17[%add3A_23, %dma_wait3A] : memref<10240x128xf32, #tpu.memory_space<vmem_shared>> -> memref<80x128xf32, #tpu.memory_space<vmem_shared>>
      %dma_wait3A_120 = arith.constant 0 : i32
      %dma_wait3A_121 = tpu.memref_slice %arg17[%add3A_23, %dma_wait3A_120] : memref<10240x128xf32, #tpu.memory_space<vmem_shared>> -> memref<80x128xf32, #tpu.memory_space<vmem_shared>>
      tpu.wait_dma2 semaphore(%run_scoped3A : memref<!tpu.dma_semaphore, #tpu.memory_space<semaphore_mem>>) src(%arg16 : memref<80x128xf32, #tpu.memory_space<vmem>>) dst(%dma_wait3A_121 : memref<80x128xf32, #tpu.memory_space<vmem_shared>>)
      tpu.yield
    }) : () -> ()
    %mul3A_24 = arith.constant 640 : i32
    %mul3A_25 = arith.muli %arg1, %mul3A_24 : i32
    %add3A_26 = arith.constant 400 : i32
    %add3A_27 = arith.addi %mul3A_25, %add3A_26 : i32
    "tpu.region"() ({
      %run_scoped3A = tpu.sem_alloc : memref<!tpu.dma_semaphore, #tpu.memory_space<semaphore_mem>>
      %dma_start3A = arith.constant 0 : i32
      %dma_start3A_116 = tpu.memref_slice %arg17[%add3A_27, %dma_start3A] : memref<10240x128xf32, #tpu.memory_space<vmem_shared>> -> memref<80x128xf32, #tpu.memory_space<vmem_shared>>
      %dma_start3A_117 = arith.constant 0 : i32
      %dma_start3A_118 = tpu.memref_slice %arg17[%add3A_27, %dma_start3A_117] : memref<10240x128xf32, #tpu.memory_space<vmem_shared>> -> memref<80x128xf32, #tpu.memory_space<vmem_shared>>
      tpu.enqueue_dma source(%arg16 : memref<80x128xf32, #tpu.memory_space<vmem>>) target(%dma_start3A_118 : memref<80x128xf32, #tpu.memory_space<vmem_shared>>) target_semaphore(%run_scoped3A : memref<!tpu.dma_semaphore, #tpu.memory_space<semaphore_mem>>)
      %dma_wait3A = arith.constant 0 : i32
      %dma_wait3A_119 = tpu.memref_slice %arg17[%add3A_27, %dma_wait3A] : memref<10240x128xf32, #tpu.memory_space<vmem_shared>> -> memref<80x128xf32, #tpu.memory_space<vmem_shared>>
      %dma_wait3A_120 = arith.constant 0 : i32
      %dma_wait3A_121 = tpu.memref_slice %arg17[%add3A_27, %dma_wait3A_120] : memref<10240x128xf32, #tpu.memory_space<vmem_shared>> -> memref<80x128xf32, #tpu.memory_space<vmem_shared>>
      tpu.wait_dma2 semaphore(%run_scoped3A : memref<!tpu.dma_semaphore, #tpu.memory_space<semaphore_mem>>) src(%arg16 : memref<80x128xf32, #tpu.memory_space<vmem>>) dst(%dma_wait3A_121 : memref<80x128xf32, #tpu.memory_space<vmem_shared>>)
      tpu.yield
    }) : () -> ()
    %mul3A_28 = arith.constant 640 : i32
    %mul3A_29 = arith.muli %arg1, %mul3A_28 : i32
    %add3A_30 = arith.constant 480 : i32
    %add3A_31 = arith.addi %mul3A_29, %add3A_30 : i32
    "tpu.region"() ({
      %run_scoped3A = tpu.sem_alloc : memref<!tpu.dma_semaphore, #tpu.memory_space<semaphore_mem>>
      %dma_start3A = arith.constant 0 : i32
      %dma_start3A_116 = tpu.memref_slice %arg17[%add3A_31, %dma_start3A] : memref<10240x128xf32, #tpu.memory_space<vmem_shared>> -> memref<80x128xf32, #tpu.memory_space<vmem_shared>>
      %dma_start3A_117 = arith.constant 0 : i32
      %dma_start3A_118 = tpu.memref_slice %arg17[%add3A_31, %dma_start3A_117] : memref<10240x128xf32, #tpu.memory_space<vmem_shared>> -> memref<80x128xf32, #tpu.memory_space<vmem_shared>>
      tpu.enqueue_dma source(%arg16 : memref<80x128xf32, #tpu.memory_space<vmem>>) target(%dma_start3A_118 : memref<80x128xf32, #tpu.memory_space<vmem_shared>>) target_semaphore(%run_scoped3A : memref<!tpu.dma_semaphore, #tpu.memory_space<semaphore_mem>>)
      %dma_wait3A = arith.constant 0 : i32
      %dma_wait3A_119 = tpu.memref_slice %arg17[%add3A_31, %dma_wait3A] : memref<10240x128xf32, #tpu.memory_space<vmem_shared>> -> memref<80x128xf32, #tpu.memory_space<vmem_shared>>
      %dma_wait3A_120 = arith.constant 0 : i32
      %dma_wait3A_121 = tpu.memref_slice %arg17[%add3A_31, %dma_wait3A_120] : memref<10240x128xf32, #tpu.memory_space<vmem_shared>> -> memref<80x128xf32, #tpu.memory_space<vmem_shared>>
      tpu.wait_dma2 semaphore(%run_scoped3A : memref<!tpu.dma_semaphore, #tpu.memory_space<semaphore_mem>>) src(%arg16 : memref<80x128xf32, #tpu.memory_space<vmem>>) dst(%dma_wait3A_121 : memref<80x128xf32, #tpu.memory_space<vmem_shared>>)
      tpu.yield
    }) : () -> ()
    %mul3A_32 = arith.constant 640 : i32
    %mul3A_33 = arith.muli %arg1, %mul3A_32 : i32
    %add3A_34 = arith.constant 560 : i32
    %add3A_35 = arith.addi %mul3A_33, %add3A_34 : i32
    "tpu.region"() ({
      %run_scoped3A = tpu.sem_alloc : memref<!tpu.dma_semaphore, #tpu.memory_space<semaphore_mem>>
      %dma_start3A = arith.constant 0 : i32
      %dma_start3A_116 = tpu.memref_slice %arg17[%add3A_35, %dma_start3A] : memref<10240x128xf32, #tpu.memory_space<vmem_shared>> -> memref<80x128xf32, #tpu.memory_space<vmem_shared>>
      %dma_start3A_117 = arith.constant 0 : i32
      %dma_start3A_118 = tpu.memref_slice %arg17[%add3A_35, %dma_start3A_117] : memref<10240x128xf32, #tpu.memory_space<vmem_shared>> -> memref<80x128xf32, #tpu.memory_space<vmem_shared>>
      tpu.enqueue_dma source(%arg16 : memref<80x128xf32, #tpu.memory_space<vmem>>) target(%dma_start3A_118 : memref<80x128xf32, #tpu.memory_space<vmem_shared>>) target_semaphore(%run_scoped3A : memref<!tpu.dma_semaphore, #tpu.memory_space<semaphore_mem>>)
      %dma_wait3A = arith.constant 0 : i32
      %dma_wait3A_119 = tpu.memref_slice %arg17[%add3A_35, %dma_wait3A] : memref<10240x128xf32, #tpu.memory_space<vmem_shared>> -> memref<80x128xf32, #tpu.memory_space<vmem_shared>>
      %dma_wait3A_120 = arith.constant 0 : i32
      %dma_wait3A_121 = tpu.memref_slice %arg17[%add3A_35, %dma_wait3A_120] : memref<10240x128xf32, #tpu.memory_space<vmem_shared>> -> memref<80x128xf32, #tpu.memory_space<vmem_shared>>
      tpu.wait_dma2 semaphore(%run_scoped3A : memref<!tpu.dma_semaphore, #tpu.memory_space<semaphore_mem>>) src(%arg16 : memref<80x128xf32, #tpu.memory_space<vmem>>) dst(%dma_wait3A_121 : memref<80x128xf32, #tpu.memory_space<vmem_shared>>)
      tpu.yield
    }) : () -> ()
    %barrier3A = arith.constant 0 : index
    tpu.barrier barrier_id(%barrier3A)
    %eq3A = arith.constant 0 : i32
    %eq3A_36 = arith.cmpi eq, %arg0, %eq3A : i32
    %convert_element_type3A = arith.extui %eq3A_36 : i1 to i32
    %cond3A = arith.constant 0 : i32
    %cond3A_37 = arith.cmpi ne, %convert_element_type3A, %cond3A : i32
    scf.if %cond3A_37 {
      %scan3A_116 = arith.constant 0 : i32
      %scan3A_117 = arith.constant 0 : i32
      %scan3A_118 = arith.constant 125 : i32
      %scan3A_119 = arith.addi %scan3A_117, %scan3A_118 : i32
      %scan3A_120 = arith.constant 1 : i32
      scf.for %scan3A_122 = %scan3A_117 to %scan3A_119 step %scan3A_120  : i32 {
        %mul3A_123 = arith.constant 125 : i32
        %mul3A_124 = arith.muli %arg1, %mul3A_123 : i32
        %add3A_125 = arith.addi %mul3A_124, %scan3A_122 : i32
        %mul3A_126 = arith.constant 80 : i32
        %mul3A_127 = arith.muli %add3A_125, %mul3A_126 : i32
        %mul3A_128 = arith.constant 16 : i32
        %mul3A_129 = arith.muli %mul3A_127, %mul3A_128 : i32
        "tpu.region"() ({
          %run_scoped3A = tpu.sem_alloc : memref<!tpu.dma_semaphore, #tpu.memory_space<semaphore_mem>>
          %dma_start3A_146 = tpu.memref_slice %arg8[%mul3A_129] : memref<2560000xf32, #tpu.memory_space<hbm>> -> memref<1280xf32, #tpu.memory_space<hbm>>
          %dma_start3A_147 = tpu.memref_slice %arg8[%mul3A_129] : memref<2560000xf32, #tpu.memory_space<hbm>> -> memref<1280xf32, #tpu.memory_space<hbm>>
          tpu.enqueue_dma source(%dma_start3A_147 : memref<1280xf32, #tpu.memory_space<hbm>>) target(%arg15 : memref<1280xf32, #tpu.memory_space<vmem>>) target_semaphore(%run_scoped3A : memref<!tpu.dma_semaphore, #tpu.memory_space<semaphore_mem>>)
          %dma_wait3A_148 = tpu.memref_slice %arg8[%mul3A_129] : memref<2560000xf32, #tpu.memory_space<hbm>> -> memref<1280xf32, #tpu.memory_space<hbm>>
          %dma_wait3A_149 = tpu.memref_slice %arg8[%mul3A_129] : memref<2560000xf32, #tpu.memory_space<hbm>> -> memref<1280xf32, #tpu.memory_space<hbm>>
          tpu.wait_dma2 semaphore(%run_scoped3A : memref<!tpu.dma_semaphore, #tpu.memory_space<semaphore_mem>>) src(%dma_wait3A_149 : memref<1280xf32, #tpu.memory_space<hbm>>) dst(%arg15 : memref<1280xf32, #tpu.memory_space<vmem>>)
          tpu.yield
        }) : () -> ()
        %dma_start3A = arith.constant 0 : i32
        %dma_start3A_130 = tpu.memref_slice %arg13[%scan3A_122, %dma_start3A] : memref<125x80xi32, #tpu.memory_space<vmem>> -> memref<1x80xi32, #tpu.memory_space<vmem>>
        %dma_start3A_131 = tpu.memref_squeeze %dma_start3A_130 : memref<1x80xi32, #tpu.memory_space<vmem>> -> memref<80xi32, #tpu.memory_space<vmem>>
        %dma_start3A_132 = arith.constant 0 : i32
        %dma_start3A_133 = arith.constant 0 : i32
        %dma_start3A_134 = tpu.memref_slice %arg2[%dma_start3A_132, %dma_start3A_133] : memref<10000x128xf32, #tpu.memory_space<hbm>> -> memref<10000x128xf32, #tpu.memory_space<hbm>>
        tpu.enqueue_indirect_dma source(%dma_start3A_134 : memref<10000x128xf32, #tpu.memory_space<hbm>>) target(%arg16 : memref<80x128xf32, #tpu.memory_space<vmem>>) offsets(%dma_start3A_131 : memref<80xi32, #tpu.memory_space<vmem>>) semaphore(%arg18 : memref<!tpu.dma_semaphore, #tpu.memory_space<semaphore_mem>>)
        %dma_wait3A = arith.constant 0 : i32
        %dma_wait3A_135 = tpu.memref_slice %arg13[%scan3A_122, %dma_wait3A] : memref<125x80xi32, #tpu.memory_space<vmem>> -> memref<1x80xi32, #tpu.memory_space<vmem>>
        %dma_wait3A_136 = tpu.memref_squeeze %dma_wait3A_135 : memref<1x80xi32, #tpu.memory_space<vmem>> -> memref<80xi32, #tpu.memory_space<vmem>>
        %dma_wait3A_137 = arith.constant 0 : i32
        %dma_wait3A_138 = arith.constant 0 : i32
        %dma_wait3A_139 = tpu.memref_slice %arg2[%dma_wait3A_137, %dma_wait3A_138] : memref<10000x128xf32, #tpu.memory_space<hbm>> -> memref<10000x128xf32, #tpu.memory_space<hbm>>
        tpu.wait_indirect_dma semaphore(%arg18 : memref<!tpu.dma_semaphore, #tpu.memory_space<semaphore_mem>>) src(%dma_wait3A_139 : memref<10000x128xf32, #tpu.memory_space<hbm>>) dst(%arg16 : memref<80x128xf32, #tpu.memory_space<vmem>>)
        %scan3A_140 = arith.constant 0 : i32
        %scan3A_141 = arith.constant 0 : i32
        %scan3A_142 = arith.constant 80 : i32
        %scan3A_143 = arith.addi %scan3A_141, %scan3A_142 : i32
        %scan3A_144 = arith.constant 1 : i32
        scf.for %scan3A_146 = %scan3A_141 to %scan3A_143 step %scan3A_144  : i32 {
          %mul3A_147 = arith.constant 16 : i32
          %mul3A_148 = arith.muli %scan3A_146, %mul3A_147 : i32
          %get3A = arith.index_cast %mul3A_148 : i32 to index
          %get3A_149 = tpu.vector_load %arg15[%get3A] {strides = array<i32>} : memref<1280xf32, #tpu.memory_space<vmem>>, vector<16xf32>,
          %get3A_150 = vector.shape_cast %get3A_149 : vector<16xf32> to vector<16xf32>
          %get3A_151 = arith.index_cast %scan3A_146 : i32 to index
          %get3A_152 = arith.constant 0 : index
          %get3A_153 = tpu.vector_load %arg16[%get3A_151, %get3A_152] {strides = array<i32>} : memref<80x128xf32, #tpu.memory_space<vmem>>, vector<1x16xf32>,
          %get3A_154 = vector.shape_cast %get3A_153 : vector<1x16xf32> to vector<16xf32>
          %mul3A_155 = arith.mulf %get3A_154, %get3A_150 : vector<16xf32>
          %swap3A = arith.index_cast %scan3A_146 : i32 to index
          %swap3A_156 = arith.constant 0 : index
          %swap3A_157 = tpu.vector_load %arg16[%swap3A, %swap3A_156] {strides = array<i32>} : memref<80x128xf32, #tpu.memory_space<vmem>>, vector<1x16xf32>,
          %swap3A_158 = vector.shape_cast %swap3A_157 : vector<1x16xf32> to vector<16xf32>
          %swap3A_159 = vector.shape_cast %mul3A_155 : vector<16xf32> to vector<1x16xf32>
          tpu.vector_store %arg16[%swap3A, %swap3A_156], %swap3A_159 {strides = array<i32>} : memref<80x128xf32, #tpu.memory_space<vmem>>, vector<1x16xf32>,
          %get3A_160 = arith.index_cast %scan3A_146 : i32 to index
          %get3A_161 = arith.constant 16 : index
          %get3A_162 = tpu.vector_load %arg16[%get3A_160, %get3A_161] {strides = array<i32>} : memref<80x128xf32, #tpu.memory_space<vmem>>, vector<1x16xf32>,
          %get3A_163 = vector.shape_cast %get3A_162 : vector<1x16xf32> to vector<16xf32>
          %mul3A_164 = arith.mulf %get3A_163, %get3A_150 : vector<16xf32>
          %swap3A_165 = arith.index_cast %scan3A_146 : i32 to index
          %swap3A_166 = arith.constant 16 : index
          %swap3A_167 = tpu.vector_load %arg16[%swap3A_165, %swap3A_166] {strides = array<i32>} : memref<80x128xf32, #tpu.memory_space<vmem>>, vector<1x16xf32>,
          %swap3A_168 = vector.shape_cast %swap3A_167 : vector<1x16xf32> to vector<16xf32>
          %swap3A_169 = vector.shape_cast %mul3A_164 : vector<16xf32> to vector<1x16xf32>
          tpu.vector_store %arg16[%swap3A_165, %swap3A_166], %swap3A_169 {strides = array<i32>} : memref<80x128xf32, #tpu.memory_space<vmem>>, vector<1x16xf32>,
          %get3A_170 = arith.index_cast %scan3A_146 : i32 to index
          %get3A_171 = arith.constant 32 : index
          %get3A_172 = tpu.vector_load %arg16[%get3A_170, %get3A_171] {strides = array<i32>} : memref<80x128xf32, #tpu.memory_space<vmem>>, vector<1x16xf32>,
          %get3A_173 = vector.shape_cast %get3A_172 : vector<1x16xf32> to vector<16xf32>
          %mul3A_174 = arith.mulf %get3A_173, %get3A_150 : vector<16xf32>
          %swap3A_175 = arith.index_cast %scan3A_146 : i32 to index
          %swap3A_176 = arith.constant 32 : index
          %swap3A_177 = tpu.vector_load %arg16[%swap3A_175, %swap3A_176] {strides = array<i32>} : memref<80x128xf32, #tpu.memory_space<vmem>>, vector<1x16xf32>,
          %swap3A_178 = vector.shape_cast %swap3A_177 : vector<1x16xf32> to vector<16xf32>
          %swap3A_179 = vector.shape_cast %mul3A_174 : vector<16xf32> to vector<1x16xf32>
          tpu.vector_store %arg16[%swap3A_175, %swap3A_176], %swap3A_179 {strides = array<i32>} : memref<80x128xf32, #tpu.memory_space<vmem>>, vector<1x16xf32>,
          %get3A_180 = arith.index_cast %scan3A_146 : i32 to index
          %get3A_181 = arith.constant 48 : index
          %get3A_182 = tpu.vector_load %arg16[%get3A_180, %get3A_181] {strides = array<i32>} : memref<80x128xf32, #tpu.memory_space<vmem>>, vector<1x16xf32>,
          %get3A_183 = vector.shape_cast %get3A_182 : vector<1x16xf32> to vector<16xf32>
          %mul3A_184 = arith.mulf %get3A_183, %get3A_150 : vector<16xf32>
          %swap3A_185 = arith.index_cast %scan3A_146 : i32 to index
          %swap3A_186 = arith.constant 48 : index
          %swap3A_187 = tpu.vector_load %arg16[%swap3A_185, %swap3A_186] {strides = array<i32>} : memref<80x128xf32, #tpu.memory_space<vmem>>, vector<1x16xf32>,
          %swap3A_188 = vector.shape_cast %swap3A_187 : vector<1x16xf32> to vector<16xf32>
          %swap3A_189 = vector.shape_cast %mul3A_184 : vector<16xf32> to vector<1x16xf32>
          tpu.vector_store %arg16[%swap3A_185, %swap3A_186], %swap3A_189 {strides = array<i32>} : memref<80x128xf32, #tpu.memory_space<vmem>>, vector<1x16xf32>,
          %get3A_190 = arith.index_cast %scan3A_146 : i32 to index
          %get3A_191 = arith.constant 64 : index
          %get3A_192 = tpu.vector_load %arg16[%get3A_190, %get3A_191] {strides = array<i32>} : memref<80x128xf32, #tpu.memory_space<vmem>>, vector<1x16xf32>,
          %get3A_193 = vector.shape_cast %get3A_192 : vector<1x16xf32> to vector<16xf32>
          %mul3A_194 = arith.mulf %get3A_193, %get3A_150 : vector<16xf32>
          %swap3A_195 = arith.index_cast %scan3A_146 : i32 to index
          %swap3A_196 = arith.constant 64 : index
          %swap3A_197 = tpu.vector_load %arg16[%swap3A_195, %swap3A_196] {strides = array<i32>} : memref<80x128xf32, #tpu.memory_space<vmem>>, vector<1x16xf32>,
          %swap3A_198 = vector.shape_cast %swap3A_197 : vector<1x16xf32> to vector<16xf32>
          %swap3A_199 = vector.shape_cast %mul3A_194 : vector<16xf32> to vector<1x16xf32>
          tpu.vector_store %arg16[%swap3A_195, %swap3A_196], %swap3A_199 {strides = array<i32>} : memref<80x128xf32, #tpu.memory_space<vmem>>, vector<1x16xf32>,
          %get3A_200 = arith.index_cast %scan3A_146 : i32 to index
          %get3A_201 = arith.constant 80 : index
          %get3A_202 = tpu.vector_load %arg16[%get3A_200, %get3A_201] {strides = array<i32>} : memref<80x128xf32, #tpu.memory_space<vmem>>, vector<1x16xf32>,
          %get3A_203 = vector.shape_cast %get3A_202 : vector<1x16xf32> to vector<16xf32>
          %mul3A_204 = arith.mulf %get3A_203, %get3A_150 : vector<16xf32>
          %swap3A_205 = arith.index_cast %scan3A_146 : i32 to index
          %swap3A_206 = arith.constant 80 : index
          %swap3A_207 = tpu.vector_load %arg16[%swap3A_205, %swap3A_206] {strides = array<i32>} : memref<80x128xf32, #tpu.memory_space<vmem>>, vector<1x16xf32>,
          %swap3A_208 = vector.shape_cast %swap3A_207 : vector<1x16xf32> to vector<16xf32>
          %swap3A_209 = vector.shape_cast %mul3A_204 : vector<16xf32> to vector<1x16xf32>
          tpu.vector_store %arg16[%swap3A_205, %swap3A_206], %swap3A_209 {strides = array<i32>} : memref<80x128xf32, #tpu.memory_space<vmem>>, vector<1x16xf32>,
          %get3A_210 = arith.index_cast %scan3A_146 : i32 to index
          %get3A_211 = arith.constant 96 : index
          %get3A_212 = tpu.vector_load %arg16[%get3A_210, %get3A_211] {strides = array<i32>} : memref<80x128xf32, #tpu.memory_space<vmem>>, vector<1x16xf32>,
          %get3A_213 = vector.shape_cast %get3A_212 : vector<1x16xf32> to vector<16xf32>
          %mul3A_214 = arith.mulf %get3A_213, %get3A_150 : vector<16xf32>
          %swap3A_215 = arith.index_cast %scan3A_146 : i32 to index
          %swap3A_216 = arith.constant 96 : index
          %swap3A_217 = tpu.vector_load %arg16[%swap3A_215, %swap3A_216] {strides = array<i32>} : memref<80x128xf32, #tpu.memory_space<vmem>>, vector<1x16xf32>,
          %swap3A_218 = vector.shape_cast %swap3A_217 : vector<1x16xf32> to vector<16xf32>
          %swap3A_219 = vector.shape_cast %mul3A_214 : vector<16xf32> to vector<1x16xf32>
          tpu.vector_store %arg16[%swap3A_215, %swap3A_216], %swap3A_219 {strides = array<i32>} : memref<80x128xf32, #tpu.memory_space<vmem>>, vector<1x16xf32>,
          %get3A_220 = arith.index_cast %scan3A_146 : i32 to index
          %get3A_221 = arith.constant 112 : index
          %get3A_222 = tpu.vector_load %arg16[%get3A_220, %get3A_221] {strides = array<i32>} : memref<80x128xf32, #tpu.memory_space<vmem>>, vector<1x16xf32>,
          %get3A_223 = vector.shape_cast %get3A_222 : vector<1x16xf32> to vector<16xf32>
          %mul3A_224 = arith.mulf %get3A_223, %get3A_150 : vector<16xf32>
          %swap3A_225 = arith.index_cast %scan3A_146 : i32 to index
          %swap3A_226 = arith.constant 112 : index
          %swap3A_227 = tpu.vector_load %arg16[%swap3A_225, %swap3A_226] {strides = array<i32>} : memref<80x128xf32, #tpu.memory_space<vmem>>, vector<1x16xf32>,
          %swap3A_228 = vector.shape_cast %swap3A_227 : vector<1x16xf32> to vector<16xf32>
          %swap3A_229 = vector.shape_cast %mul3A_224 : vector<16xf32> to vector<1x16xf32>
          tpu.vector_store %arg16[%swap3A_225, %swap3A_226], %swap3A_229 {strides = array<i32>} : memref<80x128xf32, #tpu.memory_space<vmem>>, vector<1x16xf32>,
        }
        %scan3A_145 = arith.constant 80 : i32
        "tpu.region"() ({
          %run_scoped3A = tpu.sem_alloc : memref<!tpu.dma_semaphore, #tpu.memory_space<semaphore_mem>>
          %dma_start3A_146 = arith.constant 0 : i32
          %dma_start3A_147 = tpu.memref_slice %arg14[%scan3A_122, %dma_start3A_146] : memref<125x80xi32, #tpu.memory_space<vmem>> -> memref<1x80xi32, #tpu.memory_space<vmem>>
          %dma_start3A_148 = tpu.memref_squeeze %dma_start3A_147 : memref<1x80xi32, #tpu.memory_space<vmem>> -> memref<80xi32, #tpu.memory_space<vmem>>
          %dma_start3A_149 = arith.constant 0 : i32
          %dma_start3A_150 = arith.constant 0 : i32
          %dma_start3A_151 = tpu.memref_slice %arg17[%dma_start3A_149, %dma_start3A_150] : memref<10240x128xf32, #tpu.memory_space<vmem_shared>> -> memref<10240x128xf32, #tpu.memory_space<vmem_shared>>
          tpu.enqueue_indirect_dma source(%arg16 : memref<80x128xf32, #tpu.memory_space<vmem>>) target(%dma_start3A_151 : memref<10240x128xf32, #tpu.memory_space<vmem_shared>>) offsets(%dma_start3A_148 : memref<80xi32, #tpu.memory_space<vmem>>) semaphore(%run_scoped3A : memref<!tpu.dma_semaphore, #tpu.memory_space<semaphore_mem>>) {add = true}
          %dma_wait3A_152 = arith.constant 0 : i32
          %dma_wait3A_153 = tpu.memref_slice %arg14[%scan3A_122, %dma_wait3A_152] : memref<125x80xi32, #tpu.memory_space<vmem>> -> memref<1x80xi32, #tpu.memory_space<vmem>>
          %dma_wait3A_154 = tpu.memref_squeeze %dma_wait3A_153 : memref<1x80xi32, #tpu.memory_space<vmem>> -> memref<80xi32, #tpu.memory_space<vmem>>
          %dma_wait3A_155 = arith.constant 0 : i32
          %dma_wait3A_156 = arith.constant 0 : i32
          %dma_wait3A_157 = tpu.memref_slice %arg17[%dma_wait3A_155, %dma_wait3A_156] : memref<10240x128xf32, #tpu.memory_space<vmem_shared>> -> memref<10240x128xf32, #tpu.memory_space<vmem_shared>>
          tpu.wait_indirect_dma semaphore(%run_scoped3A : memref<!tpu.dma_semaphore, #tpu.memory_space<semaphore_mem>>) src(%arg16 : memref<80x128xf32, #tpu.memory_space<vmem>>) dst(%dma_wait3A_157 : memref<10240x128xf32, #tpu.memory_space<vmem_shared>>)
          tpu.yield
        }) : () -> ()
      }
      %scan3A_121 = arith.constant 125 : i32
    } else {
    }
    %eq3A_38 = arith.constant 1 : i32
    %eq3A_39 = arith.cmpi eq, %arg0, %eq3A_38 : i32
    %convert_element_type3A_40 = arith.extui %eq3A_39 : i1 to i32
    %cond3A_41 = arith.constant 0 : i32
    %cond3A_42 = arith.cmpi ne, %convert_element_type3A_40, %cond3A_41 : i32
    scf.if %cond3A_42 {
      %scan3A_116 = arith.constant 0 : i32
      %scan3A_117 = arith.constant 0 : i32
      %scan3A_118 = arith.constant 125 : i32
      %scan3A_119 = arith.addi %scan3A_117, %scan3A_118 : i32
      %scan3A_120 = arith.constant 1 : i32
      scf.for %scan3A_122 = %scan3A_117 to %scan3A_119 step %scan3A_120  : i32 {
        %mul3A_123 = arith.constant 125 : i32
        %mul3A_124 = arith.muli %arg1, %mul3A_123 : i32
        %add3A_125 = arith.addi %mul3A_124, %scan3A_122 : i32
        %mul3A_126 = arith.constant 80 : i32
        %mul3A_127 = arith.muli %add3A_125, %mul3A_126 : i32
        %mul3A_128 = arith.constant 16 : i32
        %mul3A_129 = arith.muli %mul3A_127, %mul3A_128 : i32
        "tpu.region"() ({
          %run_scoped3A = tpu.sem_alloc : memref<!tpu.dma_semaphore, #tpu.memory_space<semaphore_mem>>
          %dma_start3A_146 = tpu.memref_slice %arg8[%mul3A_129] : memref<2560000xf32, #tpu.memory_space<hbm>> -> memref<1280xf32, #tpu.memory_space<hbm>>
          %dma_start3A_147 = tpu.memref_slice %arg8[%mul3A_129] : memref<2560000xf32, #tpu.memory_space<hbm>> -> memref<1280xf32, #tpu.memory_space<hbm>>
          tpu.enqueue_dma source(%dma_start3A_147 : memref<1280xf32, #tpu.memory_space<hbm>>) target(%arg15 : memref<1280xf32, #tpu.memory_space<vmem>>) target_semaphore(%run_scoped3A : memref<!tpu.dma_semaphore, #tpu.memory_space<semaphore_mem>>)
          %dma_wait3A_148 = tpu.memref_slice %arg8[%mul3A_129] : memref<2560000xf32, #tpu.memory_space<hbm>> -> memref<1280xf32, #tpu.memory_space<hbm>>
          %dma_wait3A_149 = tpu.memref_slice %arg8[%mul3A_129] : memref<2560000xf32, #tpu.memory_space<hbm>> -> memref<1280xf32, #tpu.memory_space<hbm>>
          tpu.wait_dma2 semaphore(%run_scoped3A : memref<!tpu.dma_semaphore, #tpu.memory_space<semaphore_mem>>) src(%dma_wait3A_149 : memref<1280xf32, #tpu.memory_space<hbm>>) dst(%arg15 : memref<1280xf32, #tpu.memory_space<vmem>>)
          tpu.yield
        }) : () -> ()
        %dma_start3A = arith.constant 0 : i32
        %dma_start3A_130 = tpu.memref_slice %arg13[%scan3A_122, %dma_start3A] : memref<125x80xi32, #tpu.memory_space<vmem>> -> memref<1x80xi32, #tpu.memory_space<vmem>>
        %dma_start3A_131 = tpu.memref_squeeze %dma_start3A_130 : memref<1x80xi32, #tpu.memory_space<vmem>> -> memref<80xi32, #tpu.memory_space<vmem>>
        %dma_start3A_132 = arith.constant 0 : i32
        %dma_start3A_133 = arith.constant 0 : i32
        %dma_start3A_134 = tpu.memref_slice %arg4[%dma_start3A_132, %dma_start3A_133] : memref<10000x128xf32, #tpu.memory_space<hbm>> -> memref<10000x128xf32, #tpu.memory_space<hbm>>
        tpu.enqueue_indirect_dma source(%dma_start3A_134 : memref<10000x128xf32, #tpu.memory_space<hbm>>) target(%arg16 : memref<80x128xf32, #tpu.memory_space<vmem>>) offsets(%dma_start3A_131 : memref<80xi32, #tpu.memory_space<vmem>>) semaphore(%arg18 : memref<!tpu.dma_semaphore, #tpu.memory_space<semaphore_mem>>)
        %dma_wait3A = arith.constant 0 : i32
        %dma_wait3A_135 = tpu.memref_slice %arg13[%scan3A_122, %dma_wait3A] : memref<125x80xi32, #tpu.memory_space<vmem>> -> memref<1x80xi32, #tpu.memory_space<vmem>>
        %dma_wait3A_136 = tpu.memref_squeeze %dma_wait3A_135 : memref<1x80xi32, #tpu.memory_space<vmem>> -> memref<80xi32, #tpu.memory_space<vmem>>
        %dma_wait3A_137 = arith.constant 0 : i32
        %dma_wait3A_138 = arith.constant 0 : i32
        %dma_wait3A_139 = tpu.memref_slice %arg4[%dma_wait3A_137, %dma_wait3A_138] : memref<10000x128xf32, #tpu.memory_space<hbm>> -> memref<10000x128xf32, #tpu.memory_space<hbm>>
        tpu.wait_indirect_dma semaphore(%arg18 : memref<!tpu.dma_semaphore, #tpu.memory_space<semaphore_mem>>) src(%dma_wait3A_139 : memref<10000x128xf32, #tpu.memory_space<hbm>>) dst(%arg16 : memref<80x128xf32, #tpu.memory_space<vmem>>)
        %scan3A_140 = arith.constant 0 : i32
        %scan3A_141 = arith.constant 0 : i32
        %scan3A_142 = arith.constant 80 : i32
        %scan3A_143 = arith.addi %scan3A_141, %scan3A_142 : i32
        %scan3A_144 = arith.constant 1 : i32
        scf.for %scan3A_146 = %scan3A_141 to %scan3A_143 step %scan3A_144  : i32 {
          %mul3A_147 = arith.constant 16 : i32
          %mul3A_148 = arith.muli %scan3A_146, %mul3A_147 : i32
          %get3A = arith.index_cast %mul3A_148 : i32 to index
          %get3A_149 = tpu.vector_load %arg15[%get3A] {strides = array<i32>} : memref<1280xf32, #tpu.memory_space<vmem>>, vector<16xf32>,
          %get3A_150 = vector.shape_cast %get3A_149 : vector<16xf32> to vector<16xf32>
          %get3A_151 = arith.index_cast %scan3A_146 : i32 to index
          %get3A_152 = arith.constant 0 : index
          %get3A_153 = tpu.vector_load %arg16[%get3A_151, %get3A_152] {strides = array<i32>} : memref<80x128xf32, #tpu.memory_space<vmem>>, vector<1x16xf32>,
          %get3A_154 = vector.shape_cast %get3A_153 : vector<1x16xf32> to vector<16xf32>
          %mul3A_155 = arith.mulf %get3A_154, %get3A_150 : vector<16xf32>
          %swap3A = arith.index_cast %scan3A_146 : i32 to index
          %swap3A_156 = arith.constant 0 : index
          %swap3A_157 = tpu.vector_load %arg16[%swap3A, %swap3A_156] {strides = array<i32>} : memref<80x128xf32, #tpu.memory_space<vmem>>, vector<1x16xf32>,
          %swap3A_158 = vector.shape_cast %swap3A_157 : vector<1x16xf32> to vector<16xf32>
          %swap3A_159 = vector.shape_cast %mul3A_155 : vector<16xf32> to vector<1x16xf32>
          tpu.vector_store %arg16[%swap3A, %swap3A_156], %swap3A_159 {strides = array<i32>} : memref<80x128xf32, #tpu.memory_space<vmem>>, vector<1x16xf32>,
          %get3A_160 = arith.index_cast %scan3A_146 : i32 to index
          %get3A_161 = arith.constant 16 : index
          %get3A_162 = tpu.vector_load %arg16[%get3A_160, %get3A_161] {strides = array<i32>} : memref<80x128xf32, #tpu.memory_space<vmem>>, vector<1x16xf32>,
          %get3A_163 = vector.shape_cast %get3A_162 : vector<1x16xf32> to vector<16xf32>
          %mul3A_164 = arith.mulf %get3A_163, %get3A_150 : vector<16xf32>
          %swap3A_165 = arith.index_cast %scan3A_146 : i32 to index
          %swap3A_166 = arith.constant 16 : index
          %swap3A_167 = tpu.vector_load %arg16[%swap3A_165, %swap3A_166] {strides = array<i32>} : memref<80x128xf32, #tpu.memory_space<vmem>>, vector<1x16xf32>,
          %swap3A_168 = vector.shape_cast %swap3A_167 : vector<1x16xf32> to vector<16xf32>
          %swap3A_169 = vector.shape_cast %mul3A_164 : vector<16xf32> to vector<1x16xf32>
          tpu.vector_store %arg16[%swap3A_165, %swap3A_166], %swap3A_169 {strides = array<i32>} : memref<80x128xf32, #tpu.memory_space<vmem>>, vector<1x16xf32>,
          %get3A_170 = arith.index_cast %scan3A_146 : i32 to index
          %get3A_171 = arith.constant 32 : index
          %get3A_172 = tpu.vector_load %arg16[%get3A_170, %get3A_171] {strides = array<i32>} : memref<80x128xf32, #tpu.memory_space<vmem>>, vector<1x16xf32>,
          %get3A_173 = vector.shape_cast %get3A_172 : vector<1x16xf32> to vector<16xf32>
          %mul3A_174 = arith.mulf %get3A_173, %get3A_150 : vector<16xf32>
          %swap3A_175 = arith.index_cast %scan3A_146 : i32 to index
          %swap3A_176 = arith.constant 32 : index
          %swap3A_177 = tpu.vector_load %arg16[%swap3A_175, %swap3A_176] {strides = array<i32>} : memref<80x128xf32, #tpu.memory_space<vmem>>, vector<1x16xf32>,
          %swap3A_178 = vector.shape_cast %swap3A_177 : vector<1x16xf32> to vector<16xf32>
          %swap3A_179 = vector.shape_cast %mul3A_174 : vector<16xf32> to vector<1x16xf32>
          tpu.vector_store %arg16[%swap3A_175, %swap3A_176], %swap3A_179 {strides = array<i32>} : memref<80x128xf32, #tpu.memory_space<vmem>>, vector<1x16xf32>,
          %get3A_180 = arith.index_cast %scan3A_146 : i32 to index
          %get3A_181 = arith.constant 48 : index
          %get3A_182 = tpu.vector_load %arg16[%get3A_180, %get3A_181] {strides = array<i32>} : memref<80x128xf32, #tpu.memory_space<vmem>>, vector<1x16xf32>,
          %get3A_183 = vector.shape_cast %get3A_182 : vector<1x16xf32> to vector<16xf32>
          %mul3A_184 = arith.mulf %get3A_183, %get3A_150 : vector<16xf32>
          %swap3A_185 = arith.index_cast %scan3A_146 : i32 to index
          %swap3A_186 = arith.constant 48 : index
          %swap3A_187 = tpu.vector_load %arg16[%swap3A_185, %swap3A_186] {strides = array<i32>} : memref<80x128xf32, #tpu.memory_space<vmem>>, vector<1x16xf32>,
          %swap3A_188 = vector.shape_cast %swap3A_187 : vector<1x16xf32> to vector<16xf32>
          %swap3A_189 = vector.shape_cast %mul3A_184 : vector<16xf32> to vector<1x16xf32>
          tpu.vector_store %arg16[%swap3A_185, %swap3A_186], %swap3A_189 {strides = array<i32>} : memref<80x128xf32, #tpu.memory_space<vmem>>, vector<1x16xf32>,
          %get3A_190 = arith.index_cast %scan3A_146 : i32 to index
          %get3A_191 = arith.constant 64 : index
          %get3A_192 = tpu.vector_load %arg16[%get3A_190, %get3A_191] {strides = array<i32>} : memref<80x128xf32, #tpu.memory_space<vmem>>, vector<1x16xf32>,
          %get3A_193 = vector.shape_cast %get3A_192 : vector<1x16xf32> to vector<16xf32>
          %mul3A_194 = arith.mulf %get3A_193, %get3A_150 : vector<16xf32>
          %swap3A_195 = arith.index_cast %scan3A_146 : i32 to index
          %swap3A_196 = arith.constant 64 : index
          %swap3A_197 = tpu.vector_load %arg16[%swap3A_195, %swap3A_196] {strides = array<i32>} : memref<80x128xf32, #tpu.memory_space<vmem>>, vector<1x16xf32>,
          %swap3A_198 = vector.shape_cast %swap3A_197 : vector<1x16xf32> to vector<16xf32>
          %swap3A_199 = vector.shape_cast %mul3A_194 : vector<16xf32> to vector<1x16xf32>
          tpu.vector_store %arg16[%swap3A_195, %swap3A_196], %swap3A_199 {strides = array<i32>} : memref<80x128xf32, #tpu.memory_space<vmem>>, vector<1x16xf32>,
          %get3A_200 = arith.index_cast %scan3A_146 : i32 to index
          %get3A_201 = arith.constant 80 : index
          %get3A_202 = tpu.vector_load %arg16[%get3A_200, %get3A_201] {strides = array<i32>} : memref<80x128xf32, #tpu.memory_space<vmem>>, vector<1x16xf32>,
          %get3A_203 = vector.shape_cast %get3A_202 : vector<1x16xf32> to vector<16xf32>
          %mul3A_204 = arith.mulf %get3A_203, %get3A_150 : vector<16xf32>
          %swap3A_205 = arith.index_cast %scan3A_146 : i32 to index
          %swap3A_206 = arith.constant 80 : index
          %swap3A_207 = tpu.vector_load %arg16[%swap3A_205, %swap3A_206] {strides = array<i32>} : memref<80x128xf32, #tpu.memory_space<vmem>>, vector<1x16xf32>,
          %swap3A_208 = vector.shape_cast %swap3A_207 : vector<1x16xf32> to vector<16xf32>
          %swap3A_209 = vector.shape_cast %mul3A_204 : vector<16xf32> to vector<1x16xf32>
          tpu.vector_store %arg16[%swap3A_205, %swap3A_206], %swap3A_209 {strides = array<i32>} : memref<80x128xf32, #tpu.memory_space<vmem>>, vector<1x16xf32>,
          %get3A_210 = arith.index_cast %scan3A_146 : i32 to index
          %get3A_211 = arith.constant 96 : index
          %get3A_212 = tpu.vector_load %arg16[%get3A_210, %get3A_211] {strides = array<i32>} : memref<80x128xf32, #tpu.memory_space<vmem>>, vector<1x16xf32>,
          %get3A_213 = vector.shape_cast %get3A_212 : vector<1x16xf32> to vector<16xf32>
          %mul3A_214 = arith.mulf %get3A_213, %get3A_150 : vector<16xf32>
          %swap3A_215 = arith.index_cast %scan3A_146 : i32 to index
          %swap3A_216 = arith.constant 96 : index
          %swap3A_217 = tpu.vector_load %arg16[%swap3A_215, %swap3A_216] {strides = array<i32>} : memref<80x128xf32, #tpu.memory_space<vmem>>, vector<1x16xf32>,
          %swap3A_218 = vector.shape_cast %swap3A_217 : vector<1x16xf32> to vector<16xf32>
          %swap3A_219 = vector.shape_cast %mul3A_214 : vector<16xf32> to vector<1x16xf32>
          tpu.vector_store %arg16[%swap3A_215, %swap3A_216], %swap3A_219 {strides = array<i32>} : memref<80x128xf32, #tpu.memory_space<vmem>>, vector<1x16xf32>,
          %get3A_220 = arith.index_cast %scan3A_146 : i32 to index
          %get3A_221 = arith.constant 112 : index
          %get3A_222 = tpu.vector_load %arg16[%get3A_220, %get3A_221] {strides = array<i32>} : memref<80x128xf32, #tpu.memory_space<vmem>>, vector<1x16xf32>,
          %get3A_223 = vector.shape_cast %get3A_222 : vector<1x16xf32> to vector<16xf32>
          %mul3A_224 = arith.mulf %get3A_223, %get3A_150 : vector<16xf32>
          %swap3A_225 = arith.index_cast %scan3A_146 : i32 to index
          %swap3A_226 = arith.constant 112 : index
          %swap3A_227 = tpu.vector_load %arg16[%swap3A_225, %swap3A_226] {strides = array<i32>} : memref<80x128xf32, #tpu.memory_space<vmem>>, vector<1x16xf32>,
          %swap3A_228 = vector.shape_cast %swap3A_227 : vector<1x16xf32> to vector<16xf32>
          %swap3A_229 = vector.shape_cast %mul3A_224 : vector<16xf32> to vector<1x16xf32>
          tpu.vector_store %arg16[%swap3A_225, %swap3A_226], %swap3A_229 {strides = array<i32>} : memref<80x128xf32, #tpu.memory_space<vmem>>, vector<1x16xf32>,
        }
        %scan3A_145 = arith.constant 80 : i32
        "tpu.region"() ({
          %run_scoped3A = tpu.sem_alloc : memref<!tpu.dma_semaphore, #tpu.memory_space<semaphore_mem>>
          %dma_start3A_146 = arith.constant 0 : i32
          %dma_start3A_147 = tpu.memref_slice %arg14[%scan3A_122, %dma_start3A_146] : memref<125x80xi32, #tpu.memory_space<vmem>> -> memref<1x80xi32, #tpu.memory_space<vmem>>
          %dma_start3A_148 = tpu.memref_squeeze %dma_start3A_147 : memref<1x80xi32, #tpu.memory_space<vmem>> -> memref<80xi32, #tpu.memory_space<vmem>>
          %dma_start3A_149 = arith.constant 0 : i32
          %dma_start3A_150 = arith.constant 0 : i32
          %dma_start3A_151 = tpu.memref_slice %arg17[%dma_start3A_149, %dma_start3A_150] : memref<10240x128xf32, #tpu.memory_space<vmem_shared>> -> memref<10240x128xf32, #tpu.memory_space<vmem_shared>>
          tpu.enqueue_indirect_dma source(%arg16 : memref<80x128xf32, #tpu.memory_space<vmem>>) target(%dma_start3A_151 : memref<10240x128xf32, #tpu.memory_space<vmem_shared>>) offsets(%dma_start3A_148 : memref<80xi32, #tpu.memory_space<vmem>>) semaphore(%run_scoped3A : memref<!tpu.dma_semaphore, #tpu.memory_space<semaphore_mem>>) {add = true}
          %dma_wait3A_152 = arith.constant 0 : i32
          %dma_wait3A_153 = tpu.memref_slice %arg14[%scan3A_122, %dma_wait3A_152] : memref<125x80xi32, #tpu.memory_space<vmem>> -> memref<1x80xi32, #tpu.memory_space<vmem>>
          %dma_wait3A_154 = tpu.memref_squeeze %dma_wait3A_153 : memref<1x80xi32, #tpu.memory_space<vmem>> -> memref<80xi32, #tpu.memory_space<vmem>>
          %dma_wait3A_155 = arith.constant 0 : i32
          %dma_wait3A_156 = arith.constant 0 : i32
          %dma_wait3A_157 = tpu.memref_slice %arg17[%dma_wait3A_155, %dma_wait3A_156] : memref<10240x128xf32, #tpu.memory_space<vmem_shared>> -> memref<10240x128xf32, #tpu.memory_space<vmem_shared>>
          tpu.wait_indirect_dma semaphore(%run_scoped3A : memref<!tpu.dma_semaphore, #tpu.memory_space<semaphore_mem>>) src(%arg16 : memref<80x128xf32, #tpu.memory_space<vmem>>) dst(%dma_wait3A_157 : memref<10240x128xf32, #tpu.memory_space<vmem_shared>>)
          tpu.yield
        }) : () -> ()
      }
      %scan3A_121 = arith.constant 125 : i32
    } else {
    }
    %barrier3A_43 = arith.constant 0 : index
    tpu.barrier barrier_id(%barrier3A_43)
    %eq3A_44 = arith.constant 0 : i32
    %eq3A_45 = arith.cmpi eq, %arg0, %eq3A_44 : i32
    %convert_element_type3A_46 = arith.extui %eq3A_45 : i1 to i32
    %cond3A_47 = arith.constant 0 : i32
    %cond3A_48 = arith.cmpi ne, %convert_element_type3A_46, %cond3A_47 : i32
    scf.if %cond3A_48 {
      %mul3A_116 = arith.constant 640 : i32
      %mul3A_117 = arith.muli %arg1, %mul3A_116 : i32
      "tpu.region"() ({
        %run_scoped3A = tpu.sem_alloc : memref<!tpu.dma_semaphore, #tpu.memory_space<semaphore_mem>>
        %dma_start3A = arith.constant 0 : i32
        %dma_start3A_118 = tpu.memref_slice %arg9[%mul3A_117, %dma_start3A] : memref<10240x128xf32, #tpu.memory_space<hbm>> -> memref<640x128xf32, #tpu.memory_space<hbm>>
        %dma_start3A_119 = arith.constant 0 : i32
        %dma_start3A_120 = tpu.memref_slice %arg17[%mul3A_117, %dma_start3A_119] : memref<10240x128xf32, #tpu.memory_space<vmem_shared>> -> memref<640x128xf32, #tpu.memory_space<vmem_shared>>
        tpu.enqueue_dma source(%dma_start3A_120 : memref<640x128xf32, #tpu.memory_space<vmem_shared>>) target(%dma_start3A_118 : memref<640x128xf32, #tpu.memory_space<hbm>>) target_semaphore(%run_scoped3A : memref<!tpu.dma_semaphore, #tpu.memory_space<semaphore_mem>>)
        %dma_wait3A = arith.constant 0 : i32
        %dma_wait3A_121 = tpu.memref_slice %arg9[%mul3A_117, %dma_wait3A] : memref<10240x128xf32, #tpu.memory_space<hbm>> -> memref<640x128xf32, #tpu.memory_space<hbm>>
        %dma_wait3A_122 = arith.constant 0 : i32
        %dma_wait3A_123 = tpu.memref_slice %arg17[%mul3A_117, %dma_wait3A_122] : memref<10240x128xf32, #tpu.memory_space<vmem_shared>> -> memref<640x128xf32, #tpu.memory_space<vmem_shared>>
        tpu.wait_dma2 semaphore(%run_scoped3A : memref<!tpu.dma_semaphore, #tpu.memory_space<semaphore_mem>>) src(%dma_wait3A_123 : memref<640x128xf32, #tpu.memory_space<vmem_shared>>) dst(%dma_wait3A_121 : memref<640x128xf32, #tpu.memory_space<hbm>>)
        tpu.yield
      }) : () -> ()
    } else {
    }
    %eq3A_49 = arith.constant 1 : i32
    %eq3A_50 = arith.cmpi eq, %arg0, %eq3A_49 : i32
    %convert_element_type3A_51 = arith.extui %eq3A_50 : i1 to i32
    %cond3A_52 = arith.constant 0 : i32
    %cond3A_53 = arith.cmpi ne, %convert_element_type3A_51, %cond3A_52 : i32
    scf.if %cond3A_53 {
      %mul3A_116 = arith.constant 640 : i32
      %mul3A_117 = arith.muli %arg1, %mul3A_116 : i32
      "tpu.region"() ({
        %run_scoped3A = tpu.sem_alloc : memref<!tpu.dma_semaphore, #tpu.memory_space<semaphore_mem>>
        %dma_start3A = arith.constant 0 : i32
        %dma_start3A_118 = tpu.memref_slice %arg11[%mul3A_117, %dma_start3A] : memref<10240x128xf32, #tpu.memory_space<hbm>> -> memref<640x128xf32, #tpu.memory_space<hbm>>
        %dma_start3A_119 = arith.constant 0 : i32
        %dma_start3A_120 = tpu.memref_slice %arg17[%mul3A_117, %dma_start3A_119] : memref<10240x128xf32, #tpu.memory_space<vmem_shared>> -> memref<640x128xf32, #tpu.memory_space<vmem_shared>>
        tpu.enqueue_dma source(%dma_start3A_120 : memref<640x128xf32, #tpu.memory_space<vmem_shared>>) target(%dma_start3A_118 : memref<640x128xf32, #tpu.memory_space<hbm>>) target_semaphore(%run_scoped3A : memref<!tpu.dma_semaphore, #tpu.memory_space<semaphore_mem>>)
        %dma_wait3A = arith.constant 0 : i32
        %dma_wait3A_121 = tpu.memref_slice %arg11[%mul3A_117, %dma_wait3A] : memref<10240x128xf32, #tpu.memory_space<hbm>> -> memref<640x128xf32, #tpu.memory_space<hbm>>
        %dma_wait3A_122 = arith.constant 0 : i32
        %dma_wait3A_123 = tpu.memref_slice %arg17[%mul3A_117, %dma_wait3A_122] : memref<10240x128xf32, #tpu.memory_space<vmem_shared>> -> memref<640x128xf32, #tpu.memory_space<vmem_shared>>
        tpu.wait_dma2 semaphore(%run_scoped3A : memref<!tpu.dma_semaphore, #tpu.memory_space<semaphore_mem>>) src(%dma_wait3A_123 : memref<640x128xf32, #tpu.memory_space<vmem_shared>>) dst(%dma_wait3A_121 : memref<640x128xf32, #tpu.memory_space<hbm>>)
        tpu.yield
      }) : () -> ()
    } else {
    }
    %barrier3A_54 = arith.constant 0 : index
    tpu.barrier barrier_id(%barrier3A_54)
    %scan3A_55 = arith.constant 0 : i32
    %scan3A_56 = arith.constant 0 : i32
    %scan3A_57 = arith.constant 80 : i32
    %scan3A_58 = arith.addi %scan3A_56, %scan3A_57 : i32
    %scan3A_59 = arith.constant 1 : i32
    scf.for %scan3A_116 = %scan3A_56 to %scan3A_58 step %scan3A_59  : i32 {
      %swap3A = arith.index_cast %scan3A_116 : i32 to index
      %swap3A_117 = arith.constant 0 : index
      %swap3A_118 = tpu.vector_load %arg16[%swap3A, %swap3A_117] {strides = array<i32>} : memref<80x128xf32, #tpu.memory_space<vmem>>, vector<1x16xf32>,
      %swap3A_119 = vector.shape_cast %swap3A_118 : vector<1x16xf32> to vector<16xf32>
      %swap3A_120 = vector.shape_cast %broadcast_in_dim3A_0 : vector<16xf32> to vector<1x16xf32>
      tpu.vector_store %arg16[%swap3A, %swap3A_117], %swap3A_120 {strides = array<i32>} : memref<80x128xf32, #tpu.memory_space<vmem>>, vector<1x16xf32>,
      %swap3A_121 = arith.index_cast %scan3A_116 : i32 to index
      %swap3A_122 = arith.constant 16 : index
      %swap3A_123 = tpu.vector_load %arg16[%swap3A_121, %swap3A_122] {strides = array<i32>} : memref<80x128xf32, #tpu.memory_space<vmem>>, vector<1x16xf32>,
      %swap3A_124 = vector.shape_cast %swap3A_123 : vector<1x16xf32> to vector<16xf32>
      %swap3A_125 = vector.shape_cast %broadcast_in_dim3A_0 : vector<16xf32> to vector<1x16xf32>
      tpu.vector_store %arg16[%swap3A_121, %swap3A_122], %swap3A_125 {strides = array<i32>} : memref<80x128xf32, #tpu.memory_space<vmem>>, vector<1x16xf32>,
      %swap3A_126 = arith.index_cast %scan3A_116 : i32 to index
      %swap3A_127 = arith.constant 32 : index
      %swap3A_128 = tpu.vector_load %arg16[%swap3A_126, %swap3A_127] {strides = array<i32>} : memref<80x128xf32, #tpu.memory_space<vmem>>, vector<1x16xf32>,
      %swap3A_129 = vector.shape_cast %swap3A_128 : vector<1x16xf32> to vector<16xf32>
      %swap3A_130 = vector.shape_cast %broadcast_in_dim3A_0 : vector<16xf32> to vector<1x16xf32>
      tpu.vector_store %arg16[%swap3A_126, %swap3A_127], %swap3A_130 {strides = array<i32>} : memref<80x128xf32, #tpu.memory_space<vmem>>, vector<1x16xf32>,
      %swap3A_131 = arith.index_cast %scan3A_116 : i32 to index
      %swap3A_132 = arith.constant 48 : index
      %swap3A_133 = tpu.vector_load %arg16[%swap3A_131, %swap3A_132] {strides = array<i32>} : memref<80x128xf32, #tpu.memory_space<vmem>>, vector<1x16xf32>,
      %swap3A_134 = vector.shape_cast %swap3A_133 : vector<1x16xf32> to vector<16xf32>
      %swap3A_135 = vector.shape_cast %broadcast_in_dim3A_0 : vector<16xf32> to vector<1x16xf32>
      tpu.vector_store %arg16[%swap3A_131, %swap3A_132], %swap3A_135 {strides = array<i32>} : memref<80x128xf32, #tpu.memory_space<vmem>>, vector<1x16xf32>,
      %swap3A_136 = arith.index_cast %scan3A_116 : i32 to index
      %swap3A_137 = arith.constant 64 : index
      %swap3A_138 = tpu.vector_load %arg16[%swap3A_136, %swap3A_137] {strides = array<i32>} : memref<80x128xf32, #tpu.memory_space<vmem>>, vector<1x16xf32>,
      %swap3A_139 = vector.shape_cast %swap3A_138 : vector<1x16xf32> to vector<16xf32>
      %swap3A_140 = vector.shape_cast %broadcast_in_dim3A_0 : vector<16xf32> to vector<1x16xf32>
      tpu.vector_store %arg16[%swap3A_136, %swap3A_137], %swap3A_140 {strides = array<i32>} : memref<80x128xf32, #tpu.memory_space<vmem>>, vector<1x16xf32>,
      %swap3A_141 = arith.index_cast %scan3A_116 : i32 to index
      %swap3A_142 = arith.constant 80 : index
      %swap3A_143 = tpu.vector_load %arg16[%swap3A_141, %swap3A_142] {strides = array<i32>} : memref<80x128xf32, #tpu.memory_space<vmem>>, vector<1x16xf32>,
      %swap3A_144 = vector.shape_cast %swap3A_143 : vector<1x16xf32> to vector<16xf32>
      %swap3A_145 = vector.shape_cast %broadcast_in_dim3A_0 : vector<16xf32> to vector<1x16xf32>
      tpu.vector_store %arg16[%swap3A_141, %swap3A_142], %swap3A_145 {strides = array<i32>} : memref<80x128xf32, #tpu.memory_space<vmem>>, vector<1x16xf32>,
      %swap3A_146 = arith.index_cast %scan3A_116 : i32 to index
      %swap3A_147 = arith.constant 96 : index
      %swap3A_148 = tpu.vector_load %arg16[%swap3A_146, %swap3A_147] {strides = array<i32>} : memref<80x128xf32, #tpu.memory_space<vmem>>, vector<1x16xf32>,
      %swap3A_149 = vector.shape_cast %swap3A_148 : vector<1x16xf32> to vector<16xf32>
      %swap3A_150 = vector.shape_cast %broadcast_in_dim3A_0 : vector<16xf32> to vector<1x16xf32>
      tpu.vector_store %arg16[%swap3A_146, %swap3A_147], %swap3A_150 {strides = array<i32>} : memref<80x128xf32, #tpu.memory_space<vmem>>, vector<1x16xf32>,
      %swap3A_151 = arith.index_cast %scan3A_116 : i32 to index
      %swap3A_152 = arith.constant 112 : index
      %swap3A_153 = tpu.vector_load %arg16[%swap3A_151, %swap3A_152] {strides = array<i32>} : memref<80x128xf32, #tpu.memory_space<vmem>>, vector<1x16xf32>,
      %swap3A_154 = vector.shape_cast %swap3A_153 : vector<1x16xf32> to vector<16xf32>
      %swap3A_155 = vector.shape_cast %broadcast_in_dim3A_0 : vector<16xf32> to vector<1x16xf32>
      tpu.vector_store %arg16[%swap3A_151, %swap3A_152], %swap3A_155 {strides = array<i32>} : memref<80x128xf32, #tpu.memory_space<vmem>>, vector<1x16xf32>,
    }
    %scan3A_60 = arith.constant 80 : i32
    %mul3A_61 = arith.constant 640 : i32
    %mul3A_62 = arith.muli %arg1, %mul3A_61 : i32
    %add3A_63 = arith.constant 0 : i32
    %add3A_64 = arith.addi %mul3A_62, %add3A_63 : i32
    "tpu.region"() ({
      %run_scoped3A = tpu.sem_alloc : memref<!tpu.dma_semaphore, #tpu.memory_space<semaphore_mem>>
      %dma_start3A = arith.constant 0 : i32
      %dma_start3A_116 = tpu.memref_slice %arg17[%add3A_64, %dma_start3A] : memref<10240x128xf32, #tpu.memory_space<vmem_shared>> -> memref<80x128xf32, #tpu.memory_space<vmem_shared>>
      %dma_start3A_117 = arith.constant 0 : i32
      %dma_start3A_118 = tpu.memref_slice %arg17[%add3A_64, %dma_start3A_117] : memref<10240x128xf32, #tpu.memory_space<vmem_shared>> -> memref<80x128xf32, #tpu.memory_space<vmem_shared>>
      tpu.enqueue_dma source(%arg16 : memref<80x128xf32, #tpu.memory_space<vmem>>) target(%dma_start3A_118 : memref<80x128xf32, #tpu.memory_space<vmem_shared>>) target_semaphore(%run_scoped3A : memref<!tpu.dma_semaphore, #tpu.memory_space<semaphore_mem>>)
      %dma_wait3A = arith.constant 0 : i32
      %dma_wait3A_119 = tpu.memref_slice %arg17[%add3A_64, %dma_wait3A] : memref<10240x128xf32, #tpu.memory_space<vmem_shared>> -> memref<80x128xf32, #tpu.memory_space<vmem_shared>>
      %dma_wait3A_120 = arith.constant 0 : i32
      %dma_wait3A_121 = tpu.memref_slice %arg17[%add3A_64, %dma_wait3A_120] : memref<10240x128xf32, #tpu.memory_space<vmem_shared>> -> memref<80x128xf32, #tpu.memory_space<vmem_shared>>
      tpu.wait_dma2 semaphore(%run_scoped3A : memref<!tpu.dma_semaphore, #tpu.memory_space<semaphore_mem>>) src(%arg16 : memref<80x128xf32, #tpu.memory_space<vmem>>) dst(%dma_wait3A_121 : memref<80x128xf32, #tpu.memory_space<vmem_shared>>)
      tpu.yield
    }) : () -> ()
    %mul3A_65 = arith.constant 640 : i32
    %mul3A_66 = arith.muli %arg1, %mul3A_65 : i32
    %add3A_67 = arith.constant 80 : i32
    %add3A_68 = arith.addi %mul3A_66, %add3A_67 : i32
    "tpu.region"() ({
      %run_scoped3A = tpu.sem_alloc : memref<!tpu.dma_semaphore, #tpu.memory_space<semaphore_mem>>
      %dma_start3A = arith.constant 0 : i32
      %dma_start3A_116 = tpu.memref_slice %arg17[%add3A_68, %dma_start3A] : memref<10240x128xf32, #tpu.memory_space<vmem_shared>> -> memref<80x128xf32, #tpu.memory_space<vmem_shared>>
      %dma_start3A_117 = arith.constant 0 : i32
      %dma_start3A_118 = tpu.memref_slice %arg17[%add3A_68, %dma_start3A_117] : memref<10240x128xf32, #tpu.memory_space<vmem_shared>> -> memref<80x128xf32, #tpu.memory_space<vmem_shared>>
      tpu.enqueue_dma source(%arg16 : memref<80x128xf32, #tpu.memory_space<vmem>>) target(%dma_start3A_118 : memref<80x128xf32, #tpu.memory_space<vmem_shared>>) target_semaphore(%run_scoped3A : memref<!tpu.dma_semaphore, #tpu.memory_space<semaphore_mem>>)
      %dma_wait3A = arith.constant 0 : i32
      %dma_wait3A_119 = tpu.memref_slice %arg17[%add3A_68, %dma_wait3A] : memref<10240x128xf32, #tpu.memory_space<vmem_shared>> -> memref<80x128xf32, #tpu.memory_space<vmem_shared>>
      %dma_wait3A_120 = arith.constant 0 : i32
      %dma_wait3A_121 = tpu.memref_slice %arg17[%add3A_68, %dma_wait3A_120] : memref<10240x128xf32, #tpu.memory_space<vmem_shared>> -> memref<80x128xf32, #tpu.memory_space<vmem_shared>>
      tpu.wait_dma2 semaphore(%run_scoped3A : memref<!tpu.dma_semaphore, #tpu.memory_space<semaphore_mem>>) src(%arg16 : memref<80x128xf32, #tpu.memory_space<vmem>>) dst(%dma_wait3A_121 : memref<80x128xf32, #tpu.memory_space<vmem_shared>>)
      tpu.yield
    }) : () -> ()
    %mul3A_69 = arith.constant 640 : i32
    %mul3A_70 = arith.muli %arg1, %mul3A_69 : i32
    %add3A_71 = arith.constant 160 : i32
    %add3A_72 = arith.addi %mul3A_70, %add3A_71 : i32
    "tpu.region"() ({
      %run_scoped3A = tpu.sem_alloc : memref<!tpu.dma_semaphore, #tpu.memory_space<semaphore_mem>>
      %dma_start3A = arith.constant 0 : i32
      %dma_start3A_116 = tpu.memref_slice %arg17[%add3A_72, %dma_start3A] : memref<10240x128xf32, #tpu.memory_space<vmem_shared>> -> memref<80x128xf32, #tpu.memory_space<vmem_shared>>
      %dma_start3A_117 = arith.constant 0 : i32
      %dma_start3A_118 = tpu.memref_slice %arg17[%add3A_72, %dma_start3A_117] : memref<10240x128xf32, #tpu.memory_space<vmem_shared>> -> memref<80x128xf32, #tpu.memory_space<vmem_shared>>
      tpu.enqueue_dma source(%arg16 : memref<80x128xf32, #tpu.memory_space<vmem>>) target(%dma_start3A_118 : memref<80x128xf32, #tpu.memory_space<vmem_shared>>) target_semaphore(%run_scoped3A : memref<!tpu.dma_semaphore, #tpu.memory_space<semaphore_mem>>)
      %dma_wait3A = arith.constant 0 : i32
      %dma_wait3A_119 = tpu.memref_slice %arg17[%add3A_72, %dma_wait3A] : memref<10240x128xf32, #tpu.memory_space<vmem_shared>> -> memref<80x128xf32, #tpu.memory_space<vmem_shared>>
      %dma_wait3A_120 = arith.constant 0 : i32
      %dma_wait3A_121 = tpu.memref_slice %arg17[%add3A_72, %dma_wait3A_120] : memref<10240x128xf32, #tpu.memory_space<vmem_shared>> -> memref<80x128xf32, #tpu.memory_space<vmem_shared>>
      tpu.wait_dma2 semaphore(%run_scoped3A : memref<!tpu.dma_semaphore, #tpu.memory_space<semaphore_mem>>) src(%arg16 : memref<80x128xf32, #tpu.memory_space<vmem>>) dst(%dma_wait3A_121 : memref<80x128xf32, #tpu.memory_space<vmem_shared>>)
      tpu.yield
    }) : () -> ()
    %mul3A_73 = arith.constant 640 : i32
    %mul3A_74 = arith.muli %arg1, %mul3A_73 : i32
    %add3A_75 = arith.constant 240 : i32
    %add3A_76 = arith.addi %mul3A_74, %add3A_75 : i32
    "tpu.region"() ({
      %run_scoped3A = tpu.sem_alloc : memref<!tpu.dma_semaphore, #tpu.memory_space<semaphore_mem>>
      %dma_start3A = arith.constant 0 : i32
      %dma_start3A_116 = tpu.memref_slice %arg17[%add3A_76, %dma_start3A] : memref<10240x128xf32, #tpu.memory_space<vmem_shared>> -> memref<80x128xf32, #tpu.memory_space<vmem_shared>>
      %dma_start3A_117 = arith.constant 0 : i32
      %dma_start3A_118 = tpu.memref_slice %arg17[%add3A_76, %dma_start3A_117] : memref<10240x128xf32, #tpu.memory_space<vmem_shared>> -> memref<80x128xf32, #tpu.memory_space<vmem_shared>>
      tpu.enqueue_dma source(%arg16 : memref<80x128xf32, #tpu.memory_space<vmem>>) target(%dma_start3A_118 : memref<80x128xf32, #tpu.memory_space<vmem_shared>>) target_semaphore(%run_scoped3A : memref<!tpu.dma_semaphore, #tpu.memory_space<semaphore_mem>>)
      %dma_wait3A = arith.constant 0 : i32
      %dma_wait3A_119 = tpu.memref_slice %arg17[%add3A_76, %dma_wait3A] : memref<10240x128xf32, #tpu.memory_space<vmem_shared>> -> memref<80x128xf32, #tpu.memory_space<vmem_shared>>
      %dma_wait3A_120 = arith.constant 0 : i32
      %dma_wait3A_121 = tpu.memref_slice %arg17[%add3A_76, %dma_wait3A_120] : memref<10240x128xf32, #tpu.memory_space<vmem_shared>> -> memref<80x128xf32, #tpu.memory_space<vmem_shared>>
      tpu.wait_dma2 semaphore(%run_scoped3A : memref<!tpu.dma_semaphore, #tpu.memory_space<semaphore_mem>>) src(%arg16 : memref<80x128xf32, #tpu.memory_space<vmem>>) dst(%dma_wait3A_121 : memref<80x128xf32, #tpu.memory_space<vmem_shared>>)
      tpu.yield
    }) : () -> ()
    %mul3A_77 = arith.constant 640 : i32
    %mul3A_78 = arith.muli %arg1, %mul3A_77 : i32
    %add3A_79 = arith.constant 320 : i32
    %add3A_80 = arith.addi %mul3A_78, %add3A_79 : i32
    "tpu.region"() ({
      %run_scoped3A = tpu.sem_alloc : memref<!tpu.dma_semaphore, #tpu.memory_space<semaphore_mem>>
      %dma_start3A = arith.constant 0 : i32
      %dma_start3A_116 = tpu.memref_slice %arg17[%add3A_80, %dma_start3A] : memref<10240x128xf32, #tpu.memory_space<vmem_shared>> -> memref<80x128xf32, #tpu.memory_space<vmem_shared>>
      %dma_start3A_117 = arith.constant 0 : i32
      %dma_start3A_118 = tpu.memref_slice %arg17[%add3A_80, %dma_start3A_117] : memref<10240x128xf32, #tpu.memory_space<vmem_shared>> -> memref<80x128xf32, #tpu.memory_space<vmem_shared>>
      tpu.enqueue_dma source(%arg16 : memref<80x128xf32, #tpu.memory_space<vmem>>) target(%dma_start3A_118 : memref<80x128xf32, #tpu.memory_space<vmem_shared>>) target_semaphore(%run_scoped3A : memref<!tpu.dma_semaphore, #tpu.memory_space<semaphore_mem>>)
      %dma_wait3A = arith.constant 0 : i32
      %dma_wait3A_119 = tpu.memref_slice %arg17[%add3A_80, %dma_wait3A] : memref<10240x128xf32, #tpu.memory_space<vmem_shared>> -> memref<80x128xf32, #tpu.memory_space<vmem_shared>>
      %dma_wait3A_120 = arith.constant 0 : i32
      %dma_wait3A_121 = tpu.memref_slice %arg17[%add3A_80, %dma_wait3A_120] : memref<10240x128xf32, #tpu.memory_space<vmem_shared>> -> memref<80x128xf32, #tpu.memory_space<vmem_shared>>
      tpu.wait_dma2 semaphore(%run_scoped3A : memref<!tpu.dma_semaphore, #tpu.memory_space<semaphore_mem>>) src(%arg16 : memref<80x128xf32, #tpu.memory_space<vmem>>) dst(%dma_wait3A_121 : memref<80x128xf32, #tpu.memory_space<vmem_shared>>)
      tpu.yield
    }) : () -> ()
    %mul3A_81 = arith.constant 640 : i32
    %mul3A_82 = arith.muli %arg1, %mul3A_81 : i32
    %add3A_83 = arith.constant 400 : i32
    %add3A_84 = arith.addi %mul3A_82, %add3A_83 : i32
    "tpu.region"() ({
      %run_scoped3A = tpu.sem_alloc : memref<!tpu.dma_semaphore, #tpu.memory_space<semaphore_mem>>
      %dma_start3A = arith.constant 0 : i32
      %dma_start3A_116 = tpu.memref_slice %arg17[%add3A_84, %dma_start3A] : memref<10240x128xf32, #tpu.memory_space<vmem_shared>> -> memref<80x128xf32, #tpu.memory_space<vmem_shared>>
      %dma_start3A_117 = arith.constant 0 : i32
      %dma_start3A_118 = tpu.memref_slice %arg17[%add3A_84, %dma_start3A_117] : memref<10240x128xf32, #tpu.memory_space<vmem_shared>> -> memref<80x128xf32, #tpu.memory_space<vmem_shared>>
      tpu.enqueue_dma source(%arg16 : memref<80x128xf32, #tpu.memory_space<vmem>>) target(%dma_start3A_118 : memref<80x128xf32, #tpu.memory_space<vmem_shared>>) target_semaphore(%run_scoped3A : memref<!tpu.dma_semaphore, #tpu.memory_space<semaphore_mem>>)
      %dma_wait3A = arith.constant 0 : i32
      %dma_wait3A_119 = tpu.memref_slice %arg17[%add3A_84, %dma_wait3A] : memref<10240x128xf32, #tpu.memory_space<vmem_shared>> -> memref<80x128xf32, #tpu.memory_space<vmem_shared>>
      %dma_wait3A_120 = arith.constant 0 : i32
      %dma_wait3A_121 = tpu.memref_slice %arg17[%add3A_84, %dma_wait3A_120] : memref<10240x128xf32, #tpu.memory_space<vmem_shared>> -> memref<80x128xf32, #tpu.memory_space<vmem_shared>>
      tpu.wait_dma2 semaphore(%run_scoped3A : memref<!tpu.dma_semaphore, #tpu.memory_space<semaphore_mem>>) src(%arg16 : memref<80x128xf32, #tpu.memory_space<vmem>>) dst(%dma_wait3A_121 : memref<80x128xf32, #tpu.memory_space<vmem_shared>>)
      tpu.yield
    }) : () -> ()
    %mul3A_85 = arith.constant 640 : i32
    %mul3A_86 = arith.muli %arg1, %mul3A_85 : i32
    %add3A_87 = arith.constant 480 : i32
    %add3A_88 = arith.addi %mul3A_86, %add3A_87 : i32
    "tpu.region"() ({
      %run_scoped3A = tpu.sem_alloc : memref<!tpu.dma_semaphore, #tpu.memory_space<semaphore_mem>>
      %dma_start3A = arith.constant 0 : i32
      %dma_start3A_116 = tpu.memref_slice %arg17[%add3A_88, %dma_start3A] : memref<10240x128xf32, #tpu.memory_space<vmem_shared>> -> memref<80x128xf32, #tpu.memory_space<vmem_shared>>
      %dma_start3A_117 = arith.constant 0 : i32
      %dma_start3A_118 = tpu.memref_slice %arg17[%add3A_88, %dma_start3A_117] : memref<10240x128xf32, #tpu.memory_space<vmem_shared>> -> memref<80x128xf32, #tpu.memory_space<vmem_shared>>
      tpu.enqueue_dma source(%arg16 : memref<80x128xf32, #tpu.memory_space<vmem>>) target(%dma_start3A_118 : memref<80x128xf32, #tpu.memory_space<vmem_shared>>) target_semaphore(%run_scoped3A : memref<!tpu.dma_semaphore, #tpu.memory_space<semaphore_mem>>)
      %dma_wait3A = arith.constant 0 : i32
      %dma_wait3A_119 = tpu.memref_slice %arg17[%add3A_88, %dma_wait3A] : memref<10240x128xf32, #tpu.memory_space<vmem_shared>> -> memref<80x128xf32, #tpu.memory_space<vmem_shared>>
      %dma_wait3A_120 = arith.constant 0 : i32
      %dma_wait3A_121 = tpu.memref_slice %arg17[%add3A_88, %dma_wait3A_120] : memref<10240x128xf32, #tpu.memory_space<vmem_shared>> -> memref<80x128xf32, #tpu.memory_space<vmem_shared>>
      tpu.wait_dma2 semaphore(%run_scoped3A : memref<!tpu.dma_semaphore, #tpu.memory_space<semaphore_mem>>) src(%arg16 : memref<80x128xf32, #tpu.memory_space<vmem>>) dst(%dma_wait3A_121 : memref<80x128xf32, #tpu.memory_space<vmem_shared>>)
      tpu.yield
    }) : () -> ()
    %mul3A_89 = arith.constant 640 : i32
    %mul3A_90 = arith.muli %arg1, %mul3A_89 : i32
    %add3A_91 = arith.constant 560 : i32
    %add3A_92 = arith.addi %mul3A_90, %add3A_91 : i32
    "tpu.region"() ({
      %run_scoped3A = tpu.sem_alloc : memref<!tpu.dma_semaphore, #tpu.memory_space<semaphore_mem>>
      %dma_start3A = arith.constant 0 : i32
      %dma_start3A_116 = tpu.memref_slice %arg17[%add3A_92, %dma_start3A] : memref<10240x128xf32, #tpu.memory_space<vmem_shared>> -> memref<80x128xf32, #tpu.memory_space<vmem_shared>>
      %dma_start3A_117 = arith.constant 0 : i32
      %dma_start3A_118 = tpu.memref_slice %arg17[%add3A_92, %dma_start3A_117] : memref<10240x128xf32, #tpu.memory_space<vmem_shared>> -> memref<80x128xf32, #tpu.memory_space<vmem_shared>>
      tpu.enqueue_dma source(%arg16 : memref<80x128xf32, #tpu.memory_space<vmem>>) target(%dma_start3A_118 : memref<80x128xf32, #tpu.memory_space<vmem_shared>>) target_semaphore(%run_scoped3A : memref<!tpu.dma_semaphore, #tpu.memory_space<semaphore_mem>>)
      %dma_wait3A = arith.constant 0 : i32
      %dma_wait3A_119 = tpu.memref_slice %arg17[%add3A_92, %dma_wait3A] : memref<10240x128xf32, #tpu.memory_space<vmem_shared>> -> memref<80x128xf32, #tpu.memory_space<vmem_shared>>
      %dma_wait3A_120 = arith.constant 0 : i32
      %dma_wait3A_121 = tpu.memref_slice %arg17[%add3A_92, %dma_wait3A_120] : memref<10240x128xf32, #tpu.memory_space<vmem_shared>> -> memref<80x128xf32, #tpu.memory_space<vmem_shared>>
      tpu.wait_dma2 semaphore(%run_scoped3A : memref<!tpu.dma_semaphore, #tpu.memory_space<semaphore_mem>>) src(%arg16 : memref<80x128xf32, #tpu.memory_space<vmem>>) dst(%dma_wait3A_121 : memref<80x128xf32, #tpu.memory_space<vmem_shared>>)
      tpu.yield
    }) : () -> ()
    %barrier3A_93 = arith.constant 0 : index
    tpu.barrier barrier_id(%barrier3A_93)
    %eq3A_94 = arith.constant 0 : i32
    %eq3A_95 = arith.cmpi eq, %arg0, %eq3A_94 : i32
    %convert_element_type3A_96 = arith.extui %eq3A_95 : i1 to i32
    %cond3A_97 = arith.constant 0 : i32
    %cond3A_98 = arith.cmpi ne, %convert_element_type3A_96, %cond3A_97 : i32
    scf.if %cond3A_98 {
      %scan3A_116 = arith.constant 0 : i32
      %scan3A_117 = arith.constant 0 : i32
      %scan3A_118 = arith.constant 125 : i32
      %scan3A_119 = arith.addi %scan3A_117, %scan3A_118 : i32
      %scan3A_120 = arith.constant 1 : i32
      scf.for %scan3A_122 = %scan3A_117 to %scan3A_119 step %scan3A_120  : i32 {
        %mul3A_123 = arith.constant 125 : i32
        %mul3A_124 = arith.muli %arg1, %mul3A_123 : i32
        %add3A_125 = arith.addi %mul3A_124, %scan3A_122 : i32
        %mul3A_126 = arith.constant 80 : i32
        %mul3A_127 = arith.muli %add3A_125, %mul3A_126 : i32
        %mul3A_128 = arith.constant 16 : i32
        %mul3A_129 = arith.muli %mul3A_127, %mul3A_128 : i32
        "tpu.region"() ({
          %run_scoped3A = tpu.sem_alloc : memref<!tpu.dma_semaphore, #tpu.memory_space<semaphore_mem>>
          %dma_start3A_146 = tpu.memref_slice %arg8[%mul3A_129] : memref<2560000xf32, #tpu.memory_space<hbm>> -> memref<1280xf32, #tpu.memory_space<hbm>>
          %dma_start3A_147 = tpu.memref_slice %arg8[%mul3A_129] : memref<2560000xf32, #tpu.memory_space<hbm>> -> memref<1280xf32, #tpu.memory_space<hbm>>
          tpu.enqueue_dma source(%dma_start3A_147 : memref<1280xf32, #tpu.memory_space<hbm>>) target(%arg15 : memref<1280xf32, #tpu.memory_space<vmem>>) target_semaphore(%run_scoped3A : memref<!tpu.dma_semaphore, #tpu.memory_space<semaphore_mem>>)
          %dma_wait3A_148 = tpu.memref_slice %arg8[%mul3A_129] : memref<2560000xf32, #tpu.memory_space<hbm>> -> memref<1280xf32, #tpu.memory_space<hbm>>
          %dma_wait3A_149 = tpu.memref_slice %arg8[%mul3A_129] : memref<2560000xf32, #tpu.memory_space<hbm>> -> memref<1280xf32, #tpu.memory_space<hbm>>
          tpu.wait_dma2 semaphore(%run_scoped3A : memref<!tpu.dma_semaphore, #tpu.memory_space<semaphore_mem>>) src(%dma_wait3A_149 : memref<1280xf32, #tpu.memory_space<hbm>>) dst(%arg15 : memref<1280xf32, #tpu.memory_space<vmem>>)
          tpu.yield
        }) : () -> ()
        %dma_start3A = arith.constant 0 : i32
        %dma_start3A_130 = tpu.memref_slice %arg13[%scan3A_122, %dma_start3A] : memref<125x80xi32, #tpu.memory_space<vmem>> -> memref<1x80xi32, #tpu.memory_space<vmem>>
        %dma_start3A_131 = tpu.memref_squeeze %dma_start3A_130 : memref<1x80xi32, #tpu.memory_space<vmem>> -> memref<80xi32, #tpu.memory_space<vmem>>
        %dma_start3A_132 = arith.constant 0 : i32
        %dma_start3A_133 = arith.constant 0 : i32
        %dma_start3A_134 = tpu.memref_slice %arg3[%dma_start3A_132, %dma_start3A_133] : memref<10000x128xf32, #tpu.memory_space<hbm>> -> memref<10000x128xf32, #tpu.memory_space<hbm>>
        tpu.enqueue_indirect_dma source(%dma_start3A_134 : memref<10000x128xf32, #tpu.memory_space<hbm>>) target(%arg16 : memref<80x128xf32, #tpu.memory_space<vmem>>) offsets(%dma_start3A_131 : memref<80xi32, #tpu.memory_space<vmem>>) semaphore(%arg18 : memref<!tpu.dma_semaphore, #tpu.memory_space<semaphore_mem>>)
        %dma_wait3A = arith.constant 0 : i32
        %dma_wait3A_135 = tpu.memref_slice %arg13[%scan3A_122, %dma_wait3A] : memref<125x80xi32, #tpu.memory_space<vmem>> -> memref<1x80xi32, #tpu.memory_space<vmem>>
        %dma_wait3A_136 = tpu.memref_squeeze %dma_wait3A_135 : memref<1x80xi32, #tpu.memory_space<vmem>> -> memref<80xi32, #tpu.memory_space<vmem>>
        %dma_wait3A_137 = arith.constant 0 : i32
        %dma_wait3A_138 = arith.constant 0 : i32
        %dma_wait3A_139 = tpu.memref_slice %arg3[%dma_wait3A_137, %dma_wait3A_138] : memref<10000x128xf32, #tpu.memory_space<hbm>> -> memref<10000x128xf32, #tpu.memory_space<hbm>>
        tpu.wait_indirect_dma semaphore(%arg18 : memref<!tpu.dma_semaphore, #tpu.memory_space<semaphore_mem>>) src(%dma_wait3A_139 : memref<10000x128xf32, #tpu.memory_space<hbm>>) dst(%arg16 : memref<80x128xf32, #tpu.memory_space<vmem>>)
        %scan3A_140 = arith.constant 0 : i32
        %scan3A_141 = arith.constant 0 : i32
        %scan3A_142 = arith.constant 80 : i32
        %scan3A_143 = arith.addi %scan3A_141, %scan3A_142 : i32
        %scan3A_144 = arith.constant 1 : i32
        scf.for %scan3A_146 = %scan3A_141 to %scan3A_143 step %scan3A_144  : i32 {
          %mul3A_147 = arith.constant 16 : i32
          %mul3A_148 = arith.muli %scan3A_146, %mul3A_147 : i32
          %get3A = arith.index_cast %mul3A_148 : i32 to index
          %get3A_149 = tpu.vector_load %arg15[%get3A] {strides = array<i32>} : memref<1280xf32, #tpu.memory_space<vmem>>, vector<16xf32>,
          %get3A_150 = vector.shape_cast %get3A_149 : vector<16xf32> to vector<16xf32>
          %get3A_151 = arith.index_cast %scan3A_146 : i32 to index
          %get3A_152 = arith.constant 0 : index
          %get3A_153 = tpu.vector_load %arg16[%get3A_151, %get3A_152] {strides = array<i32>} : memref<80x128xf32, #tpu.memory_space<vmem>>, vector<1x16xf32>,
          %get3A_154 = vector.shape_cast %get3A_153 : vector<1x16xf32> to vector<16xf32>
          %mul3A_155 = arith.mulf %get3A_154, %get3A_150 : vector<16xf32>
          %swap3A = arith.index_cast %scan3A_146 : i32 to index
          %swap3A_156 = arith.constant 0 : index
          %swap3A_157 = tpu.vector_load %arg16[%swap3A, %swap3A_156] {strides = array<i32>} : memref<80x128xf32, #tpu.memory_space<vmem>>, vector<1x16xf32>,
          %swap3A_158 = vector.shape_cast %swap3A_157 : vector<1x16xf32> to vector<16xf32>
          %swap3A_159 = vector.shape_cast %mul3A_155 : vector<16xf32> to vector<1x16xf32>
          tpu.vector_store %arg16[%swap3A, %swap3A_156], %swap3A_159 {strides = array<i32>} : memref<80x128xf32, #tpu.memory_space<vmem>>, vector<1x16xf32>,
          %get3A_160 = arith.index_cast %scan3A_146 : i32 to index
          %get3A_161 = arith.constant 16 : index
          %get3A_162 = tpu.vector_load %arg16[%get3A_160, %get3A_161] {strides = array<i32>} : memref<80x128xf32, #tpu.memory_space<vmem>>, vector<1x16xf32>,
          %get3A_163 = vector.shape_cast %get3A_162 : vector<1x16xf32> to vector<16xf32>
          %mul3A_164 = arith.mulf %get3A_163, %get3A_150 : vector<16xf32>
          %swap3A_165 = arith.index_cast %scan3A_146 : i32 to index
          %swap3A_166 = arith.constant 16 : index
          %swap3A_167 = tpu.vector_load %arg16[%swap3A_165, %swap3A_166] {strides = array<i32>} : memref<80x128xf32, #tpu.memory_space<vmem>>, vector<1x16xf32>,
          %swap3A_168 = vector.shape_cast %swap3A_167 : vector<1x16xf32> to vector<16xf32>
          %swap3A_169 = vector.shape_cast %mul3A_164 : vector<16xf32> to vector<1x16xf32>
          tpu.vector_store %arg16[%swap3A_165, %swap3A_166], %swap3A_169 {strides = array<i32>} : memref<80x128xf32, #tpu.memory_space<vmem>>, vector<1x16xf32>,
          %get3A_170 = arith.index_cast %scan3A_146 : i32 to index
          %get3A_171 = arith.constant 32 : index
          %get3A_172 = tpu.vector_load %arg16[%get3A_170, %get3A_171] {strides = array<i32>} : memref<80x128xf32, #tpu.memory_space<vmem>>, vector<1x16xf32>,
          %get3A_173 = vector.shape_cast %get3A_172 : vector<1x16xf32> to vector<16xf32>
          %mul3A_174 = arith.mulf %get3A_173, %get3A_150 : vector<16xf32>
          %swap3A_175 = arith.index_cast %scan3A_146 : i32 to index
          %swap3A_176 = arith.constant 32 : index
          %swap3A_177 = tpu.vector_load %arg16[%swap3A_175, %swap3A_176] {strides = array<i32>} : memref<80x128xf32, #tpu.memory_space<vmem>>, vector<1x16xf32>,
          %swap3A_178 = vector.shape_cast %swap3A_177 : vector<1x16xf32> to vector<16xf32>
          %swap3A_179 = vector.shape_cast %mul3A_174 : vector<16xf32> to vector<1x16xf32>
          tpu.vector_store %arg16[%swap3A_175, %swap3A_176], %swap3A_179 {strides = array<i32>} : memref<80x128xf32, #tpu.memory_space<vmem>>, vector<1x16xf32>,
          %get3A_180 = arith.index_cast %scan3A_146 : i32 to index
          %get3A_181 = arith.constant 48 : index
          %get3A_182 = tpu.vector_load %arg16[%get3A_180, %get3A_181] {strides = array<i32>} : memref<80x128xf32, #tpu.memory_space<vmem>>, vector<1x16xf32>,
          %get3A_183 = vector.shape_cast %get3A_182 : vector<1x16xf32> to vector<16xf32>
          %mul3A_184 = arith.mulf %get3A_183, %get3A_150 : vector<16xf32>
          %swap3A_185 = arith.index_cast %scan3A_146 : i32 to index
          %swap3A_186 = arith.constant 48 : index
          %swap3A_187 = tpu.vector_load %arg16[%swap3A_185, %swap3A_186] {strides = array<i32>} : memref<80x128xf32, #tpu.memory_space<vmem>>, vector<1x16xf32>,
          %swap3A_188 = vector.shape_cast %swap3A_187 : vector<1x16xf32> to vector<16xf32>
          %swap3A_189 = vector.shape_cast %mul3A_184 : vector<16xf32> to vector<1x16xf32>
          tpu.vector_store %arg16[%swap3A_185, %swap3A_186], %swap3A_189 {strides = array<i32>} : memref<80x128xf32, #tpu.memory_space<vmem>>, vector<1x16xf32>,
          %get3A_190 = arith.index_cast %scan3A_146 : i32 to index
          %get3A_191 = arith.constant 64 : index
          %get3A_192 = tpu.vector_load %arg16[%get3A_190, %get3A_191] {strides = array<i32>} : memref<80x128xf32, #tpu.memory_space<vmem>>, vector<1x16xf32>,
          %get3A_193 = vector.shape_cast %get3A_192 : vector<1x16xf32> to vector<16xf32>
          %mul3A_194 = arith.mulf %get3A_193, %get3A_150 : vector<16xf32>
          %swap3A_195 = arith.index_cast %scan3A_146 : i32 to index
          %swap3A_196 = arith.constant 64 : index
          %swap3A_197 = tpu.vector_load %arg16[%swap3A_195, %swap3A_196] {strides = array<i32>} : memref<80x128xf32, #tpu.memory_space<vmem>>, vector<1x16xf32>,
          %swap3A_198 = vector.shape_cast %swap3A_197 : vector<1x16xf32> to vector<16xf32>
          %swap3A_199 = vector.shape_cast %mul3A_194 : vector<16xf32> to vector<1x16xf32>
          tpu.vector_store %arg16[%swap3A_195, %swap3A_196], %swap3A_199 {strides = array<i32>} : memref<80x128xf32, #tpu.memory_space<vmem>>, vector<1x16xf32>,
          %get3A_200 = arith.index_cast %scan3A_146 : i32 to index
          %get3A_201 = arith.constant 80 : index
          %get3A_202 = tpu.vector_load %arg16[%get3A_200, %get3A_201] {strides = array<i32>} : memref<80x128xf32, #tpu.memory_space<vmem>>, vector<1x16xf32>,
          %get3A_203 = vector.shape_cast %get3A_202 : vector<1x16xf32> to vector<16xf32>
          %mul3A_204 = arith.mulf %get3A_203, %get3A_150 : vector<16xf32>
          %swap3A_205 = arith.index_cast %scan3A_146 : i32 to index
          %swap3A_206 = arith.constant 80 : index
          %swap3A_207 = tpu.vector_load %arg16[%swap3A_205, %swap3A_206] {strides = array<i32>} : memref<80x128xf32, #tpu.memory_space<vmem>>, vector<1x16xf32>,
          %swap3A_208 = vector.shape_cast %swap3A_207 : vector<1x16xf32> to vector<16xf32>
          %swap3A_209 = vector.shape_cast %mul3A_204 : vector<16xf32> to vector<1x16xf32>
          tpu.vector_store %arg16[%swap3A_205, %swap3A_206], %swap3A_209 {strides = array<i32>} : memref<80x128xf32, #tpu.memory_space<vmem>>, vector<1x16xf32>,
          %get3A_210 = arith.index_cast %scan3A_146 : i32 to index
          %get3A_211 = arith.constant 96 : index
          %get3A_212 = tpu.vector_load %arg16[%get3A_210, %get3A_211] {strides = array<i32>} : memref<80x128xf32, #tpu.memory_space<vmem>>, vector<1x16xf32>,
          %get3A_213 = vector.shape_cast %get3A_212 : vector<1x16xf32> to vector<16xf32>
          %mul3A_214 = arith.mulf %get3A_213, %get3A_150 : vector<16xf32>
          %swap3A_215 = arith.index_cast %scan3A_146 : i32 to index
          %swap3A_216 = arith.constant 96 : index
          %swap3A_217 = tpu.vector_load %arg16[%swap3A_215, %swap3A_216] {strides = array<i32>} : memref<80x128xf32, #tpu.memory_space<vmem>>, vector<1x16xf32>,
          %swap3A_218 = vector.shape_cast %swap3A_217 : vector<1x16xf32> to vector<16xf32>
          %swap3A_219 = vector.shape_cast %mul3A_214 : vector<16xf32> to vector<1x16xf32>
          tpu.vector_store %arg16[%swap3A_215, %swap3A_216], %swap3A_219 {strides = array<i32>} : memref<80x128xf32, #tpu.memory_space<vmem>>, vector<1x16xf32>,
          %get3A_220 = arith.index_cast %scan3A_146 : i32 to index
          %get3A_221 = arith.constant 112 : index
          %get3A_222 = tpu.vector_load %arg16[%get3A_220, %get3A_221] {strides = array<i32>} : memref<80x128xf32, #tpu.memory_space<vmem>>, vector<1x16xf32>,
          %get3A_223 = vector.shape_cast %get3A_222 : vector<1x16xf32> to vector<16xf32>
          %mul3A_224 = arith.mulf %get3A_223, %get3A_150 : vector<16xf32>
          %swap3A_225 = arith.index_cast %scan3A_146 : i32 to index
          %swap3A_226 = arith.constant 112 : index
          %swap3A_227 = tpu.vector_load %arg16[%swap3A_225, %swap3A_226] {strides = array<i32>} : memref<80x128xf32, #tpu.memory_space<vmem>>, vector<1x16xf32>,
          %swap3A_228 = vector.shape_cast %swap3A_227 : vector<1x16xf32> to vector<16xf32>
          %swap3A_229 = vector.shape_cast %mul3A_224 : vector<16xf32> to vector<1x16xf32>
          tpu.vector_store %arg16[%swap3A_225, %swap3A_226], %swap3A_229 {strides = array<i32>} : memref<80x128xf32, #tpu.memory_space<vmem>>, vector<1x16xf32>,
        }
        %scan3A_145 = arith.constant 80 : i32
        "tpu.region"() ({
          %run_scoped3A = tpu.sem_alloc : memref<!tpu.dma_semaphore, #tpu.memory_space<semaphore_mem>>
          %dma_start3A_146 = arith.constant 0 : i32
          %dma_start3A_147 = tpu.memref_slice %arg14[%scan3A_122, %dma_start3A_146] : memref<125x80xi32, #tpu.memory_space<vmem>> -> memref<1x80xi32, #tpu.memory_space<vmem>>
          %dma_start3A_148 = tpu.memref_squeeze %dma_start3A_147 : memref<1x80xi32, #tpu.memory_space<vmem>> -> memref<80xi32, #tpu.memory_space<vmem>>
          %dma_start3A_149 = arith.constant 0 : i32
          %dma_start3A_150 = arith.constant 0 : i32
          %dma_start3A_151 = tpu.memref_slice %arg17[%dma_start3A_149, %dma_start3A_150] : memref<10240x128xf32, #tpu.memory_space<vmem_shared>> -> memref<10240x128xf32, #tpu.memory_space<vmem_shared>>
          tpu.enqueue_indirect_dma source(%arg16 : memref<80x128xf32, #tpu.memory_space<vmem>>) target(%dma_start3A_151 : memref<10240x128xf32, #tpu.memory_space<vmem_shared>>) offsets(%dma_start3A_148 : memref<80xi32, #tpu.memory_space<vmem>>) semaphore(%run_scoped3A : memref<!tpu.dma_semaphore, #tpu.memory_space<semaphore_mem>>) {add = true}
          %dma_wait3A_152 = arith.constant 0 : i32
          %dma_wait3A_153 = tpu.memref_slice %arg14[%scan3A_122, %dma_wait3A_152] : memref<125x80xi32, #tpu.memory_space<vmem>> -> memref<1x80xi32, #tpu.memory_space<vmem>>
          %dma_wait3A_154 = tpu.memref_squeeze %dma_wait3A_153 : memref<1x80xi32, #tpu.memory_space<vmem>> -> memref<80xi32, #tpu.memory_space<vmem>>
          %dma_wait3A_155 = arith.constant 0 : i32
          %dma_wait3A_156 = arith.constant 0 : i32
          %dma_wait3A_157 = tpu.memref_slice %arg17[%dma_wait3A_155, %dma_wait3A_156] : memref<10240x128xf32, #tpu.memory_space<vmem_shared>> -> memref<10240x128xf32, #tpu.memory_space<vmem_shared>>
          tpu.wait_indirect_dma semaphore(%run_scoped3A : memref<!tpu.dma_semaphore, #tpu.memory_space<semaphore_mem>>) src(%arg16 : memref<80x128xf32, #tpu.memory_space<vmem>>) dst(%dma_wait3A_157 : memref<10240x128xf32, #tpu.memory_space<vmem_shared>>)
          tpu.yield
        }) : () -> ()
      }
      %scan3A_121 = arith.constant 125 : i32
    } else {
    }
    %eq3A_99 = arith.constant 1 : i32
    %eq3A_100 = arith.cmpi eq, %arg0, %eq3A_99 : i32
    %convert_element_type3A_101 = arith.extui %eq3A_100 : i1 to i32
    %cond3A_102 = arith.constant 0 : i32
    %cond3A_103 = arith.cmpi ne, %convert_element_type3A_101, %cond3A_102 : i32
    scf.if %cond3A_103 {
      %scan3A_116 = arith.constant 0 : i32
      %scan3A_117 = arith.constant 0 : i32
      %scan3A_118 = arith.constant 125 : i32
      %scan3A_119 = arith.addi %scan3A_117, %scan3A_118 : i32
      %scan3A_120 = arith.constant 1 : i32
      scf.for %scan3A_122 = %scan3A_117 to %scan3A_119 step %scan3A_120  : i32 {
        %mul3A_123 = arith.constant 125 : i32
        %mul3A_124 = arith.muli %arg1, %mul3A_123 : i32
        %add3A_125 = arith.addi %mul3A_124, %scan3A_122 : i32
        %mul3A_126 = arith.constant 80 : i32
        %mul3A_127 = arith.muli %add3A_125, %mul3A_126 : i32
        %mul3A_128 = arith.constant 16 : i32
        %mul3A_129 = arith.muli %mul3A_127, %mul3A_128 : i32
        "tpu.region"() ({
          %run_scoped3A = tpu.sem_alloc : memref<!tpu.dma_semaphore, #tpu.memory_space<semaphore_mem>>
          %dma_start3A_146 = tpu.memref_slice %arg8[%mul3A_129] : memref<2560000xf32, #tpu.memory_space<hbm>> -> memref<1280xf32, #tpu.memory_space<hbm>>
          %dma_start3A_147 = tpu.memref_slice %arg8[%mul3A_129] : memref<2560000xf32, #tpu.memory_space<hbm>> -> memref<1280xf32, #tpu.memory_space<hbm>>
          tpu.enqueue_dma source(%dma_start3A_147 : memref<1280xf32, #tpu.memory_space<hbm>>) target(%arg15 : memref<1280xf32, #tpu.memory_space<vmem>>) target_semaphore(%run_scoped3A : memref<!tpu.dma_semaphore, #tpu.memory_space<semaphore_mem>>)
          %dma_wait3A_148 = tpu.memref_slice %arg8[%mul3A_129] : memref<2560000xf32, #tpu.memory_space<hbm>> -> memref<1280xf32, #tpu.memory_space<hbm>>
          %dma_wait3A_149 = tpu.memref_slice %arg8[%mul3A_129] : memref<2560000xf32, #tpu.memory_space<hbm>> -> memref<1280xf32, #tpu.memory_space<hbm>>
          tpu.wait_dma2 semaphore(%run_scoped3A : memref<!tpu.dma_semaphore, #tpu.memory_space<semaphore_mem>>) src(%dma_wait3A_149 : memref<1280xf32, #tpu.memory_space<hbm>>) dst(%arg15 : memref<1280xf32, #tpu.memory_space<vmem>>)
          tpu.yield
        }) : () -> ()
        %dma_start3A = arith.constant 0 : i32
        %dma_start3A_130 = tpu.memref_slice %arg13[%scan3A_122, %dma_start3A] : memref<125x80xi32, #tpu.memory_space<vmem>> -> memref<1x80xi32, #tpu.memory_space<vmem>>
        %dma_start3A_131 = tpu.memref_squeeze %dma_start3A_130 : memref<1x80xi32, #tpu.memory_space<vmem>> -> memref<80xi32, #tpu.memory_space<vmem>>
        %dma_start3A_132 = arith.constant 0 : i32
        %dma_start3A_133 = arith.constant 0 : i32
        %dma_start3A_134 = tpu.memref_slice %arg5[%dma_start3A_132, %dma_start3A_133] : memref<10000x128xf32, #tpu.memory_space<hbm>> -> memref<10000x128xf32, #tpu.memory_space<hbm>>
        tpu.enqueue_indirect_dma source(%dma_start3A_134 : memref<10000x128xf32, #tpu.memory_space<hbm>>) target(%arg16 : memref<80x128xf32, #tpu.memory_space<vmem>>) offsets(%dma_start3A_131 : memref<80xi32, #tpu.memory_space<vmem>>) semaphore(%arg18 : memref<!tpu.dma_semaphore, #tpu.memory_space<semaphore_mem>>)
        %dma_wait3A = arith.constant 0 : i32
        %dma_wait3A_135 = tpu.memref_slice %arg13[%scan3A_122, %dma_wait3A] : memref<125x80xi32, #tpu.memory_space<vmem>> -> memref<1x80xi32, #tpu.memory_space<vmem>>
        %dma_wait3A_136 = tpu.memref_squeeze %dma_wait3A_135 : memref<1x80xi32, #tpu.memory_space<vmem>> -> memref<80xi32, #tpu.memory_space<vmem>>
        %dma_wait3A_137 = arith.constant 0 : i32
        %dma_wait3A_138 = arith.constant 0 : i32
        %dma_wait3A_139 = tpu.memref_slice %arg5[%dma_wait3A_137, %dma_wait3A_138] : memref<10000x128xf32, #tpu.memory_space<hbm>> -> memref<10000x128xf32, #tpu.memory_space<hbm>>
        tpu.wait_indirect_dma semaphore(%arg18 : memref<!tpu.dma_semaphore, #tpu.memory_space<semaphore_mem>>) src(%dma_wait3A_139 : memref<10000x128xf32, #tpu.memory_space<hbm>>) dst(%arg16 : memref<80x128xf32, #tpu.memory_space<vmem>>)
        %scan3A_140 = arith.constant 0 : i32
        %scan3A_141 = arith.constant 0 : i32
        %scan3A_142 = arith.constant 80 : i32
        %scan3A_143 = arith.addi %scan3A_141, %scan3A_142 : i32
        %scan3A_144 = arith.constant 1 : i32
        scf.for %scan3A_146 = %scan3A_141 to %scan3A_143 step %scan3A_144  : i32 {
          %mul3A_147 = arith.constant 16 : i32
          %mul3A_148 = arith.muli %scan3A_146, %mul3A_147 : i32
          %get3A = arith.index_cast %mul3A_148 : i32 to index
          %get3A_149 = tpu.vector_load %arg15[%get3A] {strides = array<i32>} : memref<1280xf32, #tpu.memory_space<vmem>>, vector<16xf32>,
          %get3A_150 = vector.shape_cast %get3A_149 : vector<16xf32> to vector<16xf32>
          %get3A_151 = arith.index_cast %scan3A_146 : i32 to index
          %get3A_152 = arith.constant 0 : index
          %get3A_153 = tpu.vector_load %arg16[%get3A_151, %get3A_152] {strides = array<i32>} : memref<80x128xf32, #tpu.memory_space<vmem>>, vector<1x16xf32>,
          %get3A_154 = vector.shape_cast %get3A_153 : vector<1x16xf32> to vector<16xf32>
          %mul3A_155 = arith.mulf %get3A_154, %get3A_150 : vector<16xf32>
          %swap3A = arith.index_cast %scan3A_146 : i32 to index
          %swap3A_156 = arith.constant 0 : index
          %swap3A_157 = tpu.vector_load %arg16[%swap3A, %swap3A_156] {strides = array<i32>} : memref<80x128xf32, #tpu.memory_space<vmem>>, vector<1x16xf32>,
          %swap3A_158 = vector.shape_cast %swap3A_157 : vector<1x16xf32> to vector<16xf32>
          %swap3A_159 = vector.shape_cast %mul3A_155 : vector<16xf32> to vector<1x16xf32>
          tpu.vector_store %arg16[%swap3A, %swap3A_156], %swap3A_159 {strides = array<i32>} : memref<80x128xf32, #tpu.memory_space<vmem>>, vector<1x16xf32>,
          %get3A_160 = arith.index_cast %scan3A_146 : i32 to index
          %get3A_161 = arith.constant 16 : index
          %get3A_162 = tpu.vector_load %arg16[%get3A_160, %get3A_161] {strides = array<i32>} : memref<80x128xf32, #tpu.memory_space<vmem>>, vector<1x16xf32>,
          %get3A_163 = vector.shape_cast %get3A_162 : vector<1x16xf32> to vector<16xf32>
          %mul3A_164 = arith.mulf %get3A_163, %get3A_150 : vector<16xf32>
          %swap3A_165 = arith.index_cast %scan3A_146 : i32 to index
          %swap3A_166 = arith.constant 16 : index
          %swap3A_167 = tpu.vector_load %arg16[%swap3A_165, %swap3A_166] {strides = array<i32>} : memref<80x128xf32, #tpu.memory_space<vmem>>, vector<1x16xf32>,
          %swap3A_168 = vector.shape_cast %swap3A_167 : vector<1x16xf32> to vector<16xf32>
          %swap3A_169 = vector.shape_cast %mul3A_164 : vector<16xf32> to vector<1x16xf32>
          tpu.vector_store %arg16[%swap3A_165, %swap3A_166], %swap3A_169 {strides = array<i32>} : memref<80x128xf32, #tpu.memory_space<vmem>>, vector<1x16xf32>,
          %get3A_170 = arith.index_cast %scan3A_146 : i32 to index
          %get3A_171 = arith.constant 32 : index
          %get3A_172 = tpu.vector_load %arg16[%get3A_170, %get3A_171] {strides = array<i32>} : memref<80x128xf32, #tpu.memory_space<vmem>>, vector<1x16xf32>,
          %get3A_173 = vector.shape_cast %get3A_172 : vector<1x16xf32> to vector<16xf32>
          %mul3A_174 = arith.mulf %get3A_173, %get3A_150 : vector<16xf32>
          %swap3A_175 = arith.index_cast %scan3A_146 : i32 to index
          %swap3A_176 = arith.constant 32 : index
          %swap3A_177 = tpu.vector_load %arg16[%swap3A_175, %swap3A_176] {strides = array<i32>} : memref<80x128xf32, #tpu.memory_space<vmem>>, vector<1x16xf32>,
          %swap3A_178 = vector.shape_cast %swap3A_177 : vector<1x16xf32> to vector<16xf32>
          %swap3A_179 = vector.shape_cast %mul3A_174 : vector<16xf32> to vector<1x16xf32>
          tpu.vector_store %arg16[%swap3A_175, %swap3A_176], %swap3A_179 {strides = array<i32>} : memref<80x128xf32, #tpu.memory_space<vmem>>, vector<1x16xf32>,
          %get3A_180 = arith.index_cast %scan3A_146 : i32 to index
          %get3A_181 = arith.constant 48 : index
          %get3A_182 = tpu.vector_load %arg16[%get3A_180, %get3A_181] {strides = array<i32>} : memref<80x128xf32, #tpu.memory_space<vmem>>, vector<1x16xf32>,
          %get3A_183 = vector.shape_cast %get3A_182 : vector<1x16xf32> to vector<16xf32>
          %mul3A_184 = arith.mulf %get3A_183, %get3A_150 : vector<16xf32>
          %swap3A_185 = arith.index_cast %scan3A_146 : i32 to index
          %swap3A_186 = arith.constant 48 : index
          %swap3A_187 = tpu.vector_load %arg16[%swap3A_185, %swap3A_186] {strides = array<i32>} : memref<80x128xf32, #tpu.memory_space<vmem>>, vector<1x16xf32>,
          %swap3A_188 = vector.shape_cast %swap3A_187 : vector<1x16xf32> to vector<16xf32>
          %swap3A_189 = vector.shape_cast %mul3A_184 : vector<16xf32> to vector<1x16xf32>
          tpu.vector_store %arg16[%swap3A_185, %swap3A_186], %swap3A_189 {strides = array<i32>} : memref<80x128xf32, #tpu.memory_space<vmem>>, vector<1x16xf32>,
          %get3A_190 = arith.index_cast %scan3A_146 : i32 to index
          %get3A_191 = arith.constant 64 : index
          %get3A_192 = tpu.vector_load %arg16[%get3A_190, %get3A_191] {strides = array<i32>} : memref<80x128xf32, #tpu.memory_space<vmem>>, vector<1x16xf32>,
          %get3A_193 = vector.shape_cast %get3A_192 : vector<1x16xf32> to vector<16xf32>
          %mul3A_194 = arith.mulf %get3A_193, %get3A_150 : vector<16xf32>
          %swap3A_195 = arith.index_cast %scan3A_146 : i32 to index
          %swap3A_196 = arith.constant 64 : index
          %swap3A_197 = tpu.vector_load %arg16[%swap3A_195, %swap3A_196] {strides = array<i32>} : memref<80x128xf32, #tpu.memory_space<vmem>>, vector<1x16xf32>,
          %swap3A_198 = vector.shape_cast %swap3A_197 : vector<1x16xf32> to vector<16xf32>
          %swap3A_199 = vector.shape_cast %mul3A_194 : vector<16xf32> to vector<1x16xf32>
          tpu.vector_store %arg16[%swap3A_195, %swap3A_196], %swap3A_199 {strides = array<i32>} : memref<80x128xf32, #tpu.memory_space<vmem>>, vector<1x16xf32>,
          %get3A_200 = arith.index_cast %scan3A_146 : i32 to index
          %get3A_201 = arith.constant 80 : index
          %get3A_202 = tpu.vector_load %arg16[%get3A_200, %get3A_201] {strides = array<i32>} : memref<80x128xf32, #tpu.memory_space<vmem>>, vector<1x16xf32>,
          %get3A_203 = vector.shape_cast %get3A_202 : vector<1x16xf32> to vector<16xf32>
          %mul3A_204 = arith.mulf %get3A_203, %get3A_150 : vector<16xf32>
          %swap3A_205 = arith.index_cast %scan3A_146 : i32 to index
          %swap3A_206 = arith.constant 80 : index
          %swap3A_207 = tpu.vector_load %arg16[%swap3A_205, %swap3A_206] {strides = array<i32>} : memref<80x128xf32, #tpu.memory_space<vmem>>, vector<1x16xf32>,
          %swap3A_208 = vector.shape_cast %swap3A_207 : vector<1x16xf32> to vector<16xf32>
          %swap3A_209 = vector.shape_cast %mul3A_204 : vector<16xf32> to vector<1x16xf32>
          tpu.vector_store %arg16[%swap3A_205, %swap3A_206], %swap3A_209 {strides = array<i32>} : memref<80x128xf32, #tpu.memory_space<vmem>>, vector<1x16xf32>,
          %get3A_210 = arith.index_cast %scan3A_146 : i32 to index
          %get3A_211 = arith.constant 96 : index
          %get3A_212 = tpu.vector_load %arg16[%get3A_210, %get3A_211] {strides = array<i32>} : memref<80x128xf32, #tpu.memory_space<vmem>>, vector<1x16xf32>,
          %get3A_213 = vector.shape_cast %get3A_212 : vector<1x16xf32> to vector<16xf32>
          %mul3A_214 = arith.mulf %get3A_213, %get3A_150 : vector<16xf32>
          %swap3A_215 = arith.index_cast %scan3A_146 : i32 to index
          %swap3A_216 = arith.constant 96 : index
          %swap3A_217 = tpu.vector_load %arg16[%swap3A_215, %swap3A_216] {strides = array<i32>} : memref<80x128xf32, #tpu.memory_space<vmem>>, vector<1x16xf32>,
          %swap3A_218 = vector.shape_cast %swap3A_217 : vector<1x16xf32> to vector<16xf32>
          %swap3A_219 = vector.shape_cast %mul3A_214 : vector<16xf32> to vector<1x16xf32>
          tpu.vector_store %arg16[%swap3A_215, %swap3A_216], %swap3A_219 {strides = array<i32>} : memref<80x128xf32, #tpu.memory_space<vmem>>, vector<1x16xf32>,
          %get3A_220 = arith.index_cast %scan3A_146 : i32 to index
          %get3A_221 = arith.constant 112 : index
          %get3A_222 = tpu.vector_load %arg16[%get3A_220, %get3A_221] {strides = array<i32>} : memref<80x128xf32, #tpu.memory_space<vmem>>, vector<1x16xf32>,
          %get3A_223 = vector.shape_cast %get3A_222 : vector<1x16xf32> to vector<16xf32>
          %mul3A_224 = arith.mulf %get3A_223, %get3A_150 : vector<16xf32>
          %swap3A_225 = arith.index_cast %scan3A_146 : i32 to index
          %swap3A_226 = arith.constant 112 : index
          %swap3A_227 = tpu.vector_load %arg16[%swap3A_225, %swap3A_226] {strides = array<i32>} : memref<80x128xf32, #tpu.memory_space<vmem>>, vector<1x16xf32>,
          %swap3A_228 = vector.shape_cast %swap3A_227 : vector<1x16xf32> to vector<16xf32>
          %swap3A_229 = vector.shape_cast %mul3A_224 : vector<16xf32> to vector<1x16xf32>
          tpu.vector_store %arg16[%swap3A_225, %swap3A_226], %swap3A_229 {strides = array<i32>} : memref<80x128xf32, #tpu.memory_space<vmem>>, vector<1x16xf32>,
        }
        %scan3A_145 = arith.constant 80 : i32
        "tpu.region"() ({
          %run_scoped3A = tpu.sem_alloc : memref<!tpu.dma_semaphore, #tpu.memory_space<semaphore_mem>>
          %dma_start3A_146 = arith.constant 0 : i32
          %dma_start3A_147 = tpu.memref_slice %arg14[%scan3A_122, %dma_start3A_146] : memref<125x80xi32, #tpu.memory_space<vmem>> -> memref<1x80xi32, #tpu.memory_space<vmem>>
          %dma_start3A_148 = tpu.memref_squeeze %dma_start3A_147 : memref<1x80xi32, #tpu.memory_space<vmem>> -> memref<80xi32, #tpu.memory_space<vmem>>
          %dma_start3A_149 = arith.constant 0 : i32
          %dma_start3A_150 = arith.constant 0 : i32
          %dma_start3A_151 = tpu.memref_slice %arg17[%dma_start3A_149, %dma_start3A_150] : memref<10240x128xf32, #tpu.memory_space<vmem_shared>> -> memref<10240x128xf32, #tpu.memory_space<vmem_shared>>
          tpu.enqueue_indirect_dma source(%arg16 : memref<80x128xf32, #tpu.memory_space<vmem>>) target(%dma_start3A_151 : memref<10240x128xf32, #tpu.memory_space<vmem_shared>>) offsets(%dma_start3A_148 : memref<80xi32, #tpu.memory_space<vmem>>) semaphore(%run_scoped3A : memref<!tpu.dma_semaphore, #tpu.memory_space<semaphore_mem>>) {add = true}
          %dma_wait3A_152 = arith.constant 0 : i32
          %dma_wait3A_153 = tpu.memref_slice %arg14[%scan3A_122, %dma_wait3A_152] : memref<125x80xi32, #tpu.memory_space<vmem>> -> memref<1x80xi32, #tpu.memory_space<vmem>>
          %dma_wait3A_154 = tpu.memref_squeeze %dma_wait3A_153 : memref<1x80xi32, #tpu.memory_space<vmem>> -> memref<80xi32, #tpu.memory_space<vmem>>
          %dma_wait3A_155 = arith.constant 0 : i32
          %dma_wait3A_156 = arith.constant 0 : i32
          %dma_wait3A_157 = tpu.memref_slice %arg17[%dma_wait3A_155, %dma_wait3A_156] : memref<10240x128xf32, #tpu.memory_space<vmem_shared>> -> memref<10240x128xf32, #tpu.memory_space<vmem_shared>>
          tpu.wait_indirect_dma semaphore(%run_scoped3A : memref<!tpu.dma_semaphore, #tpu.memory_space<semaphore_mem>>) src(%arg16 : memref<80x128xf32, #tpu.memory_space<vmem>>) dst(%dma_wait3A_157 : memref<10240x128xf32, #tpu.memory_space<vmem_shared>>)
          tpu.yield
        }) : () -> ()
      }
      %scan3A_121 = arith.constant 125 : i32
    } else {
    }
    %barrier3A_104 = arith.constant 0 : index
    tpu.barrier barrier_id(%barrier3A_104)
    %eq3A_105 = arith.constant 0 : i32
    %eq3A_106 = arith.cmpi eq, %arg0, %eq3A_105 : i32
    %convert_element_type3A_107 = arith.extui %eq3A_106 : i1 to i32
    %cond3A_108 = arith.constant 0 : i32
    %cond3A_109 = arith.cmpi ne, %convert_element_type3A_107, %cond3A_108 : i32
    scf.if %cond3A_109 {
      %mul3A_116 = arith.constant 640 : i32
      %mul3A_117 = arith.muli %arg1, %mul3A_116 : i32
      "tpu.region"() ({
        %run_scoped3A = tpu.sem_alloc : memref<!tpu.dma_semaphore, #tpu.memory_space<semaphore_mem>>
        %dma_start3A = arith.constant 0 : i32
        %dma_start3A_118 = tpu.memref_slice %arg10[%mul3A_117, %dma_start3A] : memref<10240x128xf32, #tpu.memory_space<hbm>> -> memref<640x128xf32, #tpu.memory_space<hbm>>
        %dma_start3A_119 = arith.constant 0 : i32
        %dma_start3A_120 = tpu.memref_slice %arg17[%mul3A_117, %dma_start3A_119] : memref<10240x128xf32, #tpu.memory_space<vmem_shared>> -> memref<640x128xf32, #tpu.memory_space<vmem_shared>>
        tpu.enqueue_dma source(%dma_start3A_120 : memref<640x128xf32, #tpu.memory_space<vmem_shared>>) target(%dma_start3A_118 : memref<640x128xf32, #tpu.memory_space<hbm>>) target_semaphore(%run_scoped3A : memref<!tpu.dma_semaphore, #tpu.memory_space<semaphore_mem>>)
        %dma_wait3A = arith.constant 0 : i32
        %dma_wait3A_121 = tpu.memref_slice %arg10[%mul3A_117, %dma_wait3A] : memref<10240x128xf32, #tpu.memory_space<hbm>> -> memref<640x128xf32, #tpu.memory_space<hbm>>
        %dma_wait3A_122 = arith.constant 0 : i32
        %dma_wait3A_123 = tpu.memref_slice %arg17[%mul3A_117, %dma_wait3A_122] : memref<10240x128xf32, #tpu.memory_space<vmem_shared>> -> memref<640x128xf32, #tpu.memory_space<vmem_shared>>
        tpu.wait_dma2 semaphore(%run_scoped3A : memref<!tpu.dma_semaphore, #tpu.memory_space<semaphore_mem>>) src(%dma_wait3A_123 : memref<640x128xf32, #tpu.memory_space<vmem_shared>>) dst(%dma_wait3A_121 : memref<640x128xf32, #tpu.memory_space<hbm>>)
        tpu.yield
      }) : () -> ()
    } else {
    }
    %eq3A_110 = arith.constant 1 : i32
    %eq3A_111 = arith.cmpi eq, %arg0, %eq3A_110 : i32
    %convert_element_type3A_112 = arith.extui %eq3A_111 : i1 to i32
    %cond3A_113 = arith.constant 0 : i32
    %cond3A_114 = arith.cmpi ne, %convert_element_type3A_112, %cond3A_113 : i32
    scf.if %cond3A_114 {
      %mul3A_116 = arith.constant 640 : i32
      %mul3A_117 = arith.muli %arg1, %mul3A_116 : i32
      "tpu.region"() ({
        %run_scoped3A = tpu.sem_alloc : memref<!tpu.dma_semaphore, #tpu.memory_space<semaphore_mem>>
        %dma_start3A = arith.constant 0 : i32
        %dma_start3A_118 = tpu.memref_slice %arg12[%mul3A_117, %dma_start3A] : memref<10240x128xf32, #tpu.memory_space<hbm>> -> memref<640x128xf32, #tpu.memory_space<hbm>>
        %dma_start3A_119 = arith.constant 0 : i32
        %dma_start3A_120 = tpu.memref_slice %arg17[%mul3A_117, %dma_start3A_119] : memref<10240x128xf32, #tpu.memory_space<vmem_shared>> -> memref<640x128xf32, #tpu.memory_space<vmem_shared>>
        tpu.enqueue_dma source(%dma_start3A_120 : memref<640x128xf32, #tpu.memory_space<vmem_shared>>) target(%dma_start3A_118 : memref<640x128xf32, #tpu.memory_space<hbm>>) target_semaphore(%run_scoped3A : memref<!tpu.dma_semaphore, #tpu.memory_space<semaphore_mem>>)
        %dma_wait3A = arith.constant 0 : i32
        %dma_wait3A_121 = tpu.memref_slice %arg12[%mul3A_117, %dma_wait3A] : memref<10240x128xf32, #tpu.memory_space<hbm>> -> memref<640x128xf32, #tpu.memory_space<hbm>>
        %dma_wait3A_122 = arith.constant 0 : i32
        %dma_wait3A_123 = tpu.memref_slice %arg17[%mul3A_117, %dma_wait3A_122] : memref<10240x128xf32, #tpu.memory_space<vmem_shared>> -> memref<640x128xf32, #tpu.memory_space<vmem_shared>>
        tpu.wait_dma2 semaphore(%run_scoped3A : memref<!tpu.dma_semaphore, #tpu.memory_space<semaphore_mem>>) src(%dma_wait3A_123 : memref<640x128xf32, #tpu.memory_space<vmem_shared>>) dst(%dma_wait3A_121 : memref<640x128xf32, #tpu.memory_space<hbm>>)
        tpu.yield
      }) : () -> ()
    } else {
    }
    %barrier3A_115 = arith.constant 0 : index
    tpu.barrier barrier_id(%barrier3A_115)
    return
  }
}

#map = affine_map<(d0, d1) -> (0, 0)>
#map1 = affine_map<(d0, d1) -> (0, 0, 0)>
#map2 = affine_map<(d0, d1) -> (0)>
module attributes {stable_mosaic.version = 14 : i64} {
  func.func @spmm(%arg0: i32, %arg1: i32, %arg2: memref<10000x128xf32, #tpu.memory_space<hbm>>, %arg3: memref<10000x128xf32, #tpu.memory_space<hbm>>, %arg4: memref<16x125x80xi32, #tpu.memory_space<hbm>>, %arg5: memref<16x125x80xi32, #tpu.memory_space<hbm>>, %arg6: memref<2560000xf32, #tpu.memory_space<hbm>>, %arg7: memref<10240x128xf32, #tpu.memory_space<hbm>>, %arg8: memref<10240x128xf32, #tpu.memory_space<hbm>>, %arg9: memref<125x80xi32, #tpu.memory_space<vmem>>, %arg10: memref<125x80xi32, #tpu.memory_space<vmem>>, %arg11: memref<1280xf32, #tpu.memory_space<vmem>>, %arg12: memref<80x128xf32, #tpu.memory_space<vmem>>, %arg13: memref<10240x128xf32, #tpu.memory_space<vmem_shared>>, %arg14: memref<!tpu.dma_semaphore, #tpu.memory_space<semaphore_mem>>) attributes {dimension_semantics = [#tpu.dimension_semantics<core_parallel>, #tpu.dimension_semantics<subcore_parallel>], iteration_bounds = array<i64: 2, 16>, scalar_prefetch = 0 : i64, scratch_operands = 6 : i64, tpu.core_type = #tpu.core_type<sc_vector_subcore>, window_params = [{transform_indices = #map}, {transform_indices = #map}, {transform_indices = #map1}, {transform_indices = #map1}, {transform_indices = #map2}, {transform_indices = #map}, {transform_indices = #map}]} {
    "tpu.region"() ({
      %run_scoped3A = tpu.sem_alloc : memref<!tpu.dma_semaphore, #tpu.memory_space<semaphore_mem>>
      %dma_start3A = arith.constant 0 : i32
      %dma_start3A_55 = arith.constant 0 : i32
      %dma_start3A_56 = tpu.memref_slice %arg4[%arg1, %dma_start3A, %dma_start3A_55] : memref<16x125x80xi32, #tpu.memory_space<hbm>> -> memref<1x125x80xi32, #tpu.memory_space<hbm>>
      %dma_start3A_57 = tpu.memref_squeeze %dma_start3A_56 : memref<1x125x80xi32, #tpu.memory_space<hbm>> -> memref<125x80xi32, #tpu.memory_space<hbm>>
      %dma_start3A_58 = arith.constant 0 : i32
      %dma_start3A_59 = arith.constant 0 : i32
      %dma_start3A_60 = tpu.memref_slice %arg4[%arg1, %dma_start3A_58, %dma_start3A_59] : memref<16x125x80xi32, #tpu.memory_space<hbm>> -> memref<1x125x80xi32, #tpu.memory_space<hbm>>
      %dma_start3A_61 = tpu.memref_squeeze %dma_start3A_60 : memref<1x125x80xi32, #tpu.memory_space<hbm>> -> memref<125x80xi32, #tpu.memory_space<hbm>>
      tpu.enqueue_dma source(%dma_start3A_61 : memref<125x80xi32, #tpu.memory_space<hbm>>) target(%arg9 : memref<125x80xi32, #tpu.memory_space<vmem>>) target_semaphore(%run_scoped3A : memref<!tpu.dma_semaphore, #tpu.memory_space<semaphore_mem>>)
      %dma_wait3A = arith.constant 0 : i32
      %dma_wait3A_62 = arith.constant 0 : i32
      %dma_wait3A_63 = tpu.memref_slice %arg4[%arg1, %dma_wait3A, %dma_wait3A_62] : memref<16x125x80xi32, #tpu.memory_space<hbm>> -> memref<1x125x80xi32, #tpu.memory_space<hbm>>
      %dma_wait3A_64 = tpu.memref_squeeze %dma_wait3A_63 : memref<1x125x80xi32, #tpu.memory_space<hbm>> -> memref<125x80xi32, #tpu.memory_space<hbm>>
      %dma_wait3A_65 = arith.constant 0 : i32
      %dma_wait3A_66 = arith.constant 0 : i32
      %dma_wait3A_67 = tpu.memref_slice %arg4[%arg1, %dma_wait3A_65, %dma_wait3A_66] : memref<16x125x80xi32, #tpu.memory_space<hbm>> -> memref<1x125x80xi32, #tpu.memory_space<hbm>>
      %dma_wait3A_68 = tpu.memref_squeeze %dma_wait3A_67 : memref<1x125x80xi32, #tpu.memory_space<hbm>> -> memref<125x80xi32, #tpu.memory_space<hbm>>
      tpu.wait_dma2 semaphore(%run_scoped3A : memref<!tpu.dma_semaphore, #tpu.memory_space<semaphore_mem>>) src(%dma_wait3A_68 : memref<125x80xi32, #tpu.memory_space<hbm>>) dst(%arg9 : memref<125x80xi32, #tpu.memory_space<vmem>>)
      tpu.yield
    }) : () -> ()
    "tpu.region"() ({
      %run_scoped3A = tpu.sem_alloc : memref<!tpu.dma_semaphore, #tpu.memory_space<semaphore_mem>>
      %dma_start3A = arith.constant 0 : i32
      %dma_start3A_55 = arith.constant 0 : i32
      %dma_start3A_56 = tpu.memref_slice %arg5[%arg1, %dma_start3A, %dma_start3A_55] : memref<16x125x80xi32, #tpu.memory_space<hbm>> -> memref<1x125x80xi32, #tpu.memory_space<hbm>>
      %dma_start3A_57 = tpu.memref_squeeze %dma_start3A_56 : memref<1x125x80xi32, #tpu.memory_space<hbm>> -> memref<125x80xi32, #tpu.memory_space<hbm>>
      %dma_start3A_58 = arith.constant 0 : i32
      %dma_start3A_59 = arith.constant 0 : i32
      %dma_start3A_60 = tpu.memref_slice %arg5[%arg1, %dma_start3A_58, %dma_start3A_59] : memref<16x125x80xi32, #tpu.memory_space<hbm>> -> memref<1x125x80xi32, #tpu.memory_space<hbm>>
      %dma_start3A_61 = tpu.memref_squeeze %dma_start3A_60 : memref<1x125x80xi32, #tpu.memory_space<hbm>> -> memref<125x80xi32, #tpu.memory_space<hbm>>
      tpu.enqueue_dma source(%dma_start3A_61 : memref<125x80xi32, #tpu.memory_space<hbm>>) target(%arg10 : memref<125x80xi32, #tpu.memory_space<vmem>>) target_semaphore(%run_scoped3A : memref<!tpu.dma_semaphore, #tpu.memory_space<semaphore_mem>>)
      %dma_wait3A = arith.constant 0 : i32
      %dma_wait3A_62 = arith.constant 0 : i32
      %dma_wait3A_63 = tpu.memref_slice %arg5[%arg1, %dma_wait3A, %dma_wait3A_62] : memref<16x125x80xi32, #tpu.memory_space<hbm>> -> memref<1x125x80xi32, #tpu.memory_space<hbm>>
      %dma_wait3A_64 = tpu.memref_squeeze %dma_wait3A_63 : memref<1x125x80xi32, #tpu.memory_space<hbm>> -> memref<125x80xi32, #tpu.memory_space<hbm>>
      %dma_wait3A_65 = arith.constant 0 : i32
      %dma_wait3A_66 = arith.constant 0 : i32
      %dma_wait3A_67 = tpu.memref_slice %arg5[%arg1, %dma_wait3A_65, %dma_wait3A_66] : memref<16x125x80xi32, #tpu.memory_space<hbm>> -> memref<1x125x80xi32, #tpu.memory_space<hbm>>
      %dma_wait3A_68 = tpu.memref_squeeze %dma_wait3A_67 : memref<1x125x80xi32, #tpu.memory_space<hbm>> -> memref<125x80xi32, #tpu.memory_space<hbm>>
      tpu.wait_dma2 semaphore(%run_scoped3A : memref<!tpu.dma_semaphore, #tpu.memory_space<semaphore_mem>>) src(%dma_wait3A_68 : memref<125x80xi32, #tpu.memory_space<hbm>>) dst(%arg10 : memref<125x80xi32, #tpu.memory_space<vmem>>)
      tpu.yield
    }) : () -> ()
    %broadcast_in_dim3A = arith.constant 0.000000e+00 : f32
    %broadcast_in_dim3A_0 = vector.broadcast %broadcast_in_dim3A : f32 to vector<16xf32>
    %scan3A = arith.constant 0 : i32
    %scan3A_1 = arith.constant 0 : i32
    %scan3A_2 = arith.constant 80 : i32
    %scan3A_3 = arith.addi %scan3A_1, %scan3A_2 : i32
    %scan3A_4 = arith.constant 1 : i32
    scf.for %scan3A_55 = %scan3A_1 to %scan3A_3 step %scan3A_4  : i32 {
      %swap3A = arith.index_cast %scan3A_55 : i32 to index
      %swap3A_56 = arith.constant 0 : index
      %swap3A_57 = tpu.vector_load %arg12[%swap3A, %swap3A_56] {strides = array<i32>} : memref<80x128xf32, #tpu.memory_space<vmem>>, vector<1x16xf32>,
      %swap3A_58 = vector.shape_cast %swap3A_57 : vector<1x16xf32> to vector<16xf32>
      %swap3A_59 = vector.shape_cast %broadcast_in_dim3A_0 : vector<16xf32> to vector<1x16xf32>
      tpu.vector_store %arg12[%swap3A, %swap3A_56], %swap3A_59 {strides = array<i32>} : memref<80x128xf32, #tpu.memory_space<vmem>>, vector<1x16xf32>,
      %swap3A_60 = arith.index_cast %scan3A_55 : i32 to index
      %swap3A_61 = arith.constant 16 : index
      %swap3A_62 = tpu.vector_load %arg12[%swap3A_60, %swap3A_61] {strides = array<i32>} : memref<80x128xf32, #tpu.memory_space<vmem>>, vector<1x16xf32>,
      %swap3A_63 = vector.shape_cast %swap3A_62 : vector<1x16xf32> to vector<16xf32>
      %swap3A_64 = vector.shape_cast %broadcast_in_dim3A_0 : vector<16xf32> to vector<1x16xf32>
      tpu.vector_store %arg12[%swap3A_60, %swap3A_61], %swap3A_64 {strides = array<i32>} : memref<80x128xf32, #tpu.memory_space<vmem>>, vector<1x16xf32>,
      %swap3A_65 = arith.index_cast %scan3A_55 : i32 to index
      %swap3A_66 = arith.constant 32 : index
      %swap3A_67 = tpu.vector_load %arg12[%swap3A_65, %swap3A_66] {strides = array<i32>} : memref<80x128xf32, #tpu.memory_space<vmem>>, vector<1x16xf32>,
      %swap3A_68 = vector.shape_cast %swap3A_67 : vector<1x16xf32> to vector<16xf32>
      %swap3A_69 = vector.shape_cast %broadcast_in_dim3A_0 : vector<16xf32> to vector<1x16xf32>
      tpu.vector_store %arg12[%swap3A_65, %swap3A_66], %swap3A_69 {strides = array<i32>} : memref<80x128xf32, #tpu.memory_space<vmem>>, vector<1x16xf32>,
      %swap3A_70 = arith.index_cast %scan3A_55 : i32 to index
      %swap3A_71 = arith.constant 48 : index
      %swap3A_72 = tpu.vector_load %arg12[%swap3A_70, %swap3A_71] {strides = array<i32>} : memref<80x128xf32, #tpu.memory_space<vmem>>, vector<1x16xf32>,
      %swap3A_73 = vector.shape_cast %swap3A_72 : vector<1x16xf32> to vector<16xf32>
      %swap3A_74 = vector.shape_cast %broadcast_in_dim3A_0 : vector<16xf32> to vector<1x16xf32>
      tpu.vector_store %arg12[%swap3A_70, %swap3A_71], %swap3A_74 {strides = array<i32>} : memref<80x128xf32, #tpu.memory_space<vmem>>, vector<1x16xf32>,
      %swap3A_75 = arith.index_cast %scan3A_55 : i32 to index
      %swap3A_76 = arith.constant 64 : index
      %swap3A_77 = tpu.vector_load %arg12[%swap3A_75, %swap3A_76] {strides = array<i32>} : memref<80x128xf32, #tpu.memory_space<vmem>>, vector<1x16xf32>,
      %swap3A_78 = vector.shape_cast %swap3A_77 : vector<1x16xf32> to vector<16xf32>
      %swap3A_79 = vector.shape_cast %broadcast_in_dim3A_0 : vector<16xf32> to vector<1x16xf32>
      tpu.vector_store %arg12[%swap3A_75, %swap3A_76], %swap3A_79 {strides = array<i32>} : memref<80x128xf32, #tpu.memory_space<vmem>>, vector<1x16xf32>,
      %swap3A_80 = arith.index_cast %scan3A_55 : i32 to index
      %swap3A_81 = arith.constant 80 : index
      %swap3A_82 = tpu.vector_load %arg12[%swap3A_80, %swap3A_81] {strides = array<i32>} : memref<80x128xf32, #tpu.memory_space<vmem>>, vector<1x16xf32>,
      %swap3A_83 = vector.shape_cast %swap3A_82 : vector<1x16xf32> to vector<16xf32>
      %swap3A_84 = vector.shape_cast %broadcast_in_dim3A_0 : vector<16xf32> to vector<1x16xf32>
      tpu.vector_store %arg12[%swap3A_80, %swap3A_81], %swap3A_84 {strides = array<i32>} : memref<80x128xf32, #tpu.memory_space<vmem>>, vector<1x16xf32>,
      %swap3A_85 = arith.index_cast %scan3A_55 : i32 to index
      %swap3A_86 = arith.constant 96 : index
      %swap3A_87 = tpu.vector_load %arg12[%swap3A_85, %swap3A_86] {strides = array<i32>} : memref<80x128xf32, #tpu.memory_space<vmem>>, vector<1x16xf32>,
      %swap3A_88 = vector.shape_cast %swap3A_87 : vector<1x16xf32> to vector<16xf32>
      %swap3A_89 = vector.shape_cast %broadcast_in_dim3A_0 : vector<16xf32> to vector<1x16xf32>
      tpu.vector_store %arg12[%swap3A_85, %swap3A_86], %swap3A_89 {strides = array<i32>} : memref<80x128xf32, #tpu.memory_space<vmem>>, vector<1x16xf32>,
      %swap3A_90 = arith.index_cast %scan3A_55 : i32 to index
      %swap3A_91 = arith.constant 112 : index
      %swap3A_92 = tpu.vector_load %arg12[%swap3A_90, %swap3A_91] {strides = array<i32>} : memref<80x128xf32, #tpu.memory_space<vmem>>, vector<1x16xf32>,
      %swap3A_93 = vector.shape_cast %swap3A_92 : vector<1x16xf32> to vector<16xf32>
      %swap3A_94 = vector.shape_cast %broadcast_in_dim3A_0 : vector<16xf32> to vector<1x16xf32>
      tpu.vector_store %arg12[%swap3A_90, %swap3A_91], %swap3A_94 {strides = array<i32>} : memref<80x128xf32, #tpu.memory_space<vmem>>, vector<1x16xf32>,
    }
    %scan3A_5 = arith.constant 80 : i32
    %mul3A = arith.constant 640 : i32
    %mul3A_6 = arith.muli %arg1, %mul3A : i32
    %add3A = arith.constant 0 : i32
    %add3A_7 = arith.addi %mul3A_6, %add3A : i32
    "tpu.region"() ({
      %run_scoped3A = tpu.sem_alloc : memref<!tpu.dma_semaphore, #tpu.memory_space<semaphore_mem>>
      %dma_start3A = arith.constant 0 : i32
      %dma_start3A_55 = tpu.memref_slice %arg13[%add3A_7, %dma_start3A] : memref<10240x128xf32, #tpu.memory_space<vmem_shared>> -> memref<80x128xf32, #tpu.memory_space<vmem_shared>>
      %dma_start3A_56 = arith.constant 0 : i32
      %dma_start3A_57 = tpu.memref_slice %arg13[%add3A_7, %dma_start3A_56] : memref<10240x128xf32, #tpu.memory_space<vmem_shared>> -> memref<80x128xf32, #tpu.memory_space<vmem_shared>>
      tpu.enqueue_dma source(%arg12 : memref<80x128xf32, #tpu.memory_space<vmem>>) target(%dma_start3A_57 : memref<80x128xf32, #tpu.memory_space<vmem_shared>>) target_semaphore(%run_scoped3A : memref<!tpu.dma_semaphore, #tpu.memory_space<semaphore_mem>>)
      %dma_wait3A = arith.constant 0 : i32
      %dma_wait3A_58 = tpu.memref_slice %arg13[%add3A_7, %dma_wait3A] : memref<10240x128xf32, #tpu.memory_space<vmem_shared>> -> memref<80x128xf32, #tpu.memory_space<vmem_shared>>
      %dma_wait3A_59 = arith.constant 0 : i32
      %dma_wait3A_60 = tpu.memref_slice %arg13[%add3A_7, %dma_wait3A_59] : memref<10240x128xf32, #tpu.memory_space<vmem_shared>> -> memref<80x128xf32, #tpu.memory_space<vmem_shared>>
      tpu.wait_dma2 semaphore(%run_scoped3A : memref<!tpu.dma_semaphore, #tpu.memory_space<semaphore_mem>>) src(%arg12 : memref<80x128xf32, #tpu.memory_space<vmem>>) dst(%dma_wait3A_60 : memref<80x128xf32, #tpu.memory_space<vmem_shared>>)
      tpu.yield
    }) : () -> ()
    %mul3A_8 = arith.constant 640 : i32
    %mul3A_9 = arith.muli %arg1, %mul3A_8 : i32
    %add3A_10 = arith.constant 80 : i32
    %add3A_11 = arith.addi %mul3A_9, %add3A_10 : i32
    "tpu.region"() ({
      %run_scoped3A = tpu.sem_alloc : memref<!tpu.dma_semaphore, #tpu.memory_space<semaphore_mem>>
      %dma_start3A = arith.constant 0 : i32
      %dma_start3A_55 = tpu.memref_slice %arg13[%add3A_11, %dma_start3A] : memref<10240x128xf32, #tpu.memory_space<vmem_shared>> -> memref<80x128xf32, #tpu.memory_space<vmem_shared>>
      %dma_start3A_56 = arith.constant 0 : i32
      %dma_start3A_57 = tpu.memref_slice %arg13[%add3A_11, %dma_start3A_56] : memref<10240x128xf32, #tpu.memory_space<vmem_shared>> -> memref<80x128xf32, #tpu.memory_space<vmem_shared>>
      tpu.enqueue_dma source(%arg12 : memref<80x128xf32, #tpu.memory_space<vmem>>) target(%dma_start3A_57 : memref<80x128xf32, #tpu.memory_space<vmem_shared>>) target_semaphore(%run_scoped3A : memref<!tpu.dma_semaphore, #tpu.memory_space<semaphore_mem>>)
      %dma_wait3A = arith.constant 0 : i32
      %dma_wait3A_58 = tpu.memref_slice %arg13[%add3A_11, %dma_wait3A] : memref<10240x128xf32, #tpu.memory_space<vmem_shared>> -> memref<80x128xf32, #tpu.memory_space<vmem_shared>>
      %dma_wait3A_59 = arith.constant 0 : i32
      %dma_wait3A_60 = tpu.memref_slice %arg13[%add3A_11, %dma_wait3A_59] : memref<10240x128xf32, #tpu.memory_space<vmem_shared>> -> memref<80x128xf32, #tpu.memory_space<vmem_shared>>
      tpu.wait_dma2 semaphore(%run_scoped3A : memref<!tpu.dma_semaphore, #tpu.memory_space<semaphore_mem>>) src(%arg12 : memref<80x128xf32, #tpu.memory_space<vmem>>) dst(%dma_wait3A_60 : memref<80x128xf32, #tpu.memory_space<vmem_shared>>)
      tpu.yield
    }) : () -> ()
    %mul3A_12 = arith.constant 640 : i32
    %mul3A_13 = arith.muli %arg1, %mul3A_12 : i32
    %add3A_14 = arith.constant 160 : i32
    %add3A_15 = arith.addi %mul3A_13, %add3A_14 : i32
    "tpu.region"() ({
      %run_scoped3A = tpu.sem_alloc : memref<!tpu.dma_semaphore, #tpu.memory_space<semaphore_mem>>
      %dma_start3A = arith.constant 0 : i32
      %dma_start3A_55 = tpu.memref_slice %arg13[%add3A_15, %dma_start3A] : memref<10240x128xf32, #tpu.memory_space<vmem_shared>> -> memref<80x128xf32, #tpu.memory_space<vmem_shared>>
      %dma_start3A_56 = arith.constant 0 : i32
      %dma_start3A_57 = tpu.memref_slice %arg13[%add3A_15, %dma_start3A_56] : memref<10240x128xf32, #tpu.memory_space<vmem_shared>> -> memref<80x128xf32, #tpu.memory_space<vmem_shared>>
      tpu.enqueue_dma source(%arg12 : memref<80x128xf32, #tpu.memory_space<vmem>>) target(%dma_start3A_57 : memref<80x128xf32, #tpu.memory_space<vmem_shared>>) target_semaphore(%run_scoped3A : memref<!tpu.dma_semaphore, #tpu.memory_space<semaphore_mem>>)
      %dma_wait3A = arith.constant 0 : i32
      %dma_wait3A_58 = tpu.memref_slice %arg13[%add3A_15, %dma_wait3A] : memref<10240x128xf32, #tpu.memory_space<vmem_shared>> -> memref<80x128xf32, #tpu.memory_space<vmem_shared>>
      %dma_wait3A_59 = arith.constant 0 : i32
      %dma_wait3A_60 = tpu.memref_slice %arg13[%add3A_15, %dma_wait3A_59] : memref<10240x128xf32, #tpu.memory_space<vmem_shared>> -> memref<80x128xf32, #tpu.memory_space<vmem_shared>>
      tpu.wait_dma2 semaphore(%run_scoped3A : memref<!tpu.dma_semaphore, #tpu.memory_space<semaphore_mem>>) src(%arg12 : memref<80x128xf32, #tpu.memory_space<vmem>>) dst(%dma_wait3A_60 : memref<80x128xf32, #tpu.memory_space<vmem_shared>>)
      tpu.yield
    }) : () -> ()
    %mul3A_16 = arith.constant 640 : i32
    %mul3A_17 = arith.muli %arg1, %mul3A_16 : i32
    %add3A_18 = arith.constant 240 : i32
    %add3A_19 = arith.addi %mul3A_17, %add3A_18 : i32
    "tpu.region"() ({
      %run_scoped3A = tpu.sem_alloc : memref<!tpu.dma_semaphore, #tpu.memory_space<semaphore_mem>>
      %dma_start3A = arith.constant 0 : i32
      %dma_start3A_55 = tpu.memref_slice %arg13[%add3A_19, %dma_start3A] : memref<10240x128xf32, #tpu.memory_space<vmem_shared>> -> memref<80x128xf32, #tpu.memory_space<vmem_shared>>
      %dma_start3A_56 = arith.constant 0 : i32
      %dma_start3A_57 = tpu.memref_slice %arg13[%add3A_19, %dma_start3A_56] : memref<10240x128xf32, #tpu.memory_space<vmem_shared>> -> memref<80x128xf32, #tpu.memory_space<vmem_shared>>
      tpu.enqueue_dma source(%arg12 : memref<80x128xf32, #tpu.memory_space<vmem>>) target(%dma_start3A_57 : memref<80x128xf32, #tpu.memory_space<vmem_shared>>) target_semaphore(%run_scoped3A : memref<!tpu.dma_semaphore, #tpu.memory_space<semaphore_mem>>)
      %dma_wait3A = arith.constant 0 : i32
      %dma_wait3A_58 = tpu.memref_slice %arg13[%add3A_19, %dma_wait3A] : memref<10240x128xf32, #tpu.memory_space<vmem_shared>> -> memref<80x128xf32, #tpu.memory_space<vmem_shared>>
      %dma_wait3A_59 = arith.constant 0 : i32
      %dma_wait3A_60 = tpu.memref_slice %arg13[%add3A_19, %dma_wait3A_59] : memref<10240x128xf32, #tpu.memory_space<vmem_shared>> -> memref<80x128xf32, #tpu.memory_space<vmem_shared>>
      tpu.wait_dma2 semaphore(%run_scoped3A : memref<!tpu.dma_semaphore, #tpu.memory_space<semaphore_mem>>) src(%arg12 : memref<80x128xf32, #tpu.memory_space<vmem>>) dst(%dma_wait3A_60 : memref<80x128xf32, #tpu.memory_space<vmem_shared>>)
      tpu.yield
    }) : () -> ()
    %mul3A_20 = arith.constant 640 : i32
    %mul3A_21 = arith.muli %arg1, %mul3A_20 : i32
    %add3A_22 = arith.constant 320 : i32
    %add3A_23 = arith.addi %mul3A_21, %add3A_22 : i32
    "tpu.region"() ({
      %run_scoped3A = tpu.sem_alloc : memref<!tpu.dma_semaphore, #tpu.memory_space<semaphore_mem>>
      %dma_start3A = arith.constant 0 : i32
      %dma_start3A_55 = tpu.memref_slice %arg13[%add3A_23, %dma_start3A] : memref<10240x128xf32, #tpu.memory_space<vmem_shared>> -> memref<80x128xf32, #tpu.memory_space<vmem_shared>>
      %dma_start3A_56 = arith.constant 0 : i32
      %dma_start3A_57 = tpu.memref_slice %arg13[%add3A_23, %dma_start3A_56] : memref<10240x128xf32, #tpu.memory_space<vmem_shared>> -> memref<80x128xf32, #tpu.memory_space<vmem_shared>>
      tpu.enqueue_dma source(%arg12 : memref<80x128xf32, #tpu.memory_space<vmem>>) target(%dma_start3A_57 : memref<80x128xf32, #tpu.memory_space<vmem_shared>>) target_semaphore(%run_scoped3A : memref<!tpu.dma_semaphore, #tpu.memory_space<semaphore_mem>>)
      %dma_wait3A = arith.constant 0 : i32
      %dma_wait3A_58 = tpu.memref_slice %arg13[%add3A_23, %dma_wait3A] : memref<10240x128xf32, #tpu.memory_space<vmem_shared>> -> memref<80x128xf32, #tpu.memory_space<vmem_shared>>
      %dma_wait3A_59 = arith.constant 0 : i32
      %dma_wait3A_60 = tpu.memref_slice %arg13[%add3A_23, %dma_wait3A_59] : memref<10240x128xf32, #tpu.memory_space<vmem_shared>> -> memref<80x128xf32, #tpu.memory_space<vmem_shared>>
      tpu.wait_dma2 semaphore(%run_scoped3A : memref<!tpu.dma_semaphore, #tpu.memory_space<semaphore_mem>>) src(%arg12 : memref<80x128xf32, #tpu.memory_space<vmem>>) dst(%dma_wait3A_60 : memref<80x128xf32, #tpu.memory_space<vmem_shared>>)
      tpu.yield
    }) : () -> ()
    %mul3A_24 = arith.constant 640 : i32
    %mul3A_25 = arith.muli %arg1, %mul3A_24 : i32
    %add3A_26 = arith.constant 400 : i32
    %add3A_27 = arith.addi %mul3A_25, %add3A_26 : i32
    "tpu.region"() ({
      %run_scoped3A = tpu.sem_alloc : memref<!tpu.dma_semaphore, #tpu.memory_space<semaphore_mem>>
      %dma_start3A = arith.constant 0 : i32
      %dma_start3A_55 = tpu.memref_slice %arg13[%add3A_27, %dma_start3A] : memref<10240x128xf32, #tpu.memory_space<vmem_shared>> -> memref<80x128xf32, #tpu.memory_space<vmem_shared>>
      %dma_start3A_56 = arith.constant 0 : i32
      %dma_start3A_57 = tpu.memref_slice %arg13[%add3A_27, %dma_start3A_56] : memref<10240x128xf32, #tpu.memory_space<vmem_shared>> -> memref<80x128xf32, #tpu.memory_space<vmem_shared>>
      tpu.enqueue_dma source(%arg12 : memref<80x128xf32, #tpu.memory_space<vmem>>) target(%dma_start3A_57 : memref<80x128xf32, #tpu.memory_space<vmem_shared>>) target_semaphore(%run_scoped3A : memref<!tpu.dma_semaphore, #tpu.memory_space<semaphore_mem>>)
      %dma_wait3A = arith.constant 0 : i32
      %dma_wait3A_58 = tpu.memref_slice %arg13[%add3A_27, %dma_wait3A] : memref<10240x128xf32, #tpu.memory_space<vmem_shared>> -> memref<80x128xf32, #tpu.memory_space<vmem_shared>>
      %dma_wait3A_59 = arith.constant 0 : i32
      %dma_wait3A_60 = tpu.memref_slice %arg13[%add3A_27, %dma_wait3A_59] : memref<10240x128xf32, #tpu.memory_space<vmem_shared>> -> memref<80x128xf32, #tpu.memory_space<vmem_shared>>
      tpu.wait_dma2 semaphore(%run_scoped3A : memref<!tpu.dma_semaphore, #tpu.memory_space<semaphore_mem>>) src(%arg12 : memref<80x128xf32, #tpu.memory_space<vmem>>) dst(%dma_wait3A_60 : memref<80x128xf32, #tpu.memory_space<vmem_shared>>)
      tpu.yield
    }) : () -> ()
    %mul3A_28 = arith.constant 640 : i32
    %mul3A_29 = arith.muli %arg1, %mul3A_28 : i32
    %add3A_30 = arith.constant 480 : i32
    %add3A_31 = arith.addi %mul3A_29, %add3A_30 : i32
    "tpu.region"() ({
      %run_scoped3A = tpu.sem_alloc : memref<!tpu.dma_semaphore, #tpu.memory_space<semaphore_mem>>
      %dma_start3A = arith.constant 0 : i32
      %dma_start3A_55 = tpu.memref_slice %arg13[%add3A_31, %dma_start3A] : memref<10240x128xf32, #tpu.memory_space<vmem_shared>> -> memref<80x128xf32, #tpu.memory_space<vmem_shared>>
      %dma_start3A_56 = arith.constant 0 : i32
      %dma_start3A_57 = tpu.memref_slice %arg13[%add3A_31, %dma_start3A_56] : memref<10240x128xf32, #tpu.memory_space<vmem_shared>> -> memref<80x128xf32, #tpu.memory_space<vmem_shared>>
      tpu.enqueue_dma source(%arg12 : memref<80x128xf32, #tpu.memory_space<vmem>>) target(%dma_start3A_57 : memref<80x128xf32, #tpu.memory_space<vmem_shared>>) target_semaphore(%run_scoped3A : memref<!tpu.dma_semaphore, #tpu.memory_space<semaphore_mem>>)
      %dma_wait3A = arith.constant 0 : i32
      %dma_wait3A_58 = tpu.memref_slice %arg13[%add3A_31, %dma_wait3A] : memref<10240x128xf32, #tpu.memory_space<vmem_shared>> -> memref<80x128xf32, #tpu.memory_space<vmem_shared>>
      %dma_wait3A_59 = arith.constant 0 : i32
      %dma_wait3A_60 = tpu.memref_slice %arg13[%add3A_31, %dma_wait3A_59] : memref<10240x128xf32, #tpu.memory_space<vmem_shared>> -> memref<80x128xf32, #tpu.memory_space<vmem_shared>>
      tpu.wait_dma2 semaphore(%run_scoped3A : memref<!tpu.dma_semaphore, #tpu.memory_space<semaphore_mem>>) src(%arg12 : memref<80x128xf32, #tpu.memory_space<vmem>>) dst(%dma_wait3A_60 : memref<80x128xf32, #tpu.memory_space<vmem_shared>>)
      tpu.yield
    }) : () -> ()
    %mul3A_32 = arith.constant 640 : i32
    %mul3A_33 = arith.muli %arg1, %mul3A_32 : i32
    %add3A_34 = arith.constant 560 : i32
    %add3A_35 = arith.addi %mul3A_33, %add3A_34 : i32
    "tpu.region"() ({
      %run_scoped3A = tpu.sem_alloc : memref<!tpu.dma_semaphore, #tpu.memory_space<semaphore_mem>>
      %dma_start3A = arith.constant 0 : i32
      %dma_start3A_55 = tpu.memref_slice %arg13[%add3A_35, %dma_start3A] : memref<10240x128xf32, #tpu.memory_space<vmem_shared>> -> memref<80x128xf32, #tpu.memory_space<vmem_shared>>
      %dma_start3A_56 = arith.constant 0 : i32
      %dma_start3A_57 = tpu.memref_slice %arg13[%add3A_35, %dma_start3A_56] : memref<10240x128xf32, #tpu.memory_space<vmem_shared>> -> memref<80x128xf32, #tpu.memory_space<vmem_shared>>
      tpu.enqueue_dma source(%arg12 : memref<80x128xf32, #tpu.memory_space<vmem>>) target(%dma_start3A_57 : memref<80x128xf32, #tpu.memory_space<vmem_shared>>) target_semaphore(%run_scoped3A : memref<!tpu.dma_semaphore, #tpu.memory_space<semaphore_mem>>)
      %dma_wait3A = arith.constant 0 : i32
      %dma_wait3A_58 = tpu.memref_slice %arg13[%add3A_35, %dma_wait3A] : memref<10240x128xf32, #tpu.memory_space<vmem_shared>> -> memref<80x128xf32, #tpu.memory_space<vmem_shared>>
      %dma_wait3A_59 = arith.constant 0 : i32
      %dma_wait3A_60 = tpu.memref_slice %arg13[%add3A_35, %dma_wait3A_59] : memref<10240x128xf32, #tpu.memory_space<vmem_shared>> -> memref<80x128xf32, #tpu.memory_space<vmem_shared>>
      tpu.wait_dma2 semaphore(%run_scoped3A : memref<!tpu.dma_semaphore, #tpu.memory_space<semaphore_mem>>) src(%arg12 : memref<80x128xf32, #tpu.memory_space<vmem>>) dst(%dma_wait3A_60 : memref<80x128xf32, #tpu.memory_space<vmem_shared>>)
      tpu.yield
    }) : () -> ()
    %barrier3A = arith.constant 0 : index
    tpu.barrier barrier_id(%barrier3A)
    %eq3A = arith.constant 0 : i32
    %eq3A_36 = arith.cmpi eq, %arg0, %eq3A : i32
    %convert_element_type3A = arith.extui %eq3A_36 : i1 to i32
    %cond3A = arith.constant 0 : i32
    %cond3A_37 = arith.cmpi ne, %convert_element_type3A, %cond3A : i32
    scf.if %cond3A_37 {
      %scan3A_55 = arith.constant 0 : i32
      %scan3A_56 = arith.constant 0 : i32
      %scan3A_57 = arith.constant 125 : i32
      %scan3A_58 = arith.addi %scan3A_56, %scan3A_57 : i32
      %scan3A_59 = arith.constant 1 : i32
      scf.for %scan3A_61 = %scan3A_56 to %scan3A_58 step %scan3A_59  : i32 {
        %mul3A_62 = arith.constant 125 : i32
        %mul3A_63 = arith.muli %arg1, %mul3A_62 : i32
        %add3A_64 = arith.addi %mul3A_63, %scan3A_61 : i32
        %mul3A_65 = arith.constant 80 : i32
        %mul3A_66 = arith.muli %add3A_64, %mul3A_65 : i32
        %mul3A_67 = arith.constant 16 : i32
        %mul3A_68 = arith.muli %mul3A_66, %mul3A_67 : i32
        "tpu.region"() ({
          %run_scoped3A = tpu.sem_alloc : memref<!tpu.dma_semaphore, #tpu.memory_space<semaphore_mem>>
          %dma_start3A_85 = tpu.memref_slice %arg6[%mul3A_68] : memref<2560000xf32, #tpu.memory_space<hbm>> -> memref<1280xf32, #tpu.memory_space<hbm>>
          %dma_start3A_86 = tpu.memref_slice %arg6[%mul3A_68] : memref<2560000xf32, #tpu.memory_space<hbm>> -> memref<1280xf32, #tpu.memory_space<hbm>>
          tpu.enqueue_dma source(%dma_start3A_86 : memref<1280xf32, #tpu.memory_space<hbm>>) target(%arg11 : memref<1280xf32, #tpu.memory_space<vmem>>) target_semaphore(%run_scoped3A : memref<!tpu.dma_semaphore, #tpu.memory_space<semaphore_mem>>)
          %dma_wait3A_87 = tpu.memref_slice %arg6[%mul3A_68] : memref<2560000xf32, #tpu.memory_space<hbm>> -> memref<1280xf32, #tpu.memory_space<hbm>>
          %dma_wait3A_88 = tpu.memref_slice %arg6[%mul3A_68] : memref<2560000xf32, #tpu.memory_space<hbm>> -> memref<1280xf32, #tpu.memory_space<hbm>>
          tpu.wait_dma2 semaphore(%run_scoped3A : memref<!tpu.dma_semaphore, #tpu.memory_space<semaphore_mem>>) src(%dma_wait3A_88 : memref<1280xf32, #tpu.memory_space<hbm>>) dst(%arg11 : memref<1280xf32, #tpu.memory_space<vmem>>)
          tpu.yield
        }) : () -> ()
        %dma_start3A = arith.constant 0 : i32
        %dma_start3A_69 = tpu.memref_slice %arg9[%scan3A_61, %dma_start3A] : memref<125x80xi32, #tpu.memory_space<vmem>> -> memref<1x80xi32, #tpu.memory_space<vmem>>
        %dma_start3A_70 = tpu.memref_squeeze %dma_start3A_69 : memref<1x80xi32, #tpu.memory_space<vmem>> -> memref<80xi32, #tpu.memory_space<vmem>>
        %dma_start3A_71 = arith.constant 0 : i32
        %dma_start3A_72 = arith.constant 0 : i32
        %dma_start3A_73 = tpu.memref_slice %arg2[%dma_start3A_71, %dma_start3A_72] : memref<10000x128xf32, #tpu.memory_space<hbm>> -> memref<10000x128xf32, #tpu.memory_space<hbm>>
        tpu.enqueue_indirect_dma source(%dma_start3A_73 : memref<10000x128xf32, #tpu.memory_space<hbm>>) target(%arg12 : memref<80x128xf32, #tpu.memory_space<vmem>>) offsets(%dma_start3A_70 : memref<80xi32, #tpu.memory_space<vmem>>) semaphore(%arg14 : memref<!tpu.dma_semaphore, #tpu.memory_space<semaphore_mem>>)
        %dma_wait3A = arith.constant 0 : i32
        %dma_wait3A_74 = tpu.memref_slice %arg9[%scan3A_61, %dma_wait3A] : memref<125x80xi32, #tpu.memory_space<vmem>> -> memref<1x80xi32, #tpu.memory_space<vmem>>
        %dma_wait3A_75 = tpu.memref_squeeze %dma_wait3A_74 : memref<1x80xi32, #tpu.memory_space<vmem>> -> memref<80xi32, #tpu.memory_space<vmem>>
        %dma_wait3A_76 = arith.constant 0 : i32
        %dma_wait3A_77 = arith.constant 0 : i32
        %dma_wait3A_78 = tpu.memref_slice %arg2[%dma_wait3A_76, %dma_wait3A_77] : memref<10000x128xf32, #tpu.memory_space<hbm>> -> memref<10000x128xf32, #tpu.memory_space<hbm>>
        tpu.wait_indirect_dma semaphore(%arg14 : memref<!tpu.dma_semaphore, #tpu.memory_space<semaphore_mem>>) src(%dma_wait3A_78 : memref<10000x128xf32, #tpu.memory_space<hbm>>) dst(%arg12 : memref<80x128xf32, #tpu.memory_space<vmem>>)
        %scan3A_79 = arith.constant 0 : i32
        %scan3A_80 = arith.constant 0 : i32
        %scan3A_81 = arith.constant 80 : i32
        %scan3A_82 = arith.addi %scan3A_80, %scan3A_81 : i32
        %scan3A_83 = arith.constant 1 : i32
        scf.for %scan3A_85 = %scan3A_80 to %scan3A_82 step %scan3A_83  : i32 {
          %mul3A_86 = arith.constant 16 : i32
          %mul3A_87 = arith.muli %scan3A_85, %mul3A_86 : i32
          %get3A = arith.index_cast %mul3A_87 : i32 to index
          %get3A_88 = tpu.vector_load %arg11[%get3A] {strides = array<i32>} : memref<1280xf32, #tpu.memory_space<vmem>>, vector<16xf32>,
          %get3A_89 = vector.shape_cast %get3A_88 : vector<16xf32> to vector<16xf32>
          %get3A_90 = arith.index_cast %scan3A_85 : i32 to index
          %get3A_91 = arith.constant 0 : index
          %get3A_92 = tpu.vector_load %arg12[%get3A_90, %get3A_91] {strides = array<i32>} : memref<80x128xf32, #tpu.memory_space<vmem>>, vector<1x16xf32>,
          %get3A_93 = vector.shape_cast %get3A_92 : vector<1x16xf32> to vector<16xf32>
          %mul3A_94 = arith.mulf %get3A_93, %get3A_89 : vector<16xf32>
          %swap3A = arith.index_cast %scan3A_85 : i32 to index
          %swap3A_95 = arith.constant 0 : index
          %swap3A_96 = tpu.vector_load %arg12[%swap3A, %swap3A_95] {strides = array<i32>} : memref<80x128xf32, #tpu.memory_space<vmem>>, vector<1x16xf32>,
          %swap3A_97 = vector.shape_cast %swap3A_96 : vector<1x16xf32> to vector<16xf32>
          %swap3A_98 = vector.shape_cast %mul3A_94 : vector<16xf32> to vector<1x16xf32>
          tpu.vector_store %arg12[%swap3A, %swap3A_95], %swap3A_98 {strides = array<i32>} : memref<80x128xf32, #tpu.memory_space<vmem>>, vector<1x16xf32>,
          %get3A_99 = arith.index_cast %scan3A_85 : i32 to index
          %get3A_100 = arith.constant 16 : index
          %get3A_101 = tpu.vector_load %arg12[%get3A_99, %get3A_100] {strides = array<i32>} : memref<80x128xf32, #tpu.memory_space<vmem>>, vector<1x16xf32>,
          %get3A_102 = vector.shape_cast %get3A_101 : vector<1x16xf32> to vector<16xf32>
          %mul3A_103 = arith.mulf %get3A_102, %get3A_89 : vector<16xf32>
          %swap3A_104 = arith.index_cast %scan3A_85 : i32 to index
          %swap3A_105 = arith.constant 16 : index
          %swap3A_106 = tpu.vector_load %arg12[%swap3A_104, %swap3A_105] {strides = array<i32>} : memref<80x128xf32, #tpu.memory_space<vmem>>, vector<1x16xf32>,
          %swap3A_107 = vector.shape_cast %swap3A_106 : vector<1x16xf32> to vector<16xf32>
          %swap3A_108 = vector.shape_cast %mul3A_103 : vector<16xf32> to vector<1x16xf32>
          tpu.vector_store %arg12[%swap3A_104, %swap3A_105], %swap3A_108 {strides = array<i32>} : memref<80x128xf32, #tpu.memory_space<vmem>>, vector<1x16xf32>,
          %get3A_109 = arith.index_cast %scan3A_85 : i32 to index
          %get3A_110 = arith.constant 32 : index
          %get3A_111 = tpu.vector_load %arg12[%get3A_109, %get3A_110] {strides = array<i32>} : memref<80x128xf32, #tpu.memory_space<vmem>>, vector<1x16xf32>,
          %get3A_112 = vector.shape_cast %get3A_111 : vector<1x16xf32> to vector<16xf32>
          %mul3A_113 = arith.mulf %get3A_112, %get3A_89 : vector<16xf32>
          %swap3A_114 = arith.index_cast %scan3A_85 : i32 to index
          %swap3A_115 = arith.constant 32 : index
          %swap3A_116 = tpu.vector_load %arg12[%swap3A_114, %swap3A_115] {strides = array<i32>} : memref<80x128xf32, #tpu.memory_space<vmem>>, vector<1x16xf32>,
          %swap3A_117 = vector.shape_cast %swap3A_116 : vector<1x16xf32> to vector<16xf32>
          %swap3A_118 = vector.shape_cast %mul3A_113 : vector<16xf32> to vector<1x16xf32>
          tpu.vector_store %arg12[%swap3A_114, %swap3A_115], %swap3A_118 {strides = array<i32>} : memref<80x128xf32, #tpu.memory_space<vmem>>, vector<1x16xf32>,
          %get3A_119 = arith.index_cast %scan3A_85 : i32 to index
          %get3A_120 = arith.constant 48 : index
          %get3A_121 = tpu.vector_load %arg12[%get3A_119, %get3A_120] {strides = array<i32>} : memref<80x128xf32, #tpu.memory_space<vmem>>, vector<1x16xf32>,
          %get3A_122 = vector.shape_cast %get3A_121 : vector<1x16xf32> to vector<16xf32>
          %mul3A_123 = arith.mulf %get3A_122, %get3A_89 : vector<16xf32>
          %swap3A_124 = arith.index_cast %scan3A_85 : i32 to index
          %swap3A_125 = arith.constant 48 : index
          %swap3A_126 = tpu.vector_load %arg12[%swap3A_124, %swap3A_125] {strides = array<i32>} : memref<80x128xf32, #tpu.memory_space<vmem>>, vector<1x16xf32>,
          %swap3A_127 = vector.shape_cast %swap3A_126 : vector<1x16xf32> to vector<16xf32>
          %swap3A_128 = vector.shape_cast %mul3A_123 : vector<16xf32> to vector<1x16xf32>
          tpu.vector_store %arg12[%swap3A_124, %swap3A_125], %swap3A_128 {strides = array<i32>} : memref<80x128xf32, #tpu.memory_space<vmem>>, vector<1x16xf32>,
          %get3A_129 = arith.index_cast %scan3A_85 : i32 to index
          %get3A_130 = arith.constant 64 : index
          %get3A_131 = tpu.vector_load %arg12[%get3A_129, %get3A_130] {strides = array<i32>} : memref<80x128xf32, #tpu.memory_space<vmem>>, vector<1x16xf32>,
          %get3A_132 = vector.shape_cast %get3A_131 : vector<1x16xf32> to vector<16xf32>
          %mul3A_133 = arith.mulf %get3A_132, %get3A_89 : vector<16xf32>
          %swap3A_134 = arith.index_cast %scan3A_85 : i32 to index
          %swap3A_135 = arith.constant 64 : index
          %swap3A_136 = tpu.vector_load %arg12[%swap3A_134, %swap3A_135] {strides = array<i32>} : memref<80x128xf32, #tpu.memory_space<vmem>>, vector<1x16xf32>,
          %swap3A_137 = vector.shape_cast %swap3A_136 : vector<1x16xf32> to vector<16xf32>
          %swap3A_138 = vector.shape_cast %mul3A_133 : vector<16xf32> to vector<1x16xf32>
          tpu.vector_store %arg12[%swap3A_134, %swap3A_135], %swap3A_138 {strides = array<i32>} : memref<80x128xf32, #tpu.memory_space<vmem>>, vector<1x16xf32>,
          %get3A_139 = arith.index_cast %scan3A_85 : i32 to index
          %get3A_140 = arith.constant 80 : index
          %get3A_141 = tpu.vector_load %arg12[%get3A_139, %get3A_140] {strides = array<i32>} : memref<80x128xf32, #tpu.memory_space<vmem>>, vector<1x16xf32>,
          %get3A_142 = vector.shape_cast %get3A_141 : vector<1x16xf32> to vector<16xf32>
          %mul3A_143 = arith.mulf %get3A_142, %get3A_89 : vector<16xf32>
          %swap3A_144 = arith.index_cast %scan3A_85 : i32 to index
          %swap3A_145 = arith.constant 80 : index
          %swap3A_146 = tpu.vector_load %arg12[%swap3A_144, %swap3A_145] {strides = array<i32>} : memref<80x128xf32, #tpu.memory_space<vmem>>, vector<1x16xf32>,
          %swap3A_147 = vector.shape_cast %swap3A_146 : vector<1x16xf32> to vector<16xf32>
          %swap3A_148 = vector.shape_cast %mul3A_143 : vector<16xf32> to vector<1x16xf32>
          tpu.vector_store %arg12[%swap3A_144, %swap3A_145], %swap3A_148 {strides = array<i32>} : memref<80x128xf32, #tpu.memory_space<vmem>>, vector<1x16xf32>,
          %get3A_149 = arith.index_cast %scan3A_85 : i32 to index
          %get3A_150 = arith.constant 96 : index
          %get3A_151 = tpu.vector_load %arg12[%get3A_149, %get3A_150] {strides = array<i32>} : memref<80x128xf32, #tpu.memory_space<vmem>>, vector<1x16xf32>,
          %get3A_152 = vector.shape_cast %get3A_151 : vector<1x16xf32> to vector<16xf32>
          %mul3A_153 = arith.mulf %get3A_152, %get3A_89 : vector<16xf32>
          %swap3A_154 = arith.index_cast %scan3A_85 : i32 to index
          %swap3A_155 = arith.constant 96 : index
          %swap3A_156 = tpu.vector_load %arg12[%swap3A_154, %swap3A_155] {strides = array<i32>} : memref<80x128xf32, #tpu.memory_space<vmem>>, vector<1x16xf32>,
          %swap3A_157 = vector.shape_cast %swap3A_156 : vector<1x16xf32> to vector<16xf32>
          %swap3A_158 = vector.shape_cast %mul3A_153 : vector<16xf32> to vector<1x16xf32>
          tpu.vector_store %arg12[%swap3A_154, %swap3A_155], %swap3A_158 {strides = array<i32>} : memref<80x128xf32, #tpu.memory_space<vmem>>, vector<1x16xf32>,
          %get3A_159 = arith.index_cast %scan3A_85 : i32 to index
          %get3A_160 = arith.constant 112 : index
          %get3A_161 = tpu.vector_load %arg12[%get3A_159, %get3A_160] {strides = array<i32>} : memref<80x128xf32, #tpu.memory_space<vmem>>, vector<1x16xf32>,
          %get3A_162 = vector.shape_cast %get3A_161 : vector<1x16xf32> to vector<16xf32>
          %mul3A_163 = arith.mulf %get3A_162, %get3A_89 : vector<16xf32>
          %swap3A_164 = arith.index_cast %scan3A_85 : i32 to index
          %swap3A_165 = arith.constant 112 : index
          %swap3A_166 = tpu.vector_load %arg12[%swap3A_164, %swap3A_165] {strides = array<i32>} : memref<80x128xf32, #tpu.memory_space<vmem>>, vector<1x16xf32>,
          %swap3A_167 = vector.shape_cast %swap3A_166 : vector<1x16xf32> to vector<16xf32>
          %swap3A_168 = vector.shape_cast %mul3A_163 : vector<16xf32> to vector<1x16xf32>
          tpu.vector_store %arg12[%swap3A_164, %swap3A_165], %swap3A_168 {strides = array<i32>} : memref<80x128xf32, #tpu.memory_space<vmem>>, vector<1x16xf32>,
        }
        %scan3A_84 = arith.constant 80 : i32
        "tpu.region"() ({
          %run_scoped3A = tpu.sem_alloc : memref<!tpu.dma_semaphore, #tpu.memory_space<semaphore_mem>>
          %dma_start3A_85 = arith.constant 0 : i32
          %dma_start3A_86 = tpu.memref_slice %arg10[%scan3A_61, %dma_start3A_85] : memref<125x80xi32, #tpu.memory_space<vmem>> -> memref<1x80xi32, #tpu.memory_space<vmem>>
          %dma_start3A_87 = tpu.memref_squeeze %dma_start3A_86 : memref<1x80xi32, #tpu.memory_space<vmem>> -> memref<80xi32, #tpu.memory_space<vmem>>
          %dma_start3A_88 = arith.constant 0 : i32
          %dma_start3A_89 = arith.constant 0 : i32
          %dma_start3A_90 = tpu.memref_slice %arg13[%dma_start3A_88, %dma_start3A_89] : memref<10240x128xf32, #tpu.memory_space<vmem_shared>> -> memref<10240x128xf32, #tpu.memory_space<vmem_shared>>
          tpu.enqueue_indirect_dma source(%arg12 : memref<80x128xf32, #tpu.memory_space<vmem>>) target(%dma_start3A_90 : memref<10240x128xf32, #tpu.memory_space<vmem_shared>>) offsets(%dma_start3A_87 : memref<80xi32, #tpu.memory_space<vmem>>) semaphore(%run_scoped3A : memref<!tpu.dma_semaphore, #tpu.memory_space<semaphore_mem>>) {add = true}
          %dma_wait3A_91 = arith.constant 0 : i32
          %dma_wait3A_92 = tpu.memref_slice %arg10[%scan3A_61, %dma_wait3A_91] : memref<125x80xi32, #tpu.memory_space<vmem>> -> memref<1x80xi32, #tpu.memory_space<vmem>>
          %dma_wait3A_93 = tpu.memref_squeeze %dma_wait3A_92 : memref<1x80xi32, #tpu.memory_space<vmem>> -> memref<80xi32, #tpu.memory_space<vmem>>
          %dma_wait3A_94 = arith.constant 0 : i32
          %dma_wait3A_95 = arith.constant 0 : i32
          %dma_wait3A_96 = tpu.memref_slice %arg13[%dma_wait3A_94, %dma_wait3A_95] : memref<10240x128xf32, #tpu.memory_space<vmem_shared>> -> memref<10240x128xf32, #tpu.memory_space<vmem_shared>>
          tpu.wait_indirect_dma semaphore(%run_scoped3A : memref<!tpu.dma_semaphore, #tpu.memory_space<semaphore_mem>>) src(%arg12 : memref<80x128xf32, #tpu.memory_space<vmem>>) dst(%dma_wait3A_96 : memref<10240x128xf32, #tpu.memory_space<vmem_shared>>)
          tpu.yield
        }) : () -> ()
      }
      %scan3A_60 = arith.constant 125 : i32
    } else {
    }
    %eq3A_38 = arith.constant 1 : i32
    %eq3A_39 = arith.cmpi eq, %arg0, %eq3A_38 : i32
    %convert_element_type3A_40 = arith.extui %eq3A_39 : i1 to i32
    %cond3A_41 = arith.constant 0 : i32
    %cond3A_42 = arith.cmpi ne, %convert_element_type3A_40, %cond3A_41 : i32
    scf.if %cond3A_42 {
      %scan3A_55 = arith.constant 0 : i32
      %scan3A_56 = arith.constant 0 : i32
      %scan3A_57 = arith.constant 125 : i32
      %scan3A_58 = arith.addi %scan3A_56, %scan3A_57 : i32
      %scan3A_59 = arith.constant 1 : i32
      scf.for %scan3A_61 = %scan3A_56 to %scan3A_58 step %scan3A_59  : i32 {
        %mul3A_62 = arith.constant 125 : i32
        %mul3A_63 = arith.muli %arg1, %mul3A_62 : i32
        %add3A_64 = arith.addi %mul3A_63, %scan3A_61 : i32
        %mul3A_65 = arith.constant 80 : i32
        %mul3A_66 = arith.muli %add3A_64, %mul3A_65 : i32
        %mul3A_67 = arith.constant 16 : i32
        %mul3A_68 = arith.muli %mul3A_66, %mul3A_67 : i32
        "tpu.region"() ({
          %run_scoped3A = tpu.sem_alloc : memref<!tpu.dma_semaphore, #tpu.memory_space<semaphore_mem>>
          %dma_start3A_85 = tpu.memref_slice %arg6[%mul3A_68] : memref<2560000xf32, #tpu.memory_space<hbm>> -> memref<1280xf32, #tpu.memory_space<hbm>>
          %dma_start3A_86 = tpu.memref_slice %arg6[%mul3A_68] : memref<2560000xf32, #tpu.memory_space<hbm>> -> memref<1280xf32, #tpu.memory_space<hbm>>
          tpu.enqueue_dma source(%dma_start3A_86 : memref<1280xf32, #tpu.memory_space<hbm>>) target(%arg11 : memref<1280xf32, #tpu.memory_space<vmem>>) target_semaphore(%run_scoped3A : memref<!tpu.dma_semaphore, #tpu.memory_space<semaphore_mem>>)
          %dma_wait3A_87 = tpu.memref_slice %arg6[%mul3A_68] : memref<2560000xf32, #tpu.memory_space<hbm>> -> memref<1280xf32, #tpu.memory_space<hbm>>
          %dma_wait3A_88 = tpu.memref_slice %arg6[%mul3A_68] : memref<2560000xf32, #tpu.memory_space<hbm>> -> memref<1280xf32, #tpu.memory_space<hbm>>
          tpu.wait_dma2 semaphore(%run_scoped3A : memref<!tpu.dma_semaphore, #tpu.memory_space<semaphore_mem>>) src(%dma_wait3A_88 : memref<1280xf32, #tpu.memory_space<hbm>>) dst(%arg11 : memref<1280xf32, #tpu.memory_space<vmem>>)
          tpu.yield
        }) : () -> ()
        %dma_start3A = arith.constant 0 : i32
        %dma_start3A_69 = tpu.memref_slice %arg9[%scan3A_61, %dma_start3A] : memref<125x80xi32, #tpu.memory_space<vmem>> -> memref<1x80xi32, #tpu.memory_space<vmem>>
        %dma_start3A_70 = tpu.memref_squeeze %dma_start3A_69 : memref<1x80xi32, #tpu.memory_space<vmem>> -> memref<80xi32, #tpu.memory_space<vmem>>
        %dma_start3A_71 = arith.constant 0 : i32
        %dma_start3A_72 = arith.constant 0 : i32
        %dma_start3A_73 = tpu.memref_slice %arg3[%dma_start3A_71, %dma_start3A_72] : memref<10000x128xf32, #tpu.memory_space<hbm>> -> memref<10000x128xf32, #tpu.memory_space<hbm>>
        tpu.enqueue_indirect_dma source(%dma_start3A_73 : memref<10000x128xf32, #tpu.memory_space<hbm>>) target(%arg12 : memref<80x128xf32, #tpu.memory_space<vmem>>) offsets(%dma_start3A_70 : memref<80xi32, #tpu.memory_space<vmem>>) semaphore(%arg14 : memref<!tpu.dma_semaphore, #tpu.memory_space<semaphore_mem>>)
        %dma_wait3A = arith.constant 0 : i32
        %dma_wait3A_74 = tpu.memref_slice %arg9[%scan3A_61, %dma_wait3A] : memref<125x80xi32, #tpu.memory_space<vmem>> -> memref<1x80xi32, #tpu.memory_space<vmem>>
        %dma_wait3A_75 = tpu.memref_squeeze %dma_wait3A_74 : memref<1x80xi32, #tpu.memory_space<vmem>> -> memref<80xi32, #tpu.memory_space<vmem>>
        %dma_wait3A_76 = arith.constant 0 : i32
        %dma_wait3A_77 = arith.constant 0 : i32
        %dma_wait3A_78 = tpu.memref_slice %arg3[%dma_wait3A_76, %dma_wait3A_77] : memref<10000x128xf32, #tpu.memory_space<hbm>> -> memref<10000x128xf32, #tpu.memory_space<hbm>>
        tpu.wait_indirect_dma semaphore(%arg14 : memref<!tpu.dma_semaphore, #tpu.memory_space<semaphore_mem>>) src(%dma_wait3A_78 : memref<10000x128xf32, #tpu.memory_space<hbm>>) dst(%arg12 : memref<80x128xf32, #tpu.memory_space<vmem>>)
        %scan3A_79 = arith.constant 0 : i32
        %scan3A_80 = arith.constant 0 : i32
        %scan3A_81 = arith.constant 80 : i32
        %scan3A_82 = arith.addi %scan3A_80, %scan3A_81 : i32
        %scan3A_83 = arith.constant 1 : i32
        scf.for %scan3A_85 = %scan3A_80 to %scan3A_82 step %scan3A_83  : i32 {
          %mul3A_86 = arith.constant 16 : i32
          %mul3A_87 = arith.muli %scan3A_85, %mul3A_86 : i32
          %get3A = arith.index_cast %mul3A_87 : i32 to index
          %get3A_88 = tpu.vector_load %arg11[%get3A] {strides = array<i32>} : memref<1280xf32, #tpu.memory_space<vmem>>, vector<16xf32>,
          %get3A_89 = vector.shape_cast %get3A_88 : vector<16xf32> to vector<16xf32>
          %get3A_90 = arith.index_cast %scan3A_85 : i32 to index
          %get3A_91 = arith.constant 0 : index
          %get3A_92 = tpu.vector_load %arg12[%get3A_90, %get3A_91] {strides = array<i32>} : memref<80x128xf32, #tpu.memory_space<vmem>>, vector<1x16xf32>,
          %get3A_93 = vector.shape_cast %get3A_92 : vector<1x16xf32> to vector<16xf32>
          %mul3A_94 = arith.mulf %get3A_93, %get3A_89 : vector<16xf32>
          %swap3A = arith.index_cast %scan3A_85 : i32 to index
          %swap3A_95 = arith.constant 0 : index
          %swap3A_96 = tpu.vector_load %arg12[%swap3A, %swap3A_95] {strides = array<i32>} : memref<80x128xf32, #tpu.memory_space<vmem>>, vector<1x16xf32>,
          %swap3A_97 = vector.shape_cast %swap3A_96 : vector<1x16xf32> to vector<16xf32>
          %swap3A_98 = vector.shape_cast %mul3A_94 : vector<16xf32> to vector<1x16xf32>
          tpu.vector_store %arg12[%swap3A, %swap3A_95], %swap3A_98 {strides = array<i32>} : memref<80x128xf32, #tpu.memory_space<vmem>>, vector<1x16xf32>,
          %get3A_99 = arith.index_cast %scan3A_85 : i32 to index
          %get3A_100 = arith.constant 16 : index
          %get3A_101 = tpu.vector_load %arg12[%get3A_99, %get3A_100] {strides = array<i32>} : memref<80x128xf32, #tpu.memory_space<vmem>>, vector<1x16xf32>,
          %get3A_102 = vector.shape_cast %get3A_101 : vector<1x16xf32> to vector<16xf32>
          %mul3A_103 = arith.mulf %get3A_102, %get3A_89 : vector<16xf32>
          %swap3A_104 = arith.index_cast %scan3A_85 : i32 to index
          %swap3A_105 = arith.constant 16 : index
          %swap3A_106 = tpu.vector_load %arg12[%swap3A_104, %swap3A_105] {strides = array<i32>} : memref<80x128xf32, #tpu.memory_space<vmem>>, vector<1x16xf32>,
          %swap3A_107 = vector.shape_cast %swap3A_106 : vector<1x16xf32> to vector<16xf32>
          %swap3A_108 = vector.shape_cast %mul3A_103 : vector<16xf32> to vector<1x16xf32>
          tpu.vector_store %arg12[%swap3A_104, %swap3A_105], %swap3A_108 {strides = array<i32>} : memref<80x128xf32, #tpu.memory_space<vmem>>, vector<1x16xf32>,
          %get3A_109 = arith.index_cast %scan3A_85 : i32 to index
          %get3A_110 = arith.constant 32 : index
          %get3A_111 = tpu.vector_load %arg12[%get3A_109, %get3A_110] {strides = array<i32>} : memref<80x128xf32, #tpu.memory_space<vmem>>, vector<1x16xf32>,
          %get3A_112 = vector.shape_cast %get3A_111 : vector<1x16xf32> to vector<16xf32>
          %mul3A_113 = arith.mulf %get3A_112, %get3A_89 : vector<16xf32>
          %swap3A_114 = arith.index_cast %scan3A_85 : i32 to index
          %swap3A_115 = arith.constant 32 : index
          %swap3A_116 = tpu.vector_load %arg12[%swap3A_114, %swap3A_115] {strides = array<i32>} : memref<80x128xf32, #tpu.memory_space<vmem>>, vector<1x16xf32>,
          %swap3A_117 = vector.shape_cast %swap3A_116 : vector<1x16xf32> to vector<16xf32>
          %swap3A_118 = vector.shape_cast %mul3A_113 : vector<16xf32> to vector<1x16xf32>
          tpu.vector_store %arg12[%swap3A_114, %swap3A_115], %swap3A_118 {strides = array<i32>} : memref<80x128xf32, #tpu.memory_space<vmem>>, vector<1x16xf32>,
          %get3A_119 = arith.index_cast %scan3A_85 : i32 to index
          %get3A_120 = arith.constant 48 : index
          %get3A_121 = tpu.vector_load %arg12[%get3A_119, %get3A_120] {strides = array<i32>} : memref<80x128xf32, #tpu.memory_space<vmem>>, vector<1x16xf32>,
          %get3A_122 = vector.shape_cast %get3A_121 : vector<1x16xf32> to vector<16xf32>
          %mul3A_123 = arith.mulf %get3A_122, %get3A_89 : vector<16xf32>
          %swap3A_124 = arith.index_cast %scan3A_85 : i32 to index
          %swap3A_125 = arith.constant 48 : index
          %swap3A_126 = tpu.vector_load %arg12[%swap3A_124, %swap3A_125] {strides = array<i32>} : memref<80x128xf32, #tpu.memory_space<vmem>>, vector<1x16xf32>,
          %swap3A_127 = vector.shape_cast %swap3A_126 : vector<1x16xf32> to vector<16xf32>
          %swap3A_128 = vector.shape_cast %mul3A_123 : vector<16xf32> to vector<1x16xf32>
          tpu.vector_store %arg12[%swap3A_124, %swap3A_125], %swap3A_128 {strides = array<i32>} : memref<80x128xf32, #tpu.memory_space<vmem>>, vector<1x16xf32>,
          %get3A_129 = arith.index_cast %scan3A_85 : i32 to index
          %get3A_130 = arith.constant 64 : index
          %get3A_131 = tpu.vector_load %arg12[%get3A_129, %get3A_130] {strides = array<i32>} : memref<80x128xf32, #tpu.memory_space<vmem>>, vector<1x16xf32>,
          %get3A_132 = vector.shape_cast %get3A_131 : vector<1x16xf32> to vector<16xf32>
          %mul3A_133 = arith.mulf %get3A_132, %get3A_89 : vector<16xf32>
          %swap3A_134 = arith.index_cast %scan3A_85 : i32 to index
          %swap3A_135 = arith.constant 64 : index
          %swap3A_136 = tpu.vector_load %arg12[%swap3A_134, %swap3A_135] {strides = array<i32>} : memref<80x128xf32, #tpu.memory_space<vmem>>, vector<1x16xf32>,
          %swap3A_137 = vector.shape_cast %swap3A_136 : vector<1x16xf32> to vector<16xf32>
          %swap3A_138 = vector.shape_cast %mul3A_133 : vector<16xf32> to vector<1x16xf32>
          tpu.vector_store %arg12[%swap3A_134, %swap3A_135], %swap3A_138 {strides = array<i32>} : memref<80x128xf32, #tpu.memory_space<vmem>>, vector<1x16xf32>,
          %get3A_139 = arith.index_cast %scan3A_85 : i32 to index
          %get3A_140 = arith.constant 80 : index
          %get3A_141 = tpu.vector_load %arg12[%get3A_139, %get3A_140] {strides = array<i32>} : memref<80x128xf32, #tpu.memory_space<vmem>>, vector<1x16xf32>,
          %get3A_142 = vector.shape_cast %get3A_141 : vector<1x16xf32> to vector<16xf32>
          %mul3A_143 = arith.mulf %get3A_142, %get3A_89 : vector<16xf32>
          %swap3A_144 = arith.index_cast %scan3A_85 : i32 to index
          %swap3A_145 = arith.constant 80 : index
          %swap3A_146 = tpu.vector_load %arg12[%swap3A_144, %swap3A_145] {strides = array<i32>} : memref<80x128xf32, #tpu.memory_space<vmem>>, vector<1x16xf32>,
          %swap3A_147 = vector.shape_cast %swap3A_146 : vector<1x16xf32> to vector<16xf32>
          %swap3A_148 = vector.shape_cast %mul3A_143 : vector<16xf32> to vector<1x16xf32>
          tpu.vector_store %arg12[%swap3A_144, %swap3A_145], %swap3A_148 {strides = array<i32>} : memref<80x128xf32, #tpu.memory_space<vmem>>, vector<1x16xf32>,
          %get3A_149 = arith.index_cast %scan3A_85 : i32 to index
          %get3A_150 = arith.constant 96 : index
          %get3A_151 = tpu.vector_load %arg12[%get3A_149, %get3A_150] {strides = array<i32>} : memref<80x128xf32, #tpu.memory_space<vmem>>, vector<1x16xf32>,
          %get3A_152 = vector.shape_cast %get3A_151 : vector<1x16xf32> to vector<16xf32>
          %mul3A_153 = arith.mulf %get3A_152, %get3A_89 : vector<16xf32>
          %swap3A_154 = arith.index_cast %scan3A_85 : i32 to index
          %swap3A_155 = arith.constant 96 : index
          %swap3A_156 = tpu.vector_load %arg12[%swap3A_154, %swap3A_155] {strides = array<i32>} : memref<80x128xf32, #tpu.memory_space<vmem>>, vector<1x16xf32>,
          %swap3A_157 = vector.shape_cast %swap3A_156 : vector<1x16xf32> to vector<16xf32>
          %swap3A_158 = vector.shape_cast %mul3A_153 : vector<16xf32> to vector<1x16xf32>
          tpu.vector_store %arg12[%swap3A_154, %swap3A_155], %swap3A_158 {strides = array<i32>} : memref<80x128xf32, #tpu.memory_space<vmem>>, vector<1x16xf32>,
          %get3A_159 = arith.index_cast %scan3A_85 : i32 to index
          %get3A_160 = arith.constant 112 : index
          %get3A_161 = tpu.vector_load %arg12[%get3A_159, %get3A_160] {strides = array<i32>} : memref<80x128xf32, #tpu.memory_space<vmem>>, vector<1x16xf32>,
          %get3A_162 = vector.shape_cast %get3A_161 : vector<1x16xf32> to vector<16xf32>
          %mul3A_163 = arith.mulf %get3A_162, %get3A_89 : vector<16xf32>
          %swap3A_164 = arith.index_cast %scan3A_85 : i32 to index
          %swap3A_165 = arith.constant 112 : index
          %swap3A_166 = tpu.vector_load %arg12[%swap3A_164, %swap3A_165] {strides = array<i32>} : memref<80x128xf32, #tpu.memory_space<vmem>>, vector<1x16xf32>,
          %swap3A_167 = vector.shape_cast %swap3A_166 : vector<1x16xf32> to vector<16xf32>
          %swap3A_168 = vector.shape_cast %mul3A_163 : vector<16xf32> to vector<1x16xf32>
          tpu.vector_store %arg12[%swap3A_164, %swap3A_165], %swap3A_168 {strides = array<i32>} : memref<80x128xf32, #tpu.memory_space<vmem>>, vector<1x16xf32>,
        }
        %scan3A_84 = arith.constant 80 : i32
        "tpu.region"() ({
          %run_scoped3A = tpu.sem_alloc : memref<!tpu.dma_semaphore, #tpu.memory_space<semaphore_mem>>
          %dma_start3A_85 = arith.constant 0 : i32
          %dma_start3A_86 = tpu.memref_slice %arg10[%scan3A_61, %dma_start3A_85] : memref<125x80xi32, #tpu.memory_space<vmem>> -> memref<1x80xi32, #tpu.memory_space<vmem>>
          %dma_start3A_87 = tpu.memref_squeeze %dma_start3A_86 : memref<1x80xi32, #tpu.memory_space<vmem>> -> memref<80xi32, #tpu.memory_space<vmem>>
          %dma_start3A_88 = arith.constant 0 : i32
          %dma_start3A_89 = arith.constant 0 : i32
          %dma_start3A_90 = tpu.memref_slice %arg13[%dma_start3A_88, %dma_start3A_89] : memref<10240x128xf32, #tpu.memory_space<vmem_shared>> -> memref<10240x128xf32, #tpu.memory_space<vmem_shared>>
          tpu.enqueue_indirect_dma source(%arg12 : memref<80x128xf32, #tpu.memory_space<vmem>>) target(%dma_start3A_90 : memref<10240x128xf32, #tpu.memory_space<vmem_shared>>) offsets(%dma_start3A_87 : memref<80xi32, #tpu.memory_space<vmem>>) semaphore(%run_scoped3A : memref<!tpu.dma_semaphore, #tpu.memory_space<semaphore_mem>>) {add = true}
          %dma_wait3A_91 = arith.constant 0 : i32
          %dma_wait3A_92 = tpu.memref_slice %arg10[%scan3A_61, %dma_wait3A_91] : memref<125x80xi32, #tpu.memory_space<vmem>> -> memref<1x80xi32, #tpu.memory_space<vmem>>
          %dma_wait3A_93 = tpu.memref_squeeze %dma_wait3A_92 : memref<1x80xi32, #tpu.memory_space<vmem>> -> memref<80xi32, #tpu.memory_space<vmem>>
          %dma_wait3A_94 = arith.constant 0 : i32
          %dma_wait3A_95 = arith.constant 0 : i32
          %dma_wait3A_96 = tpu.memref_slice %arg13[%dma_wait3A_94, %dma_wait3A_95] : memref<10240x128xf32, #tpu.memory_space<vmem_shared>> -> memref<10240x128xf32, #tpu.memory_space<vmem_shared>>
          tpu.wait_indirect_dma semaphore(%run_scoped3A : memref<!tpu.dma_semaphore, #tpu.memory_space<semaphore_mem>>) src(%arg12 : memref<80x128xf32, #tpu.memory_space<vmem>>) dst(%dma_wait3A_96 : memref<10240x128xf32, #tpu.memory_space<vmem_shared>>)
          tpu.yield
        }) : () -> ()
      }
      %scan3A_60 = arith.constant 125 : i32
    } else {
    }
    %barrier3A_43 = arith.constant 0 : index
    tpu.barrier barrier_id(%barrier3A_43)
    %eq3A_44 = arith.constant 0 : i32
    %eq3A_45 = arith.cmpi eq, %arg0, %eq3A_44 : i32
    %convert_element_type3A_46 = arith.extui %eq3A_45 : i1 to i32
    %cond3A_47 = arith.constant 0 : i32
    %cond3A_48 = arith.cmpi ne, %convert_element_type3A_46, %cond3A_47 : i32
    scf.if %cond3A_48 {
      %mul3A_55 = arith.constant 640 : i32
      %mul3A_56 = arith.muli %arg1, %mul3A_55 : i32
      "tpu.region"() ({
        %run_scoped3A = tpu.sem_alloc : memref<!tpu.dma_semaphore, #tpu.memory_space<semaphore_mem>>
        %dma_start3A = arith.constant 0 : i32
        %dma_start3A_57 = tpu.memref_slice %arg7[%mul3A_56, %dma_start3A] : memref<10240x128xf32, #tpu.memory_space<hbm>> -> memref<640x128xf32, #tpu.memory_space<hbm>>
        %dma_start3A_58 = arith.constant 0 : i32
        %dma_start3A_59 = tpu.memref_slice %arg13[%mul3A_56, %dma_start3A_58] : memref<10240x128xf32, #tpu.memory_space<vmem_shared>> -> memref<640x128xf32, #tpu.memory_space<vmem_shared>>
        tpu.enqueue_dma source(%dma_start3A_59 : memref<640x128xf32, #tpu.memory_space<vmem_shared>>) target(%dma_start3A_57 : memref<640x128xf32, #tpu.memory_space<hbm>>) target_semaphore(%run_scoped3A : memref<!tpu.dma_semaphore, #tpu.memory_space<semaphore_mem>>)
        %dma_wait3A = arith.constant 0 : i32
        %dma_wait3A_60 = tpu.memref_slice %arg7[%mul3A_56, %dma_wait3A] : memref<10240x128xf32, #tpu.memory_space<hbm>> -> memref<640x128xf32, #tpu.memory_space<hbm>>
        %dma_wait3A_61 = arith.constant 0 : i32
        %dma_wait3A_62 = tpu.memref_slice %arg13[%mul3A_56, %dma_wait3A_61] : memref<10240x128xf32, #tpu.memory_space<vmem_shared>> -> memref<640x128xf32, #tpu.memory_space<vmem_shared>>
        tpu.wait_dma2 semaphore(%run_scoped3A : memref<!tpu.dma_semaphore, #tpu.memory_space<semaphore_mem>>) src(%dma_wait3A_62 : memref<640x128xf32, #tpu.memory_space<vmem_shared>>) dst(%dma_wait3A_60 : memref<640x128xf32, #tpu.memory_space<hbm>>)
        tpu.yield
      }) : () -> ()
    } else {
    }
    %eq3A_49 = arith.constant 1 : i32
    %eq3A_50 = arith.cmpi eq, %arg0, %eq3A_49 : i32
    %convert_element_type3A_51 = arith.extui %eq3A_50 : i1 to i32
    %cond3A_52 = arith.constant 0 : i32
    %cond3A_53 = arith.cmpi ne, %convert_element_type3A_51, %cond3A_52 : i32
    scf.if %cond3A_53 {
      %mul3A_55 = arith.constant 640 : i32
      %mul3A_56 = arith.muli %arg1, %mul3A_55 : i32
      "tpu.region"() ({
        %run_scoped3A = tpu.sem_alloc : memref<!tpu.dma_semaphore, #tpu.memory_space<semaphore_mem>>
        %dma_start3A = arith.constant 0 : i32
        %dma_start3A_57 = tpu.memref_slice %arg8[%mul3A_56, %dma_start3A] : memref<10240x128xf32, #tpu.memory_space<hbm>> -> memref<640x128xf32, #tpu.memory_space<hbm>>
        %dma_start3A_58 = arith.constant 0 : i32
        %dma_start3A_59 = tpu.memref_slice %arg13[%mul3A_56, %dma_start3A_58] : memref<10240x128xf32, #tpu.memory_space<vmem_shared>> -> memref<640x128xf32, #tpu.memory_space<vmem_shared>>
        tpu.enqueue_dma source(%dma_start3A_59 : memref<640x128xf32, #tpu.memory_space<vmem_shared>>) target(%dma_start3A_57 : memref<640x128xf32, #tpu.memory_space<hbm>>) target_semaphore(%run_scoped3A : memref<!tpu.dma_semaphore, #tpu.memory_space<semaphore_mem>>)
        %dma_wait3A = arith.constant 0 : i32
        %dma_wait3A_60 = tpu.memref_slice %arg8[%mul3A_56, %dma_wait3A] : memref<10240x128xf32, #tpu.memory_space<hbm>> -> memref<640x128xf32, #tpu.memory_space<hbm>>
        %dma_wait3A_61 = arith.constant 0 : i32
        %dma_wait3A_62 = tpu.memref_slice %arg13[%mul3A_56, %dma_wait3A_61] : memref<10240x128xf32, #tpu.memory_space<vmem_shared>> -> memref<640x128xf32, #tpu.memory_space<vmem_shared>>
        tpu.wait_dma2 semaphore(%run_scoped3A : memref<!tpu.dma_semaphore, #tpu.memory_space<semaphore_mem>>) src(%dma_wait3A_62 : memref<640x128xf32, #tpu.memory_space<vmem_shared>>) dst(%dma_wait3A_60 : memref<640x128xf32, #tpu.memory_space<hbm>>)
        tpu.yield
      }) : () -> ()
    } else {
    }
    %barrier3A_54 = arith.constant 0 : index
    tpu.barrier barrier_id(%barrier3A_54)
    return
  }
}

module attributes {stable_mosaic.version = 14 : i64} {
  func.func @_mm_gates_body(%arg0: i32, %arg1: memref<1000x256xf32, #tpu.memory_space<vmem>>, %arg2: memref<1000x256xf32, #tpu.memory_space<vmem>>, %arg3: memref<256x512xf32, #tpu.memory_space<vmem>>, %arg4: memref<256x512xf32, #tpu.memory_space<vmem>>, %arg5: memref<1x512xf32, #tpu.memory_space<vmem>>, %arg6: memref<1000x128xf32, #tpu.memory_space<vmem>>, %arg7: memref<1000x128xf32, #tpu.memory_space<vmem>>, %arg8: memref<1000x128xf32, #tpu.memory_space<vmem>>, %arg9: memref<1000x128xf32, #tpu.memory_space<vmem>>) attributes {dimension_semantics = [#tpu.dimension_semantics<arbitrary>], iteration_bounds = array<i64: 10>, scalar_prefetch = 0 : i64, scratch_operands = 0 : i64, tpu.core_type = #tpu.core_type<tc>, window_params = [{transform_indices = @transform_0, window_bounds = array<i64: 1000, 256>}, {transform_indices = @transform_1, window_bounds = array<i64: 1000, 256>}, {pipeline_mode = #tpu.pipeline_mode<synchronous>, transform_indices = @transform_2, window_bounds = array<i64: 256, 512>}, {pipeline_mode = #tpu.pipeline_mode<synchronous>, transform_indices = @transform_3, window_bounds = array<i64: 256, 512>}, {pipeline_mode = #tpu.pipeline_mode<synchronous>, transform_indices = @transform_4, window_bounds = array<i64: 1, 512>}, {transform_indices = @transform_5, window_bounds = array<i64: 1000, 128>}, {transform_indices = @transform_6, window_bounds = array<i64: 1000, 128>}, {transform_indices = @transform_7, window_bounds = array<i64: 1000, 128>}, {transform_indices = @transform_8, window_bounds = array<i64: 1000, 128>}]} {
    %get3A = arith.constant 0 : index
    %get3A_0 = arith.constant 0 : index
    %get3A_1 = vector.load %arg1[%get3A, %get3A_0] : memref<1000x256xf32, #tpu.memory_space<vmem>>, vector<1000x256xf32>
    %get3A_2 = arith.constant 0 : index
    %get3A_3 = arith.constant 0 : index
    %get3A_4 = vector.load %arg3[%get3A_2, %get3A_3] : memref<256x512xf32, #tpu.memory_space<vmem>>, vector<256x512xf32>
    %dot_general3A = arith.constant dense<0.000000e+00> : vector<1000x512xf32>
    %dot_general3A_5 = tpu.matmul %get3A_1, %get3A_4, %dot_general3A {dimension_numbers = #tpu.dot_dimension_numbers<[1], [0], [0], [1], [0, 0, 1, 1], [], []>, transpose_lhs_hint = false} : vector<1000x256xf32>, vector<256x512xf32>, vector<1000x512xf32> -> vector<1000x512xf32>
    %get3A_6 = arith.constant 0 : index
    %get3A_7 = arith.constant 0 : index
    %get3A_8 = vector.load %arg2[%get3A_6, %get3A_7] : memref<1000x256xf32, #tpu.memory_space<vmem>>, vector<1000x256xf32>
    %get3A_9 = arith.constant 0 : index
    %get3A_10 = arith.constant 0 : index
    %get3A_11 = vector.load %arg4[%get3A_9, %get3A_10] : memref<256x512xf32, #tpu.memory_space<vmem>>, vector<256x512xf32>
    %dot_general3A_12 = arith.constant dense<0.000000e+00> : vector<1000x512xf32>
    %dot_general3A_13 = tpu.matmul %get3A_8, %get3A_11, %dot_general3A_12 {dimension_numbers = #tpu.dot_dimension_numbers<[1], [0], [0], [1], [0, 0, 1, 1], [], []>, transpose_lhs_hint = false} : vector<1000x256xf32>, vector<256x512xf32>, vector<1000x512xf32> -> vector<1000x512xf32>
    %add3A = arith.addf %dot_general3A_5, %dot_general3A_13 : vector<1000x512xf32>
    %get3A_14 = arith.constant 0 : index
    %get3A_15 = arith.constant 0 : index
    %get3A_16 = vector.load %arg5[%get3A_14, %get3A_15] : memref<1x512xf32, #tpu.memory_space<vmem>>, vector<1x512xf32>
    %add3A_17 = vector.broadcast %get3A_16 : vector<1x512xf32> to vector<1000x512xf32>
    %add3A_18 = arith.addf %add3A, %add3A_17 : vector<1000x512xf32>
    %slice3A = vector.extract_strided_slice %add3A_18 {offsets = [0, 0], sizes = [1000, 128], strides = [1, 1]} : vector<1000x512xf32> to vector<1000x128xf32>
    %swap3A = arith.constant 0 : index
    %swap3A_19 = arith.constant 0 : index
    %swap3A_20 = vector.load %arg6[%swap3A, %swap3A_19] : memref<1000x128xf32, #tpu.memory_space<vmem>>, vector<1000x128xf32>
    tpu.vector_store %arg6[%swap3A, %swap3A_19], %slice3A {strides = array<i32>} : memref<1000x128xf32, #tpu.memory_space<vmem>>, vector<1000x128xf32>,
    %slice3A_21 = vector.extract_strided_slice %add3A_18 {offsets = [0, 128], sizes = [1000, 128], strides = [1, 1]} : vector<1000x512xf32> to vector<1000x128xf32>
    %swap3A_22 = arith.constant 0 : index
    %swap3A_23 = arith.constant 0 : index
    %swap3A_24 = vector.load %arg7[%swap3A_22, %swap3A_23] : memref<1000x128xf32, #tpu.memory_space<vmem>>, vector<1000x128xf32>
    tpu.vector_store %arg7[%swap3A_22, %swap3A_23], %slice3A_21 {strides = array<i32>} : memref<1000x128xf32, #tpu.memory_space<vmem>>, vector<1000x128xf32>,
    %slice3A_25 = vector.extract_strided_slice %add3A_18 {offsets = [0, 256], sizes = [1000, 128], strides = [1, 1]} : vector<1000x512xf32> to vector<1000x128xf32>
    %swap3A_26 = arith.constant 0 : index
    %swap3A_27 = arith.constant 0 : index
    %swap3A_28 = vector.load %arg8[%swap3A_26, %swap3A_27] : memref<1000x128xf32, #tpu.memory_space<vmem>>, vector<1000x128xf32>
    tpu.vector_store %arg8[%swap3A_26, %swap3A_27], %slice3A_25 {strides = array<i32>} : memref<1000x128xf32, #tpu.memory_space<vmem>>, vector<1000x128xf32>,
    %slice3A_29 = vector.extract_strided_slice %add3A_18 {offsets = [0, 384], sizes = [1000, 128], strides = [1, 1]} : vector<1000x512xf32> to vector<1000x128xf32>
    %swap3A_30 = arith.constant 0 : index
    %swap3A_31 = arith.constant 0 : index
    %swap3A_32 = vector.load %arg9[%swap3A_30, %swap3A_31] : memref<1000x128xf32, #tpu.memory_space<vmem>>, vector<1000x128xf32>
    tpu.vector_store %arg9[%swap3A_30, %swap3A_31], %slice3A_29 {strides = array<i32>} : memref<1000x128xf32, #tpu.memory_space<vmem>>, vector<1000x128xf32>,
    return
  }
  func.func @transform_0(%arg0: i32) -> (i32, i32) {
    %c0_i32 = arith.constant 0 : i32
    %c0_i32_0 = arith.constant 0 : i32
    return %arg0, %c0_i32 : i32, i32
  }
  func.func @transform_1(%arg0: i32) -> (i32, i32) {
    %c0_i32 = arith.constant 0 : i32
    %c0_i32_0 = arith.constant 0 : i32
    return %arg0, %c0_i32 : i32, i32
  }
  func.func @transform_2(%arg0: i32) -> (i32, i32) {
    %c0_i32 = arith.constant 0 : i32
    %c0_i32_0 = arith.constant 0 : i32
    %c0_i32_1 = arith.constant 0 : i32
    return %c0_i32, %c0_i32_0 : i32, i32
  }
  func.func @transform_3(%arg0: i32) -> (i32, i32) {
    %c0_i32 = arith.constant 0 : i32
    %c0_i32_0 = arith.constant 0 : i32
    %c0_i32_1 = arith.constant 0 : i32
    return %c0_i32, %c0_i32_0 : i32, i32
  }
  func.func @transform_4(%arg0: i32) -> (i32, i32) {
    %c0_i32 = arith.constant 0 : i32
    %c0_i32_0 = arith.constant 0 : i32
    %c0_i32_1 = arith.constant 0 : i32
    return %c0_i32, %c0_i32_0 : i32, i32
  }
  func.func @transform_5(%arg0: i32) -> (i32, i32) {
    %c0_i32 = arith.constant 0 : i32
    %c0_i32_0 = arith.constant 0 : i32
    return %arg0, %c0_i32 : i32, i32
  }
  func.func @transform_6(%arg0: i32) -> (i32, i32) {
    %c0_i32 = arith.constant 0 : i32
    %c0_i32_0 = arith.constant 0 : i32
    return %arg0, %c0_i32 : i32, i32
  }
  func.func @transform_7(%arg0: i32) -> (i32, i32) {
    %c0_i32 = arith.constant 0 : i32
    %c0_i32_0 = arith.constant 0 : i32
    return %arg0, %c0_i32 : i32, i32
  }
  func.func @transform_8(%arg0: i32) -> (i32, i32) {
    %c0_i32 = arith.constant 0 : i32
    %c0_i32_0 = arith.constant 0 : i32
    return %arg0, %c0_i32 : i32, i32
  }
}

module attributes {stable_mosaic.version = 14 : i64} {
  func.func @_mm_cand_body(%arg0: i32, %arg1: memref<1000x256xf32, #tpu.memory_space<vmem>>, %arg2: memref<1000x256xf32, #tpu.memory_space<vmem>>, %arg3: memref<1000x128xf32, #tpu.memory_space<vmem>>, %arg4: memref<1000x128xf32, #tpu.memory_space<vmem>>, %arg5: memref<256x256xf32, #tpu.memory_space<vmem>>, %arg6: memref<256x256xf32, #tpu.memory_space<vmem>>, %arg7: memref<1x256xf32, #tpu.memory_space<vmem>>, %arg8: memref<1000x128xf32, #tpu.memory_space<vmem>>, %arg9: memref<1000x128xf32, #tpu.memory_space<vmem>>) attributes {dimension_semantics = [#tpu.dimension_semantics<arbitrary>], iteration_bounds = array<i64: 10>, scalar_prefetch = 0 : i64, scratch_operands = 0 : i64, tpu.core_type = #tpu.core_type<tc>, window_params = [{transform_indices = @transform_0, window_bounds = array<i64: 1000, 256>}, {transform_indices = @transform_1, window_bounds = array<i64: 1000, 256>}, {transform_indices = @transform_2, window_bounds = array<i64: 1000, 128>}, {transform_indices = @transform_3, window_bounds = array<i64: 1000, 128>}, {pipeline_mode = #tpu.pipeline_mode<synchronous>, transform_indices = @transform_4, window_bounds = array<i64: 256, 256>}, {pipeline_mode = #tpu.pipeline_mode<synchronous>, transform_indices = @transform_5, window_bounds = array<i64: 256, 256>}, {pipeline_mode = #tpu.pipeline_mode<synchronous>, transform_indices = @transform_6, window_bounds = array<i64: 1, 256>}, {transform_indices = @transform_7, window_bounds = array<i64: 1000, 128>}, {transform_indices = @transform_8, window_bounds = array<i64: 1000, 128>}]} {
    %get3A = arith.constant 0 : index
    %get3A_0 = arith.constant 0 : index
    %get3A_1 = vector.load %arg3[%get3A, %get3A_0] : memref<1000x128xf32, #tpu.memory_space<vmem>>, vector<1000x128xf32>
    %logistic3A = arith.negf %get3A_1 : vector<1000x128xf32>
    %logistic3A_2 = math.exp %logistic3A : vector<1000x128xf32>
    %logistic3A_3 = arith.constant 1.000000e+00 : f32
    %logistic3A_4 = vector.broadcast %logistic3A_3 : f32 to vector<1000x128xf32>
    %logistic3A_5 = arith.addf %logistic3A_4, %logistic3A_2 : vector<1000x128xf32>
    %logistic3A_6 = arith.divf %logistic3A_4, %logistic3A_5 : vector<1000x128xf32>
    %get3A_7 = arith.constant 0 : index
    %get3A_8 = arith.constant 0 : index
    %get3A_9 = vector.load %arg4[%get3A_7, %get3A_8] : memref<1000x128xf32, #tpu.memory_space<vmem>>, vector<1000x128xf32>
    %logistic3A_10 = arith.negf %get3A_9 : vector<1000x128xf32>
    %logistic3A_11 = math.exp %logistic3A_10 : vector<1000x128xf32>
    %logistic3A_12 = arith.constant 1.000000e+00 : f32
    %logistic3A_13 = vector.broadcast %logistic3A_12 : f32 to vector<1000x128xf32>
    %logistic3A_14 = arith.addf %logistic3A_13, %logistic3A_11 : vector<1000x128xf32>
    %logistic3A_15 = arith.divf %logistic3A_13, %logistic3A_14 : vector<1000x128xf32>
    %get3A_16 = arith.constant 0 : index
    %get3A_17 = arith.constant 0 : index
    %get3A_18 = vector.load %arg2[%get3A_16, %get3A_17] : memref<1000x256xf32, #tpu.memory_space<vmem>>, vector<1000x128xf32>
    %mul3A = arith.mulf %logistic3A_6, %get3A_18 : vector<1000x128xf32>
    %get3A_19 = arith.constant 0 : index
    %get3A_20 = arith.constant 128 : index
    %get3A_21 = vector.load %arg2[%get3A_19, %get3A_20] : memref<1000x256xf32, #tpu.memory_space<vmem>>, vector<1000x128xf32>
    %mul3A_22 = arith.mulf %logistic3A_15, %get3A_21 : vector<1000x128xf32>
    %concatenate3A = tpu.concatenate %mul3A, %mul3A_22 in 1 : vector<1000x128xf32>, vector<1000x128xf32> -> vector<1000x256xf32>
    %get3A_23 = arith.constant 0 : index
    %get3A_24 = arith.constant 0 : index
    %get3A_25 = vector.load %arg1[%get3A_23, %get3A_24] : memref<1000x256xf32, #tpu.memory_space<vmem>>, vector<1000x256xf32>
    %get3A_26 = arith.constant 0 : index
    %get3A_27 = arith.constant 0 : index
    %get3A_28 = vector.load %arg5[%get3A_26, %get3A_27] : memref<256x256xf32, #tpu.memory_space<vmem>>, vector<256x256xf32>
    %dot_general3A = arith.constant dense<0.000000e+00> : vector<1000x256xf32>
    %dot_general3A_29 = tpu.matmul %get3A_25, %get3A_28, %dot_general3A {dimension_numbers = #tpu.dot_dimension_numbers<[1], [0], [0], [1], [0, 0, 1, 1], [], []>, transpose_lhs_hint = false} : vector<1000x256xf32>, vector<256x256xf32>, vector<1000x256xf32> -> vector<1000x256xf32>
    %get3A_30 = arith.constant 0 : index
    %get3A_31 = arith.constant 0 : index
    %get3A_32 = vector.load %arg6[%get3A_30, %get3A_31] : memref<256x256xf32, #tpu.memory_space<vmem>>, vector<256x256xf32>
    %dot_general3A_33 = arith.constant dense<0.000000e+00> : vector<1000x256xf32>
    %dot_general3A_34 = tpu.matmul %concatenate3A, %get3A_32, %dot_general3A_33 {dimension_numbers = #tpu.dot_dimension_numbers<[1], [0], [0], [1], [0, 0, 1, 1], [], []>, transpose_lhs_hint = false} : vector<1000x256xf32>, vector<256x256xf32>, vector<1000x256xf32> -> vector<1000x256xf32>
    %add3A = arith.addf %dot_general3A_29, %dot_general3A_34 : vector<1000x256xf32>
    %get3A_35 = arith.constant 0 : index
    %get3A_36 = arith.constant 0 : index
    %get3A_37 = vector.load %arg7[%get3A_35, %get3A_36] : memref<1x256xf32, #tpu.memory_space<vmem>>, vector<1x256xf32>
    %add3A_38 = vector.broadcast %get3A_37 : vector<1x256xf32> to vector<1000x256xf32>
    %add3A_39 = arith.addf %add3A, %add3A_38 : vector<1000x256xf32>
    %slice3A = vector.extract_strided_slice %add3A_39 {offsets = [0, 0], sizes = [1000, 128], strides = [1, 1]} : vector<1000x256xf32> to vector<1000x128xf32>
    %swap3A = arith.constant 0 : index
    %swap3A_40 = arith.constant 0 : index
    %swap3A_41 = vector.load %arg8[%swap3A, %swap3A_40] : memref<1000x128xf32, #tpu.memory_space<vmem>>, vector<1000x128xf32>
    tpu.vector_store %arg8[%swap3A, %swap3A_40], %slice3A {strides = array<i32>} : memref<1000x128xf32, #tpu.memory_space<vmem>>, vector<1000x128xf32>,
    %slice3A_42 = vector.extract_strided_slice %add3A_39 {offsets = [0, 128], sizes = [1000, 128], strides = [1, 1]} : vector<1000x256xf32> to vector<1000x128xf32>
    %swap3A_43 = arith.constant 0 : index
    %swap3A_44 = arith.constant 0 : index
    %swap3A_45 = vector.load %arg9[%swap3A_43, %swap3A_44] : memref<1000x128xf32, #tpu.memory_space<vmem>>, vector<1000x128xf32>
    tpu.vector_store %arg9[%swap3A_43, %swap3A_44], %slice3A_42 {strides = array<i32>} : memref<1000x128xf32, #tpu.memory_space<vmem>>, vector<1000x128xf32>,
    return
  }
  func.func @transform_0(%arg0: i32) -> (i32, i32) {
    %c0_i32 = arith.constant 0 : i32
    %c0_i32_0 = arith.constant 0 : i32
    return %arg0, %c0_i32 : i32, i32
  }
  func.func @transform_1(%arg0: i32) -> (i32, i32) {
    %c0_i32 = arith.constant 0 : i32
    %c0_i32_0 = arith.constant 0 : i32
    return %arg0, %c0_i32 : i32, i32
  }
  func.func @transform_2(%arg0: i32) -> (i32, i32) {
    %c0_i32 = arith.constant 0 : i32
    %c0_i32_0 = arith.constant 0 : i32
    return %arg0, %c0_i32 : i32, i32
  }
  func.func @transform_3(%arg0: i32) -> (i32, i32) {
    %c0_i32 = arith.constant 0 : i32
    %c0_i32_0 = arith.constant 0 : i32
    return %arg0, %c0_i32 : i32, i32
  }
  func.func @transform_4(%arg0: i32) -> (i32, i32) {
    %c0_i32 = arith.constant 0 : i32
    %c0_i32_0 = arith.constant 0 : i32
    %c0_i32_1 = arith.constant 0 : i32
    return %c0_i32, %c0_i32_0 : i32, i32
  }
  func.func @transform_5(%arg0: i32) -> (i32, i32) {
    %c0_i32 = arith.constant 0 : i32
    %c0_i32_0 = arith.constant 0 : i32
    %c0_i32_1 = arith.constant 0 : i32
    return %c0_i32, %c0_i32_0 : i32, i32
  }
  func.func @transform_6(%arg0: i32) -> (i32, i32) {
    %c0_i32 = arith.constant 0 : i32
    %c0_i32_0 = arith.constant 0 : i32
    %c0_i32_1 = arith.constant 0 : i32
    return %c0_i32, %c0_i32_0 : i32, i32
  }
  func.func @transform_7(%arg0: i32) -> (i32, i32) {
    %c0_i32 = arith.constant 0 : i32
    %c0_i32_0 = arith.constant 0 : i32
    return %arg0, %c0_i32 : i32, i32
  }
  func.func @transform_8(%arg0: i32) -> (i32, i32) {
    %c0_i32 = arith.constant 0 : i32
    %c0_i32_0 = arith.constant 0 : i32
    return %arg0, %c0_i32 : i32, i32
  }
}

module attributes {stable_mosaic.version = 14 : i64} {
  func.func @_final_body(%arg0: i32, %arg1: memref<1000x256xf32, #tpu.memory_space<vmem>>, %arg2: memref<1000x128xf32, #tpu.memory_space<vmem>>, %arg3: memref<1000x128xf32, #tpu.memory_space<vmem>>, %arg4: memref<1000x128xf32, #tpu.memory_space<vmem>>, %arg5: memref<1000x128xf32, #tpu.memory_space<vmem>>, %arg6: memref<1000x256xf32, #tpu.memory_space<vmem>>) attributes {dimension_semantics = [#tpu.dimension_semantics<arbitrary>], iteration_bounds = array<i64: 10>, scalar_prefetch = 0 : i64, scratch_operands = 0 : i64, tpu.core_type = #tpu.core_type<tc>, window_params = [{transform_indices = @transform_0, window_bounds = array<i64: 1000, 256>}, {transform_indices = @transform_1, window_bounds = array<i64: 1000, 128>}, {transform_indices = @transform_2, window_bounds = array<i64: 1000, 128>}, {transform_indices = @transform_3, window_bounds = array<i64: 1000, 128>}, {transform_indices = @transform_4, window_bounds = array<i64: 1000, 128>}, {transform_indices = @transform_5, window_bounds = array<i64: 1000, 256>}]} {
    %get3A = arith.constant 0 : index
    %get3A_0 = arith.constant 0 : index
    %get3A_1 = vector.load %arg2[%get3A, %get3A_0] : memref<1000x128xf32, #tpu.memory_space<vmem>>, vector<1000x128xf32>
    %get3A_2 = arith.constant 0 : index
    %get3A_3 = arith.constant 0 : index
    %get3A_4 = vector.load %arg3[%get3A_2, %get3A_3] : memref<1000x128xf32, #tpu.memory_space<vmem>>, vector<1000x128xf32>
    %concatenate3A = tpu.concatenate %get3A_1, %get3A_4 in 1 : vector<1000x128xf32>, vector<1000x128xf32> -> vector<1000x256xf32>
    %logistic3A = arith.negf %concatenate3A : vector<1000x256xf32>
    %logistic3A_5 = math.exp %logistic3A : vector<1000x256xf32>
    %logistic3A_6 = arith.constant 1.000000e+00 : f32
    %logistic3A_7 = vector.broadcast %logistic3A_6 : f32 to vector<1000x256xf32>
    %logistic3A_8 = arith.addf %logistic3A_7, %logistic3A_5 : vector<1000x256xf32>
    %logistic3A_9 = arith.divf %logistic3A_7, %logistic3A_8 : vector<1000x256xf32>
    %get3A_10 = arith.constant 0 : index
    %get3A_11 = arith.constant 0 : index
    %get3A_12 = vector.load %arg4[%get3A_10, %get3A_11] : memref<1000x128xf32, #tpu.memory_space<vmem>>, vector<1000x128xf32>
    %get3A_13 = arith.constant 0 : index
    %get3A_14 = arith.constant 0 : index
    %get3A_15 = vector.load %arg5[%get3A_13, %get3A_14] : memref<1000x128xf32, #tpu.memory_space<vmem>>, vector<1000x128xf32>
    %concatenate3A_16 = tpu.concatenate %get3A_12, %get3A_15 in 1 : vector<1000x128xf32>, vector<1000x128xf32> -> vector<1000x256xf32>
    %tanh3A = math.tanh %concatenate3A_16 : vector<1000x256xf32>
    %get3A_17 = arith.constant 0 : index
    %get3A_18 = arith.constant 0 : index
    %get3A_19 = vector.load %arg1[%get3A_17, %get3A_18] : memref<1000x256xf32, #tpu.memory_space<vmem>>, vector<1000x256xf32>
    %mul3A = arith.mulf %logistic3A_9, %get3A_19 : vector<1000x256xf32>
    %sub3A = arith.constant 1.000000e+00 : f32
    %sub3A_20 = vector.broadcast %sub3A : f32 to vector<1000x256xf32>
    %sub3A_21 = arith.subf %sub3A_20, %logistic3A_9 : vector<1000x256xf32>
    %mul3A_22 = arith.mulf %sub3A_21, %tanh3A : vector<1000x256xf32>
    %add3A = arith.addf %mul3A, %mul3A_22 : vector<1000x256xf32>
    %swap3A = arith.constant 0 : index
    %swap3A_23 = arith.constant 0 : index
    %swap3A_24 = vector.load %arg6[%swap3A, %swap3A_23] : memref<1000x256xf32, #tpu.memory_space<vmem>>, vector<1000x256xf32>
    tpu.vector_store %arg6[%swap3A, %swap3A_23], %add3A {strides = array<i32>} : memref<1000x256xf32, #tpu.memory_space<vmem>>, vector<1000x256xf32>,
    return
  }
  func.func @transform_0(%arg0: i32) -> (i32, i32) {
    %c0_i32 = arith.constant 0 : i32
    %c0_i32_0 = arith.constant 0 : i32
    return %arg0, %c0_i32 : i32, i32
  }
  func.func @transform_1(%arg0: i32) -> (i32, i32) {
    %c0_i32 = arith.constant 0 : i32
    %c0_i32_0 = arith.constant 0 : i32
    return %arg0, %c0_i32 : i32, i32
  }
  func.func @transform_2(%arg0: i32) -> (i32, i32) {
    %c0_i32 = arith.constant 0 : i32
    %c0_i32_0 = arith.constant 0 : i32
    return %arg0, %c0_i32 : i32, i32
  }
  func.func @transform_3(%arg0: i32) -> (i32, i32) {
    %c0_i32 = arith.constant 0 : i32
    %c0_i32_0 = arith.constant 0 : i32
    return %arg0, %c0_i32 : i32, i32
  }
  func.func @transform_4(%arg0: i32) -> (i32, i32) {
    %c0_i32 = arith.constant 0 : i32
    %c0_i32_0 = arith.constant 0 : i32
    return %arg0, %c0_i32 : i32, i32
  }
  func.func @transform_5(%arg0: i32) -> (i32, i32) {
    %c0_i32 = arith.constant 0 : i32
    %c0_i32_0 = arith.constant 0 : i32
    return %arg0, %c0_i32 : i32, i32
  }
}

</mosaic_0001>

<sc_bundles>
// kernel: kernel.10.cloned.1.call-start
scs
__scs_entry_jumppad:
0x0: {  	(pc) =	sbr.rel $0x88, $3  }
0x1: {  	(tag) =	ssettag $0x0;
	lr =	simm.s32 $0x1  }
0x2: {  	[smem:$0x3F99] =	sst lr;
	_ =	strace $0xD0000000  }
0x3: {  	_ = 	snop  }
0x4: {  	_ = 	snop  }
0x5: {  	_ = 	snop  }
0x6: {  	_ = 	snop  }
0x7: {  	_ = 	snop  }
__scs_overlays_trampoline_lowered:
0x8: {  	[smem:$0x3FA8] =	sst s0  }
0x9: {  	[smem:$0x3FA9] =	sst s1  }
0xa: {  	[smem:$0x3FAA] =	sst s2  }
0xb: {  	[smem:$0x3FAB] =	sst s3  }
0xc: {  	[smem:$0x3FAC] =	sst s4  }
0xd: {  	[smem:$0x3FAD] =	sst s5  }
0xe: {  	[smem:$0x3FAE] =	sst s6  }
0xf: {  	[smem:$0x3FAF] =	sst s7  }
0x10: {  	[smem:$0x3FB0] =	sst s8  }
0x11: {  	[smem:$0x3FB1] =	sst s9;
	s0 =	simm.s32 @!p0 $0x0  }
0x12: {  	s1 =	sld [smem:$0x3F97];
	s0 =	simm.s32 @p0 $0x1  }
0x13: {  	[smem:$0x3FB2] =	sst s0;
	s0 =	simm.s32 @!p1 $0x0  }
0x14: {  	s2 =	sld [smem:$0x3F96];
	s0 =	simm.s32 @p1 $0x1  }
0x15: {  	[smem:$0x3FB3] =	sst s0;
	s0 =	simm.s32 @!p2 $0x0  }
0x16: {  	s3 =	sld [smem:$0x3FDB];
	s0 =	simm.s32 @p2 $0x1  }
0x17: {  	s4 =	simm.s32 $0x1BF5;
	[smem:$0x3FB5] =	sst s0  }
0x18: {  	s0 =	sld [smem:$0x3F98];
	_ =	swait.ge [sflag:s4], $0x0  }
0x19: {  	s7 =	sld [smem:$0x3F99]  }
0x1a: {  	s8 =	sadd.s32 $0xFFFFE003, lr  }
0x1b: {  	s9 =	sadd.s32 $0xFFFFFEF7, lr;
	s5 =	simm.s32 $0xFFFFFFFF;
	p2 =	slt.u32 s8, $0xFFFFF086  }
0x1c: {  	p1 =	slt.u32 s9, $0xF7A;
	s5 =	simm.s32 @!p2 $0x0  }
0x1d: {  	s5 =	simm.s32 @p1 $0x1;
	p0 =	seq.s32 s7, s2  }
0x1e: {  	s7 =	smul.u32 @!p0 $0xF7A, s2;
	p2 =	seq.s32 @!p0 s5, $0x0  }
0x1f: {  	s9 =	smul.u32 $0xF7A, s1;
	s8 =	simm.s32 @!p0 $0x1BF5;
	p2 =	por !p2, p0  }
0x20: {  	[sflag:s8] =	ssyncset.s32 @!p0 $0xFFFFF086;
	s6 =	sadd.s32 @!p0 s3, s7;
	s7 =	simm.s32 @!p0 $0x108  }
0x21: {  	s3 =	sadd.s32 s3, s9;
	s6 =	sadd.s32 @!p0 $0x88, s6;
	s7 =	simm.s32 @p2 $0x1082  }
0x22: {  	[simem:s7], [sflag:s8] =	dma.local @!p0 [hbm:s6], $0xF7A  }
0x23: {  	s9 =	sor.u32 $0xD0000000, s2;
	s6 =	simm.s32 $0x108;
	_ =	swait.ge @!p0 [sflag:s8], $0x0  }
0x24: {  	s3 =	sadd.s32 $0x88, s3;
	s6 =	simm.s32 @!p1 $0x1082;
	[sflag:s4] =	ssyncset.s32 $0xFFFFF086  }
0x25: {  	[simem:s6], [sflag:s4] =	dma.local [hbm:s3], $0xF7A  }
0x26: {  	[smem:$0x3F99] =	sst s1;
	(tag) =	ssettag s2;
	_ =	strace s9  }
0x27: {  	s1 =	sld [smem:$0x3FA9]  }
0x28: {  	s2 =	sld [smem:$0x3FAA]  }
0x29: {  	s4 =	sld [smem:$0x3FAC]  }
0x2a: {  	p0 =	seq.s32 s5, $0x0;
	s5 =	sld [smem:$0x3FAD]  }
0x2b: {  	s6 =	sld [smem:$0x3FAE]  }
0x2c: {  	s7 =	sld [smem:$0x3FAF]  }
0x2d: {  	s3 =	simm.s32 $0x108;
	s8 =	sld [smem:$0x3FB0]  }
0x2e: {  	s3 =	simm.s32 @!p0 $0x1082;
	s9 =	sld [smem:$0x3FB1]  }
0x2f: {  	lr =	sadd.s32 s0, s3;
	s0 =	sld [smem:$0x3FA8]  }
0x30: {  	s3 =	sld [smem:$0x3FAB]  }
0x31: {  	[smem:$0x3FB4] =	sst s10  }
0x32: {  	s10 =	sld [smem:$0x3FB2];
	_ =	sdelay $0x3  }
0x33: {  	p0 =	seq.s32 s10, $0x1;
	s10 =	sld [smem:$0x3FB4];
	_ =	sdelay $0x3  }
0x34: {  	[smem:$0x3FB4] =	sst s10  }
0x35: {  	s10 =	sld [smem:$0x3FB3];
	_ =	sdelay $0x3  }
0x36: {  	p1 =	seq.s32 s10, $0x1;
	s10 =	sld [smem:$0x3FB4];
	_ =	sdelay $0x3  }
0x37: {  	[smem:$0x3FB4] =	sst s10  }
0x38: {  	s10 =	sld [smem:$0x3FB5]  }
0x39: {  	_ = 	snop;
	(pc) =	sbr.ind lr, $3  }
0x3a: {  	_ = 	snop  }
0x3b: {  	_ = 	snop  }
0x3c: {  	p2 =	seq.s32 s10, $0x1;
	s10 =	sld [smem:$0x3FB4]  }
0x3d: {  	_ =	shalt  }
0x3e: {  	_ =	shalt  }
0x3f: {  	_ =	shalt  }
0x40: {  	_ =	shalt  }
0x41: {  	_ =	shalt  }
0x42: {  	_ =	shalt  }
0x43: {  	_ =	shalt  }
0x44: {  	_ =	shalt  }
0x45: {  	_ =	shalt  }
0x46: {  	_ =	shalt  }
0x47: {  	_ =	shalt  }
0x48: {  	_ =	shalt  }
0x49: {  	_ =	shalt  }
0x4a: {  	_ =	shalt  }
0x4b: {  	_ =	shalt  }
0x4c: {  	_ =	shalt  }
0x4d: {  	_ =	shalt  }
0x4e: {  	_ =	shalt  }
0x4f: {  	_ =	shalt  }
0x50: {  	_ =	shalt  }
0x51: {  	_ =	shalt  }
0x52: {  	_ =	shalt  }
0x53: {  	_ =	shalt  }
0x54: {  	_ =	shalt  }
0x55: {  	_ =	shalt  }
0x56: {  	_ =	shalt  }
0x57: {  	_ =	shalt  }
0x58: {  	_ =	shalt  }
0x59: {  	_ =	shalt  }
0x5a: {  	_ =	shalt  }
0x5b: {  	_ =	shalt  }
0x5c: {  	_ =	shalt  }
0x5d: {  	_ =	shalt  }
0x5e: {  	_ =	shalt  }
0x5f: {  	_ =	shalt  }
0x60: {  	_ =	shalt  }
0x61: {  	_ =	shalt  }
0x62: {  	_ =	shalt  }
0x63: {  	_ =	shalt  }
0x64: {  	_ =	shalt  }
0x65: {  	_ =	shalt  }
0x66: {  	_ =	shalt  }
0x67: {  	_ =	shalt  }
0x68: {  	_ =	shalt  }
0x69: {  	_ =	shalt  }
0x6a: {  	_ =	shalt  }
0x6b: {  	_ =	shalt  }
0x6c: {  	_ =	shalt  }
0x6d: {  	_ =	shalt  }
0x6e: {  	_ =	shalt  }
0x6f: {  	_ =	shalt  }
0x70: {  	_ =	shalt  }
0x71: {  	_ =	shalt  }
0x72: {  	_ =	shalt  }
0x73: {  	_ =	shalt  }
0x74: {  	_ =	shalt  }
0x75: {  	_ =	shalt  }
0x76: {  	_ =	shalt  }
0x77: {  	_ =	shalt  }
0x78: {  	_ =	shalt  }
0x79: {  	_ =	shalt  }
0x7a: {  	_ =	shalt  }
0x7b: {  	_ =	shalt  }
0x7c: {  	_ =	shalt  }
0x7d: {  	_ =	shalt  }
0x7e: {  	_ =	shalt  }
0x7f: {  	_ =	shalt  }
0x80: {  	_ =	shalt  }
0x81: {  	_ =	shalt  }
0x82: {  	_ =	shalt  }
0x83: {  	_ =	shalt  }
0x84: {  	_ =	shalt  }
0x85: {  	_ =	shalt  }
0x86: {  	_ =	shalt  }
0x87: {  	_ =	shalt  }
.Lfunc_end0:
.L_simem_size_0:
called_computation.1_lowered:
.L_overlay_start_0:
0x88: {  	s2 =	sld [smem:$0x3FD9]  }
0x89: {  	s3 =	sld [smem:$0x3FFE];
	_ =	sdelay $0x1  }
0x8a: {  	s1 =	srdreg.scid  }
0x8b: {  	s0 =	sand.u32 $0x1, s1  }
0x8c: {  	s17 =	sshll.u32 s0, $0xA;
	s2 =	sadd.s32 s3, s2  }
0x8d: {  	s2 =	sadd.s32 s2, s17  }
0x8e: {  	[smem:$0x3FC0] =	sst s2  }
0x8f: {  	_ = 	snop  }
0x90: {  	s2 =	sld [smem:$0x3FD0];
	(tm) =	ssettm $0x1  }
0x91: {  	s18 =	sld [smem:$0x3FFB];
	_ =	sdelay $0x3  }
0x92: {  	_ =	strace s18  }
0x93: {  	s3 =	sld [smem:$0x3FFC];
	_ =	sdelay $0x3  }
0x94: {  	_ =	strace s3  }
0x95: {  	s3 =	sld [smem:$0x3FFD];
	_ =	sdelay $0x3  }
0x96: {  	_ =	strace s3  }
0x97: {  	_ =	strace $0x8FFFFFFF  }
0x98: {  	s19 =	sld [smem:$0x3FDB];
	_ =	sdelay $0x1  }
0x99: {  	s4 =	simm.s32 $_scs_section_size  }
0x9a: {  	s5 =	simm.s32 $_size__tile_overlayer_lowered;
	s6 =	simm.s32 $_tile_overlayer_lowered  }
0x9b: {  	s22 =	simm.s32 $0x1BFF;
	s21 =	sshll.u32 s6, $0x1;
	s3 =	sadd.s32 s4, s19  }
0x9c: {  	s7 =	simm.s32 $0x0;
	s20 =	sshll.u32 s5, $0x1;
	s5 =	sadd.s32 s21, s3  }
0x9d: {  	[timem:s7], [sflag:s22] =	dma.local [hbm:s5], s20  }
0x9e: {  	_ =	swait.ge [sflag:s22], s20  }
0x9f: {  	s4 =	ssub.s32 $0x0, s20;
	[sflag:s22] =	ssyncset.done $0x0  }
0xa0: {  	[sflag:s22] =	ssyncadd.s32 s4;
	_ =	sdelay $0x1  }
0xa1: {  	s23 =	simm.s32 $0x1B8B  }
0xa2: {  	_ =	swait.ge [sflag:s23], $0x1  }
0xa3: {  	[sflag:s23] =	ssyncset.done $0x0  }
0xa4: {  	s25 =	simm.s32 $0x1B8E;
	s24 =	sld [smem:$0x3FFE];
	[sflag:s23] =	ssyncadd.s32 $0xFFFFFFFF  }
0xa5: {  	s26 =	simm.s32 $execute0_lowered;
	[smem:$0x3FD2] =	sst s25  }
0xa6: {  	s5 =	sshll.u32 s26, $0x1;
	_ =	strace $0x80000049;
	[dreg:$0x1] =	wrdreg $0xFFFFFFFF  }
0xa7: {  	s28 =	simm.s32 $_size_execute0_lowered;
	s3 =	sadd.s32 s3, s5;
	[dreg:$0x0] =	wrdreg $0x0  }
0xa8: {  	s5 =	sshll.u32 s28, $0x1;
	[dreg:$0x2] =	wrdreg s3  }
0xa9: {  	[dreg:$0x3] =	wrdreg s5  }
0xaa: {  	[dreg:$0x4] =	wrdreg $0xC0  }
0xab: {  	_ =	task [dreg:s7], $0x5FFFF  }
0xac: {  	[dreg:$0x1] =	wrdreg $0xFFFFFFFF  }
0xad: {  	[dreg:$0x0] =	wrdreg $0x60  }
0xae: {  	[dreg:$0x2] =	wrdreg s24  }
0xaf: {  	[dreg:$0x3] =	wrdreg s2  }
0xb0: {  	[dreg:$0x4] =	wrdreg $0xAD000  }
0xb1: {  	[dreg:$0x5] =	wrdreg $0x9  }
0xb2: {  	_ =	task.clear_ibuf [dreg:s7], $0x6FFFF;
	_ =	strace $0x90000049  }
0xb3: {  	s29 =	simm.s32 $0x9;
	_ =	strace $0x8000004B  }
0xb4: {  	_ =	swait.ge [sflag:s29], $0x1  }
0xb5: {  	[sflag:s29] =	ssyncadd.s32 $0xFFFFFFFF  }
0xb6: {  	_ =	strace $0x9000004B  }
0xb7: {  	_ =	sfence  }
0xb8: {  	s30 =	sld [smem:$0x0];
	_ =	sdelay $0x2  }
0xb9: {  	s31 =	sshll.u32 s1, $0xD;
	s1 =	sshrl.u32 s1, $0x2  }
0xba: {  	s3 =	sand.u32 $0x4000, s31;
	s1 =	sadd.s32 s1, s30  }
0xbb: {  	s0 =	sor.u32 s3, s0;
	s1 =	sshll.u32 s1, $0x11  }
0xbc: {  	s0 =	sor.u32 s1, s0  }
0xbd: {  	s0 =	sadd.s32 $0x8F2B, s0  }
0xbe: {  	[sflag:s0] =	ssyncadd.remote.s32 $0x1  }
0xbf: {  	_ =	sfence.sel $0xFFFF  }
0xc0: {  	[dreg:$0x0] =	wrdreg $0xFFFFFFFF;
	(pc) =	sbr.abs _section_cstart, $3  }
0xc1: {  	[dreg:$0x1] =	wrdreg $0xFFFFFFFF  }
0xc2: {  	_ =	task.clear_ibuf [dreg:s7], $0x2FFFF;
	_ =	strace $0x9FFFFFFF  }
0xc3: {  	(tm) =	ssettm $0x7FFFFFFF  }
tec
execute0_lowered:
.L_overlay_start_1:
0x0: {  	(tag) =	ssettag $0x1  }
0x1: {  	s0 =	rddreg [dreg:$0x0]  }
0x2: {  	s1 =	rddreg [dreg:$0x1]  }
0x3: {  	s2 =	rddreg [dreg:$0x2];
	s3 =	simm.s32 $0x0;
	s7 =	srdreg.scid  }
0x4: {  	s4 =	stileid.u32;
	s22 =	simm.s32 $0x2;
	s24 =	simm.s32 $0x8500  }
0x5: {  	s28 =	simm.s32 $0x1;
	s29 =	simm.s32 $0x0;
	s30 =	simm.s32 $0x0  }
0x6: {  	[smem:$0x7FF] =	sst s3;
	s5 =	sadd.s32 $0x13C00, s0;
	s10 =	smul.u32 $0x50000, s4  }
0x7: {  	s6 =	sadd.s32 $0x3AE00, s0;
	s7 =	sand.u32 $0x1, s7;
	s17 =	smul.u32 $0x7D, s4  }
0x8: {  	s8 =	sshll.u32 s4, $0xB;
	s11 =	sadd.s32 $0x62000, s0;
	s20 =	smul.u32 $0x2800, s4  }
0x9: {  	_ =	strace $0x8000004A;
	s9 =	ssub.s32 $0x2, s7;
	s8 =	sadd.s32 s8, s0  }
0xa: {  	[dreg:$0x4] =	wrdreg s11;
	s0 =	sadd.s32 $0x8A000, s0;
	p0 =	sne.s32 s7, $0x0  }
0xb: {  	s25 =	sshrl.u32 s9, $0x1;
	[dreg:$0x5] =	wrdreg s0;
	s31 =	sshrl.u32 s10, $0x2  }
.Ltmp0:
0xc: {  	s10 =	sadd.s32 $0x3C00, s8;
	s26 =	ssub.s32 s9, s25;
	(pc) =	sbr.rel .LBB2_1-.Ltmp0, $4  }
0xd: {  	s9 =	sadd.s32 $0xBC00, s8;
	s11 =	sadd.s32 s31, s2;
	s25 =	simm.s32 $0x8000  }
0xe: {  	s12 =	sadd.s32 $0x2800, s11;
	s13 =	sadd.s32 $0x5000, s11;
	s14 =	sadd.s32 $0x7800, s11  }
0xf: {  	s15 =	sadd.s32 $0xA000, s11;
	s16 =	sadd.s32 $0xC800, s11;
	s18 =	sadd.s32 $0xF000, s11  }
0x10: {  	v0 =	vimm.f32 $0.0e+00;
	s19 =	sadd.s32 $0x11800, s11;
	s21 =	smax.u32 s26, $0x1;
	s26 =	simm.s32 $0x50  }
.LBB2_12:
0x11: {  	s0 =	sadd.s32 s0, s20;
	s4 =	stileid.u32  }
0x12: {  	[bflag:$0x0] =	sbarrier.arrive $0xFFFF;
	s29 =	sadd.s32 $0x1, s29;
	s4 =	sshll.u32 s4, $0x6  }
0x13: {  	s7 =	sshrl.u32 s11, $0x3;
	p1 =	sne.s32 s29, s21;
	s4 =	sor.u32 $0x1C02, s4  }
0x14: {  	[hbm:s0], [sflag:s4] =	dma.local [spmem:s7], $0x2800  }
.Ltmp1:
0x15: {  	_ =	swait.ge [sflag:s22], $0x2800;
	(pc) =	sbr.rel @!p1 .LBB2_13-.Ltmp1, $3  }
0x16: {  	[sflag:s22] =	ssyncset.done $0x0  }
0x17: {  	[sflag:s22] =	ssyncadd.s32 $0xFFFFD800  }
0x18: {  	[bflag:$0x0] =	sbarrier.arrive $0xFFFF;
	_ =	sdelay $0x1  }
.LBB2_1:
0x19: {  	[tilespmem:s3], [sflag:$0x2] =	stream.linear.gather [hbm4b:s9+s3], $0x3E80, $0x38;
	[tilespmem:$0x1ED00] =	vst v63  }
0x1a: {  	_ =	swait.ge [sflag:s22], $0x3E80  }
0x1b: {  	[sflag:s22] =	ssyncset.done $0x0  }
0x1c: {  	s0 =	simm.s32 $0x4000;
	[sflag:s22] =	ssyncadd.s32 $0xFFFFC180  }
0x1d: {  	[tilespmem:s0], [sflag:$0x2] =	stream.linear.gather [hbm4b:s10+s3], $0x3E80, $0x38;
	[tilespmem:$0x1ED00] =	vst v63  }
0x1e: {  	_ =	swait.ge [sflag:s22], $0x3E80  }
0x1f: {  	[sflag:s22] =	ssyncset.done $0x0  }
0x20: {  	s7 =	simm.s32 $0x200;
	s0 =	simm.s32 $0x0;
	[sflag:s22] =	ssyncadd.s32 $0xFFFFC180  }
.LBB2_2:
0x21: {  	p1 =	sne.s32 s7, $0x9E00;
	[tilespmem:s0+$0x8570] =	vst v0  }
0x22: {  	[tilespmem:s0+$0x8500] =	vst v0  }
0x23: {  	[tilespmem:s0+$0x8510] =	vst v0  }
.Ltmp2:
0x24: {  	[tilespmem:s0+$0x8520] =	vst v0;
	(pc) =	sbr.rel @p1 .LBB2_2-.Ltmp2, $4  }
0x25: {  	[tilespmem:s0+$0x8530] =	vst v0  }
0x26: {  	[tilespmem:s0+$0x8540] =	vst v0  }
0x27: {  	[tilespmem:s0+$0x8550] =	vst v0  }
0x28: {  	[tilespmem:s0+$0x8560] =	vst v0;
	s0 =	sshra.s32 s7, $0x2;
	s7 =	sadd.s32 $0x200, s7  }
0x29: {  	[tilespmem:s0+$0x8570] =	vst v0  }
0x2a: {  	[tilespmem:s0+$0x8500] =	vst v0  }
0x2b: {  	[tilespmem:s0+$0x8510] =	vst v0  }
0x2c: {  	[tilespmem:s0+$0x8520] =	vst v0  }
0x2d: {  	[tilespmem:s0+$0x8530] =	vst v0  }
0x2e: {  	[tilespmem:s0+$0x8540] =	vst v0  }
0x2f: {  	[tilespmem:s0+$0x8550] =	vst v0  }
0x30: {  	[tilespmem:s0+$0x8560] =	vst v0  }
0x31: {  	[spmem:s11] =	stream.linear.scatter [tilespmem:s24], [sflag:$0x2], $0x2800, $0x38;
	[tilespmem:$0x1ED00] =	vst v63  }
0x32: {  	_ =	swait.ge [sflag:s22], $0x2800  }
0x33: {  	[sflag:s22] =	ssyncset.done $0x0  }
0x34: {  	[sflag:s22] =	ssyncadd.s32 $0xFFFFD800  }
0x35: {  	[spmem:s12] =	stream.linear.scatter [tilespmem:s24], [sflag:$0x2], $0x2800, $0x38;
	[tilespmem:$0x1ED00] =	vst v63  }
0x36: {  	_ =	swait.ge [sflag:s22], $0x2800  }
0x37: {  	[sflag:s22] =	ssyncset.done $0x0  }
0x38: {  	[sflag:s22] =	ssyncadd.s32 $0xFFFFD800  }
0x39: {  	[spmem:s13] =	stream.linear.scatter [tilespmem:s24], [sflag:$0x2], $0x2800, $0x38;
	[tilespmem:$0x1ED00] =	vst v63  }
0x3a: {  	_ =	swait.ge [sflag:s22], $0x2800  }
0x3b: {  	[sflag:s22] =	ssyncset.done $0x0  }
0x3c: {  	[sflag:s22] =	ssyncadd.s32 $0xFFFFD800  }
0x3d: {  	[spmem:s14] =	stream.linear.scatter [tilespmem:s24], [sflag:$0x2], $0x2800, $0x38;
	[tilespmem:$0x1ED00] =	vst v63  }
0x3e: {  	_ =	swait.ge [sflag:s22], $0x2800  }
0x3f: {  	[sflag:s22] =	ssyncset.done $0x0  }
0x40: {  	[sflag:s22] =	ssyncadd.s32 $0xFFFFD800  }
0x41: {  	[spmem:s15] =	stream.linear.scatter [tilespmem:s24], [sflag:$0x2], $0x2800, $0x38;
	[tilespmem:$0x1ED00] =	vst v63  }
0x42: {  	_ =	swait.ge [sflag:s22], $0x2800  }
0x43: {  	[sflag:s22] =	ssyncset.done $0x0  }
0x44: {  	[sflag:s22] =	ssyncadd.s32 $0xFFFFD800  }
0x45: {  	[spmem:s16] =	stream.linear.scatter [tilespmem:s24], [sflag:$0x2], $0x2800, $0x38;
	[tilespmem:$0x1ED00] =	vst v63  }
0x46: {  	_ =	swait.ge [sflag:s22], $0x2800  }
0x47: {  	[sflag:s22] =	ssyncset.done $0x0  }
0x48: {  	[sflag:s22] =	ssyncadd.s32 $0xFFFFD800  }
0x49: {  	[spmem:s18] =	stream.linear.scatter [tilespmem:s24], [sflag:$0x2], $0x2800, $0x38;
	[tilespmem:$0x1ED00] =	vst v63  }
0x4a: {  	_ =	swait.ge [sflag:s22], $0x2800  }
0x4b: {  	[sflag:s22] =	ssyncset.done $0x0  }
0x4c: {  	[sflag:s22] =	ssyncadd.s32 $0xFFFFD800  }
0x4d: {  	[spmem:s19] =	stream.linear.scatter [tilespmem:s24], [sflag:$0x2], $0x2800, $0x38;
	[tilespmem:$0x1ED00] =	vst v63  }
.Ltmp3:
0x4e: {  	_ =	swait.ge [sflag:s22], $0x2800;
	(pc) =	sbr.rel @p0 .LBB2_8-.Ltmp3, $4  }
0x4f: {  	[sflag:s22] =	ssyncset.done $0x0  }
0x50: {  	[sflag:s22] =	ssyncadd.s32 $0xFFFFD800  }
0x51: {  	[bflag:$0x0] =	sbarrier.arrive $0xFFFF  }
0x52: {  	s31 =	simm.s32 $0x0;
	s0 =	simm.s32 $0x0  }
.LBB2_4:
0x53: {  	s0 =	sadd.s32 s17, s31  }
0x54: {  	s0 =	smul.u32 $0xA0, s0;
	_ =	sdelay $0x1  }
0x55: {  	s0 =	sadd.s32 s1, s0  }
0x56: {  	[tilespmem:s25], [sflag:$0x2] =	stream.linear.gather [hbm4b:s0+s30], $0x500, $0x38;
	[tilespmem:$0x1ED00] =	vst v63  }
0x57: {  	_ =	swait.ge [sflag:s22], $0x500  }
0x58: {  	[sflag:s22] =	ssyncset.done $0x0  }
0x59: {  	s0 =	sshll.u32 s31, $0x7;
	[sflag:s22] =	ssyncadd.s32 $0xFFFFFB00  }
0x5a: {  	[tilespmem:s24], [sflag:$0x1] =	stream.indirect.gather [hbm4b:s5+s26], $0x80, s0, s26, $0xb8;
	[tilespmem:$0x1ED00] =	vst v63  }
0x5b: {  	_ =	swait.ge [sflag:s28], $0x2800  }
0x5c: {  	[sflag:s28] =	ssyncset.done $0x0  }
0x5d: {  	s7 =	simm.s32 $0x8540;
	[sflag:s28] =	ssyncadd.s32 $0xFFFFD800  }
0x5e: {  	v5 =	vld [tilespmem:s7+$0x30]  }
0x5f: {  	v8 =	vld [tilespmem:s7+$0x10]  }
0x60: {  	s8 =	simm.s32 $0x0;
	v6 =	vld [tilespmem:s7+$0xFFFFFFC0]  }
0x61: {  	v2 =	vld [tilespmem:s8+$0x8000]  }
0x62: {  	v10 =	vld [tilespmem:s7+$0xFFFFFFE0]  }
0x63: {  	v1 =	vld [tilespmem:s7+$0xFFFFFFF0]  }
0x64: {  	v3 =	vld [tilespmem:s7+$0x20]  }
0x65: {  	v4 =	vld [tilespmem:s7+$0xFFFFFFD0]  }
0x66: {  	v9 =	vmul.f32 v5, v2;
	v5 =	vld [tilespmem:s7+$0x0]  }
0x67: {  	v7 =	vmul.f32 v6, v2  }
0x68: {  	s23 =	simm.s32 $0x8540;
	s8 =	simm.s32 $0x40;
	v6 =	vmul.f32 v10, v2;
	v8 =	vmul.f32 v8, v2  }
.LBB2_5:
0x69: {  	p1 =	sne.s32 s8, $0x13C0  }
0x6a: {  	v4 =	vmul.f32 v4, v2;
	v3 =	vmul.f32 v3, v2;
	[tilespmem:s7+$0x30] =	vst v9;
	s23 =	sadd.s32 $0x80, s23;
	s4 =	smov.u32 s8;
	s8 =	sadd.s32 $0x40, s8  }
0x6b: {  	[tilespmem:s7+$0xFFFFFFC0] =	vst v7;
	v7 =	vmul.f32 v1, v2;
	v2 =	vmul.f32 v5, v2  }
0x6c: {  	[tilespmem:s7+$0x10] =	vst v8  }
0x6d: {  	v1 =	vld [tilespmem:s23+$0xFFFFFFF0];
	[tilespmem:s7+$0xFFFFFFE0] =	vst v6  }
0x6e: {  	v6 =	vld [tilespmem:s23+$0x30];
	[tilespmem:s7+$0xFFFFFFF0] =	vst v7  }
0x6f: {  	v8 =	vld [tilespmem:s23+$0x10];
	[tilespmem:s7+$0x0] =	vst v2  }
0x70: {  	v7 =	vld [tilespmem:s23+$0xFFFFFFC0];
	[tilespmem:s7+$0x20] =	vst v3  }
0x71: {  	s4 =	sshra.s32 s4, $0x2;
	v10 =	vld [tilespmem:s23+$0xFFFFFFE0];
	[tilespmem:s7+$0xFFFFFFD0] =	vst v4;
	s7 =	smov.u32 s23  }
0x72: {  	v2 =	vld [tilespmem:s4+$0x8000]  }
0x73: {  	v3 =	vld [tilespmem:s23+$0x20]  }
.Ltmp4:
0x74: {  	v4 =	vld [tilespmem:s23+$0xFFFFFFD0];
	(pc) =	sbr.rel @p1 .LBB2_5-.Ltmp4, $3  }
0x75: {  	v5 =	vld [tilespmem:s23+$0x0];
	_ =	sdelay $0x1  }
0x76: {  	v7 =	vmul.f32 v7, v2;
	v9 =	vmul.f32 v6, v2  }
0x77: {  	v6 =	vmul.f32 v10, v2;
	v8 =	vmul.f32 v8, v2  }
0x78: {  	[tilespmem:s7+$0x30] =	vst v9  }
0x79: {  	[tilespmem:s7+$0xFFFFFFC0] =	vst v7  }
0x7a: {  	v1 =	vmul.f32 v1, v2;
	[tilespmem:s7+$0x10] =	vst v8  }
0x7b: {  	v3 =	vmul.f32 v3, v2;
	[tilespmem:s7+$0xFFFFFFE0] =	vst v6  }
0x7c: {  	v5 =	vmul.f32 v5, v2;
	[tilespmem:s7+$0xFFFFFFF0] =	vst v1  }
0x7d: {  	s31 =	sadd.s32 $0x1, s31;
	v1 =	vmul.f32 v4, v2;
	[tilespmem:s7+$0x20] =	vst v3  }
0x7e: {  	p1 =	seq.s32 s31, $0x7D;
	[tilespmem:s7+$0x0] =	vst v5  }
.Ltmp5:
0x7f: {  	s0 =	sadd.s32 $0x4000, s0;
	[tilespmem:s7+$0xFFFFFFD0] =	vst v1;
	(pc) =	sbr.rel @!p1 .LBB2_4-.Ltmp5, $4  }
0x80: {  	[spmem:s2] =	stream.indirect.scatter.add.f32 [tilespmem:s24], [sflag:$0x2], $0x80, s0, s26, $0xb8;
	[tilespmem:$0x1ED00] =	vst v63  }
0x81: {  	_ =	swait.ge [sflag:s22], $0x2800  }
0x82: {  	[sflag:s22] =	ssyncset.done $0x0  }
0x83: {  	[sflag:s22] =	ssyncadd.s32 $0xFFFFD800  }
.Ltmp6:
0x84: {  	(pc) =	sbr.rel .LBB2_12-.Ltmp6, $2  }
0x85: {  	_ =	sdelay $0x2  }
0x86: {  	s0 =	rddreg [dreg:$0x4]  }
.LBB2_8:
0x87: {  	s4 =	sadd.s32 s17, s0  }
0x88: {  	s4 =	smul.u32 $0xA0, s4;
	_ =	sdelay $0x1  }
0x89: {  	s4 =	sadd.s32 s1, s4  }
0x8a: {  	[tilespmem:s25], [sflag:$0x2] =	stream.linear.gather [hbm4b:s4+s30], $0x500, $0x38;
	[tilespmem:$0x1ED00] =	vst v63  }
0x8b: {  	_ =	swait.ge [sflag:s22], $0x500  }
0x8c: {  	[sflag:s22] =	ssyncset.done $0x0  }
0x8d: {  	s31 =	sshll.u32 s0, $0x7;
	[sflag:s22] =	ssyncadd.s32 $0xFFFFFB00  }
0x8e: {  	[tilespmem:s24], [sflag:$0x1] =	stream.indirect.gather [hbm4b:s6+s26], $0x80, s31, s26, $0xb8;
	[tilespmem:$0x1ED00] =	vst v63  }
0x8f: {  	_ =	swait.ge [sflag:s28], $0x2800  }
0x90: {  	[sflag:s28] =	ssyncset.done $0x0  }
0x91: {  	s7 =	simm.s32 $0x8540;
	[sflag:s28] =	ssyncadd.s32 $0xFFFFD800  }
0x92: {  	v5 =	vld [tilespmem:s7+$0x30]  }
0x93: {  	v8 =	vld [tilespmem:s7+$0x10]  }
0x94: {  	s23 =	simm.s32 $0x0;
	v6 =	vld [tilespmem:s7+$0xFFFFFFC0]  }
0x95: {  	v2 =	vld [tilespmem:s23+$0x8000]  }
0x96: {  	v10 =	vld [tilespmem:s7+$0xFFFFFFE0]  }
0x97: {  	v1 =	vld [tilespmem:s7+$0xFFFFFFF0]  }
0x98: {  	v3 =	vld [tilespmem:s7+$0x20]  }
0x99: {  	v4 =	vld [tilespmem:s7+$0xFFFFFFD0]  }
0x9a: {  	v9 =	vmul.f32 v5, v2;
	v5 =	vld [tilespmem:s7+$0x0]  }
0x9b: {  	v7 =	vmul.f32 v6, v2  }
0x9c: {  	s8 =	simm.s32 $0x40;
	s23 =	simm.s32 $0x8540;
	v6 =	vmul.f32 v10, v2;
	v8 =	vmul.f32 v8, v2  }
.LBB2_9:
0x9d: {  	p1 =	sne.s32 s8, $0x13C0  }
0x9e: {  	v4 =	vmul.f32 v4, v2;
	v3 =	vmul.f32 v3, v2;
	[tilespmem:s7+$0x30] =	vst v9;
	s23 =	sadd.s32 $0x80, s23;
	s4 =	smov.u32 s8;
	s8 =	sadd.s32 $0x40, s8  }
0x9f: {  	[tilespmem:s7+$0xFFFFFFC0] =	vst v7;
	v7 =	vmul.f32 v1, v2;
	v2 =	vmul.f32 v5, v2  }
0xa0: {  	[tilespmem:s7+$0x10] =	vst v8  }
0xa1: {  	v1 =	vld [tilespmem:s23+$0xFFFFFFF0];
	[tilespmem:s7+$0xFFFFFFE0] =	vst v6  }
0xa2: {  	v6 =	vld [tilespmem:s23+$0x30];
	[tilespmem:s7+$0xFFFFFFF0] =	vst v7  }
0xa3: {  	v8 =	vld [tilespmem:s23+$0x10];
	[tilespmem:s7+$0x0] =	vst v2  }
0xa4: {  	v7 =	vld [tilespmem:s23+$0xFFFFFFC0];
	[tilespmem:s7+$0x20] =	vst v3  }
0xa5: {  	s4 =	sshra.s32 s4, $0x2;
	v10 =	vld [tilespmem:s23+$0xFFFFFFE0];
	[tilespmem:s7+$0xFFFFFFD0] =	vst v4;
	s7 =	smov.u32 s23  }
0xa6: {  	v2 =	vld [tilespmem:s4+$0x8000]  }
0xa7: {  	v3 =	vld [tilespmem:s23+$0x20]  }
.Ltmp7:
0xa8: {  	v4 =	vld [tilespmem:s23+$0xFFFFFFD0];
	(pc) =	sbr.rel @p1 .LBB2_9-.Ltmp7, $3  }
0xa9: {  	v5 =	vld [tilespmem:s23+$0x0];
	_ =	sdelay $0x1  }
0xaa: {  	v7 =	vmul.f32 v7, v2;
	v9 =	vmul.f32 v6, v2  }
0xab: {  	v6 =	vmul.f32 v10, v2;
	v8 =	vmul.f32 v8, v2  }
0xac: {  	[tilespmem:s7+$0x30] =	vst v9  }
0xad: {  	[tilespmem:s7+$0xFFFFFFC0] =	vst v7  }
0xae: {  	v1 =	vmul.f32 v1, v2;
	[tilespmem:s7+$0x10] =	vst v8  }
0xaf: {  	v3 =	vmul.f32 v3, v2;
	[tilespmem:s7+$0xFFFFFFE0] =	vst v6  }
0xb0: {  	v5 =	vmul.f32 v5, v2;
	[tilespmem:s7+$0xFFFFFFF0] =	vst v1  }
0xb1: {  	s0 =	sadd.s32 $0x1, s0;
	v1 =	vmul.f32 v4, v2;
	[tilespmem:s7+$0x20] =	vst v3  }
0xb2: {  	p1 =	sne.s32 s0, $0x7D;
	[tilespmem:s7+$0x0] =	vst v5  }
.Ltmp8:
0xb3: {  	s4 =	sadd.s32 $0x4000, s31;
	[tilespmem:s7+$0xFFFFFFD0] =	vst v1;
	(pc) =	sbr.rel @p1 .LBB2_8-.Ltmp8, $4  }
0xb4: {  	[spmem:s2] =	stream.indirect.scatter.add.f32 [tilespmem:s24], [sflag:$0x2], $0x80, s4, s26, $0xb8;
	[tilespmem:$0x1ED00] =	vst v63  }
0xb5: {  	_ =	swait.ge [sflag:s22], $0x2800  }
0xb6: {  	[sflag:s22] =	ssyncset.done $0x0  }
0xb7: {  	[sflag:s22] =	ssyncadd.s32 $0xFFFFD800  }
.Ltmp9:
0xb8: {  	(pc) =	sbr.rel .LBB2_12-.Ltmp9, $2  }
0xb9: {  	_ =	sdelay $0x2  }
0xba: {  	s0 =	rddreg [dreg:$0x5]  }
.LBB2_13:
0xbb: {  	_ =	sfence.sel $0x180000  }
0xbc: {  	[bflag:$0x0] =	sbarrier.arrive $0xFFFF  }
0xbd: {  	_ =	strace $0x9000004A  }
0xbe: {  	s0 =	stileid.u32;
	[bflag:$0x2] =	sbarrier.arrive $0xFFFF  }
0xbf: {  	p0 =	sne.s32 s0, $0x0;
	s0 =	rddreg [dreg:$0x3]  }
0xc0: {  	s0 =	sadd.s32 @!p0 $0x100000, s0  }
0xc1: {  	[sflag:s0] =	ssyncadd.tile.s32 @!p0 $0x1;
	_ =	shalt  }
.Lfunc_end2:
_tile_overlayer_lowered:
.L_overlay_start_2:
0xc2: {  	(tag) =	ssettag $0x2  }
0xc3: {  	s0 =	rddreg [dreg:$0x0];
	s2 =	stileid.u32  }
0xc4: {  	s1 =	rddreg [dreg:$0x1];
	p0 =	sne.s32 s2, $0x0  }
0xc5: {  	s3 =	rddreg [dreg:$0x2];
	[bflag:$0x3] =	sbarrier.arrive $0xFFFF;
	s2 =	simm.s32 @!p0 $0x1C02  }
0xc6: {  	[timem:s3], [sflag:s2] =	dma.local @!p0 [hbm:s0], s1  }
0xc7: {  	s0 =	simm.s32 @!p0 $0x2  }
0xc8: {  	_ =	swait.ge @!p0 [sflag:s0], s1  }
0xc9: {  	s1 =	ssub.s32 @!p0 $0x0, s1;
	[sflag:s0] =	ssyncset.done @!p0 $0x0  }
0xca: {  	[sflag:s0] =	ssyncadd.s32 @!p0 s1  }
0xcb: {  	[bflag:$0x3] =	sbarrier.arrive $0xFFFF  }
0xcc: {  	_ =	shalt  }

// kernel: kernel.7.cloned.1.call-start
scs
__scs_entry_jumppad:
0x0: {  	(pc) =	sbr.rel $0x88, $3  }
0x1: {  	(tag) =	ssettag $0x0;
	lr =	simm.s32 $0x1  }
0x2: {  	[smem:$0x3F99] =	sst lr;
	_ =	strace $0xD0000000  }
0x3: {  	_ = 	snop  }
0x4: {  	_ = 	snop  }
0x5: {  	_ = 	snop  }
0x6: {  	_ = 	snop  }
0x7: {  	_ = 	snop  }
__scs_overlays_trampoline_lowered:
0x8: {  	[smem:$0x3FA8] =	sst s0  }
0x9: {  	[smem:$0x3FA9] =	sst s1  }
0xa: {  	[smem:$0x3FAA] =	sst s2  }
0xb: {  	[smem:$0x3FAB] =	sst s3  }
0xc: {  	[smem:$0x3FAC] =	sst s4  }
0xd: {  	[smem:$0x3FAD] =	sst s5  }
0xe: {  	[smem:$0x3FAE] =	sst s6  }
0xf: {  	[smem:$0x3FAF] =	sst s7  }
0x10: {  	[smem:$0x3FB0] =	sst s8  }
0x11: {  	[smem:$0x3FB1] =	sst s9;
	s0 =	simm.s32 @!p0 $0x0  }
0x12: {  	s1 =	sld [smem:$0x3F97];
	s0 =	simm.s32 @p0 $0x1  }
0x13: {  	[smem:$0x3FB2] =	sst s0;
	s0 =	simm.s32 @!p1 $0x0  }
0x14: {  	s2 =	sld [smem:$0x3F96];
	s0 =	simm.s32 @p1 $0x1  }
0x15: {  	[smem:$0x3FB3] =	sst s0;
	s0 =	simm.s32 @!p2 $0x0  }
0x16: {  	s3 =	sld [smem:$0x3FDB];
	s0 =	simm.s32 @p2 $0x1  }
0x17: {  	s4 =	simm.s32 $0x1BF5;
	[smem:$0x3FB5] =	sst s0  }
0x18: {  	s0 =	sld [smem:$0x3F98];
	_ =	swait.ge [sflag:s4], $0x0  }
0x19: {  	s7 =	sld [smem:$0x3F99]  }
0x1a: {  	s8 =	sadd.s32 $0xFFFFE003, lr  }
0x1b: {  	s9 =	sadd.s32 $0xFFFFFEF7, lr;
	s5 =	simm.s32 $0xFFFFFFFF;
	p2 =	slt.u32 s8, $0xFFFFF086  }
0x1c: {  	p1 =	slt.u32 s9, $0xF7A;
	s5 =	simm.s32 @!p2 $0x0  }
0x1d: {  	s5 =	simm.s32 @p1 $0x1;
	p0 =	seq.s32 s7, s2  }
0x1e: {  	s7 =	smul.u32 @!p0 $0xF7A, s2;
	p2 =	seq.s32 @!p0 s5, $0x0  }
0x1f: {  	s9 =	smul.u32 $0xF7A, s1;
	s8 =	simm.s32 @!p0 $0x1BF5;
	p2 =	por !p2, p0  }
0x20: {  	[sflag:s8] =	ssyncset.s32 @!p0 $0xFFFFF086;
	s6 =	sadd.s32 @!p0 s3, s7;
	s7 =	simm.s32 @!p0 $0x108  }
0x21: {  	s3 =	sadd.s32 s3, s9;
	s6 =	sadd.s32 @!p0 $0x88, s6;
	s7 =	simm.s32 @p2 $0x1082  }
0x22: {  	[simem:s7], [sflag:s8] =	dma.local @!p0 [hbm:s6], $0xF7A  }
0x23: {  	s9 =	sor.u32 $0xD0000000, s2;
	s6 =	simm.s32 $0x108;
	_ =	swait.ge @!p0 [sflag:s8], $0x0  }
0x24: {  	s3 =	sadd.s32 $0x88, s3;
	s6 =	simm.s32 @!p1 $0x1082;
	[sflag:s4] =	ssyncset.s32 $0xFFFFF086  }
0x25: {  	[simem:s6], [sflag:s4] =	dma.local [hbm:s3], $0xF7A  }
0x26: {  	[smem:$0x3F99] =	sst s1;
	(tag) =	ssettag s2;
	_ =	strace s9  }
0x27: {  	s1 =	sld [smem:$0x3FA9]  }
0x28: {  	s2 =	sld [smem:$0x3FAA]  }
0x29: {  	s4 =	sld [smem:$0x3FAC]  }
0x2a: {  	p0 =	seq.s32 s5, $0x0;
	s5 =	sld [smem:$0x3FAD]  }
0x2b: {  	s6 =	sld [smem:$0x3FAE]  }
0x2c: {  	s7 =	sld [smem:$0x3FAF]  }
0x2d: {  	s3 =	simm.s32 $0x108;
	s8 =	sld [smem:$0x3FB0]  }
0x2e: {  	s3 =	simm.s32 @!p0 $0x1082;
	s9 =	sld [smem:$0x3FB1]  }
0x2f: {  	lr =	sadd.s32 s0, s3;
	s0 =	sld [smem:$0x3FA8]  }
0x30: {  	s3 =	sld [smem:$0x3FAB]  }
0x31: {  	[smem:$0x3FB4] =	sst s10  }
0x32: {  	s10 =	sld [smem:$0x3FB2];
	_ =	sdelay $0x3  }
0x33: {  	p0 =	seq.s32 s10, $0x1;
	s10 =	sld [smem:$0x3FB4];
	_ =	sdelay $0x3  }
0x34: {  	[smem:$0x3FB4] =	sst s10  }
0x35: {  	s10 =	sld [smem:$0x3FB3];
	_ =	sdelay $0x3  }
0x36: {  	p1 =	seq.s32 s10, $0x1;
	s10 =	sld [smem:$0x3FB4];
	_ =	sdelay $0x3  }
0x37: {  	[smem:$0x3FB4] =	sst s10  }
0x38: {  	s10 =	sld [smem:$0x3FB5]  }
0x39: {  	_ = 	snop;
	(pc) =	sbr.ind lr, $3  }
0x3a: {  	_ = 	snop  }
0x3b: {  	_ = 	snop  }
0x3c: {  	p2 =	seq.s32 s10, $0x1;
	s10 =	sld [smem:$0x3FB4]  }
0x3d: {  	_ =	shalt  }
0x3e: {  	_ =	shalt  }
0x3f: {  	_ =	shalt  }
0x40: {  	_ =	shalt  }
0x41: {  	_ =	shalt  }
0x42: {  	_ =	shalt  }
0x43: {  	_ =	shalt  }
0x44: {  	_ =	shalt  }
0x45: {  	_ =	shalt  }
0x46: {  	_ =	shalt  }
0x47: {  	_ =	shalt  }
0x48: {  	_ =	shalt  }
0x49: {  	_ =	shalt  }
0x4a: {  	_ =	shalt  }
0x4b: {  	_ =	shalt  }
0x4c: {  	_ =	shalt  }
0x4d: {  	_ =	shalt  }
0x4e: {  	_ =	shalt  }
0x4f: {  	_ =	shalt  }
0x50: {  	_ =	shalt  }
0x51: {  	_ =	shalt  }
0x52: {  	_ =	shalt  }
0x53: {  	_ =	shalt  }
0x54: {  	_ =	shalt  }
0x55: {  	_ =	shalt  }
0x56: {  	_ =	shalt  }
0x57: {  	_ =	shalt  }
0x58: {  	_ =	shalt  }
0x59: {  	_ =	shalt  }
0x5a: {  	_ =	shalt  }
0x5b: {  	_ =	shalt  }
0x5c: {  	_ =	shalt  }
0x5d: {  	_ =	shalt  }
0x5e: {  	_ =	shalt  }
0x5f: {  	_ =	shalt  }
0x60: {  	_ =	shalt  }
0x61: {  	_ =	shalt  }
0x62: {  	_ =	shalt  }
0x63: {  	_ =	shalt  }
0x64: {  	_ =	shalt  }
0x65: {  	_ =	shalt  }
0x66: {  	_ =	shalt  }
0x67: {  	_ =	shalt  }
0x68: {  	_ =	shalt  }
0x69: {  	_ =	shalt  }
0x6a: {  	_ =	shalt  }
0x6b: {  	_ =	shalt  }
0x6c: {  	_ =	shalt  }
0x6d: {  	_ =	shalt  }
0x6e: {  	_ =	shalt  }
0x6f: {  	_ =	shalt  }
0x70: {  	_ =	shalt  }
0x71: {  	_ =	shalt  }
0x72: {  	_ =	shalt  }
0x73: {  	_ =	shalt  }
0x74: {  	_ =	shalt  }
0x75: {  	_ =	shalt  }
0x76: {  	_ =	shalt  }
0x77: {  	_ =	shalt  }
0x78: {  	_ =	shalt  }
0x79: {  	_ =	shalt  }
0x7a: {  	_ =	shalt  }
0x7b: {  	_ =	shalt  }
0x7c: {  	_ =	shalt  }
0x7d: {  	_ =	shalt  }
0x7e: {  	_ =	shalt  }
0x7f: {  	_ =	shalt  }
0x80: {  	_ =	shalt  }
0x81: {  	_ =	shalt  }
0x82: {  	_ =	shalt  }
0x83: {  	_ =	shalt  }
0x84: {  	_ =	shalt  }
0x85: {  	_ =	shalt  }
0x86: {  	_ =	shalt  }
0x87: {  	_ =	shalt  }
.Lfunc_end0:
.L_simem_size_0:
called_computation_lowered:
.L_overlay_start_0:
0x88: {  	s2 =	sld [smem:$0x3FD9]  }
0x89: {  	s3 =	sld [smem:$0x3FFE];
	_ =	sdelay $0x1  }
0x8a: {  	s1 =	srdreg.scid  }
0x8b: {  	s0 =	sand.u32 $0x1, s1  }
0x8c: {  	s17 =	sshll.u32 s0, $0xA;
	s2 =	sadd.s32 s3, s2  }
0x8d: {  	s2 =	sadd.s32 s2, s17  }
0x8e: {  	[smem:$0x3FC0] =	sst s2  }
0x8f: {  	_ = 	snop  }
0x90: {  	s2 =	sld [smem:$0x3FD0];
	(tm) =	ssettm $0x1  }
0x91: {  	s18 =	sld [smem:$0x3FFB];
	_ =	sdelay $0x3  }
0x92: {  	_ =	strace s18  }
0x93: {  	s3 =	sld [smem:$0x3FFC];
	_ =	sdelay $0x3  }
0x94: {  	_ =	strace s3  }
0x95: {  	s3 =	sld [smem:$0x3FFD];
	_ =	sdelay $0x3  }
0x96: {  	_ =	strace s3  }
0x97: {  	_ =	strace $0x8FFFFFFF  }
0x98: {  	s19 =	sld [smem:$0x3FDB];
	_ =	sdelay $0x1  }
0x99: {  	s4 =	simm.s32 $_scs_section_size  }
0x9a: {  	s5 =	simm.s32 $_size__tile_overlayer_lowered;
	s6 =	simm.s32 $_tile_overlayer_lowered  }
0x9b: {  	s22 =	simm.s32 $0x1BFF;
	s21 =	sshll.u32 s6, $0x1;
	s3 =	sadd.s32 s4, s19  }
0x9c: {  	s7 =	simm.s32 $0x0;
	s20 =	sshll.u32 s5, $0x1;
	s5 =	sadd.s32 s21, s3  }
0x9d: {  	[timem:s7], [sflag:s22] =	dma.local [hbm:s5], s20  }
0x9e: {  	_ =	swait.ge [sflag:s22], s20  }
0x9f: {  	s4 =	ssub.s32 $0x0, s20;
	[sflag:s22] =	ssyncset.done $0x0  }
0xa0: {  	[sflag:s22] =	ssyncadd.s32 s4;
	_ =	sdelay $0x1  }
0xa1: {  	s23 =	simm.s32 $0x1B8B  }
0xa2: {  	_ =	swait.ge [sflag:s23], $0x1  }
0xa3: {  	[sflag:s23] =	ssyncset.done $0x0  }
0xa4: {  	s25 =	simm.s32 $0x1B8E;
	s24 =	sld [smem:$0x3FFE];
	[sflag:s23] =	ssyncadd.s32 $0xFFFFFFFF  }
0xa5: {  	s26 =	simm.s32 $execute0_lowered;
	[smem:$0x3FD2] =	sst s25  }
0xa6: {  	s5 =	sshll.u32 s26, $0x1;
	_ =	strace $0x80000046;
	[dreg:$0x1] =	wrdreg $0xFFFFFFFF  }
0xa7: {  	s28 =	simm.s32 $_size_execute0_lowered;
	s3 =	sadd.s32 s3, s5;
	[dreg:$0x0] =	wrdreg $0x0  }
0xa8: {  	s5 =	sshll.u32 s28, $0x1;
	[dreg:$0x2] =	wrdreg s3  }
0xa9: {  	[dreg:$0x3] =	wrdreg s5  }
0xaa: {  	[dreg:$0x4] =	wrdreg $0xC0  }
0xab: {  	_ =	task [dreg:s7], $0x5FFFF  }
0xac: {  	[dreg:$0x1] =	wrdreg $0xFFFFFFFF  }
0xad: {  	[dreg:$0x0] =	wrdreg $0x60  }
0xae: {  	[dreg:$0x2] =	wrdreg s24  }
0xaf: {  	[dreg:$0x3] =	wrdreg s2  }
0xb0: {  	[dreg:$0x4] =	wrdreg $0xAD000  }
0xb1: {  	[dreg:$0x5] =	wrdreg $0x9  }
0xb2: {  	_ =	task.clear_ibuf [dreg:s7], $0x6FFFF;
	_ =	strace $0x90000046  }
0xb3: {  	s29 =	simm.s32 $0x9;
	_ =	strace $0x80000048  }
0xb4: {  	_ =	swait.ge [sflag:s29], $0x1  }
0xb5: {  	[sflag:s29] =	ssyncadd.s32 $0xFFFFFFFF  }
0xb6: {  	_ =	strace $0x90000048  }
0xb7: {  	_ =	sfence  }
0xb8: {  	s30 =	sld [smem:$0x0];
	_ =	sdelay $0x2  }
0xb9: {  	s31 =	sshll.u32 s1, $0xD;
	s1 =	sshrl.u32 s1, $0x2  }
0xba: {  	s3 =	sand.u32 $0x4000, s31;
	s1 =	sadd.s32 s1, s30  }
0xbb: {  	s0 =	sor.u32 s3, s0;
	s1 =	sshll.u32 s1, $0x11  }
0xbc: {  	s0 =	sor.u32 s1, s0  }
0xbd: {  	s0 =	sadd.s32 $0x8F2B, s0  }
0xbe: {  	[sflag:s0] =	ssyncadd.remote.s32 $0x1  }
0xbf: {  	_ =	sfence.sel $0xFFFF  }
0xc0: {  	[dreg:$0x0] =	wrdreg $0xFFFFFFFF;
	(pc) =	sbr.abs _section_cstart, $3  }
0xc1: {  	[dreg:$0x1] =	wrdreg $0xFFFFFFFF  }
0xc2: {  	_ =	task.clear_ibuf [dreg:s7], $0x2FFFF;
	_ =	strace $0x9FFFFFFF  }
0xc3: {  	(tm) =	ssettm $0x7FFFFFFF  }
tec
execute0_lowered:
.L_overlay_start_1:
0x0: {  	(tag) =	ssettag $0x1  }
0x1: {  	s0 =	rddreg [dreg:$0x0]  }
0x2: {  	s1 =	rddreg [dreg:$0x1]  }
0x3: {  	s2 =	rddreg [dreg:$0x2];
	s3 =	simm.s32 $0x0  }
0x4: {  	s12 =	stileid.u32;
	s4 =	srdreg.scid;
	s29 =	simm.s32 $0x8500  }
0x5: {  	s30 =	simm.s32 $0x8000;
	s31 =	simm.s32 $0x50;
	s28 =	simm.s32 $0x0  }
0x6: {  	[smem:$0x7FF] =	sst s3;
	s5 =	sadd.s32 $0x13C00, s0;
	s6 =	sadd.s32 $0x3AE00, s0  }
0x7: {  	s7 =	sadd.s32 $0x62000, s0;
	s24 =	sshll.u32 s12, $0xB;
	s8 =	sadd.s32 $0x89200, s0  }
0x8: {  	s4 =	sand.u32 $0x1, s4;
	s9 =	sadd.s32 $0xB0400, s0;
	s10 =	smul.u32 $0x50000, s12  }
0x9: {  	s11 =	sadd.s32 $0xD8400, s0;
	_ =	strace $0x80000047;
	[dreg:$0x4] =	wrdreg s9  }
0xa: {  	s26 =	sadd.s32 $0x100400, s0;
	s23 =	smul.u32 $0x7D, s12;
	[dreg:$0x5] =	wrdreg s11  }
0xb: {  	s3 =	sadd.s32 s24, s0;
	s25 =	ssub.s32 $0x2, s4;
	[dreg:$0x6] =	wrdreg s26  }
0xc: {  	s0 =	sadd.s32 $0x128400, s0;
	p0 =	sne.s32 s4, $0x0;
	s24 =	smul.u32 $0x2800, s12  }
0xd: {  	s13 =	sshrl.u32 s25, $0x1;
	[dreg:$0x7] =	wrdreg s0;
	s26 =	sadd.s32 $0xBC00, s3  }
0xe: {  	s3 =	sadd.s32 $0x3C00, s3;
	s14 =	ssub.s32 s25, s13;
	[dreg:$0x8] =	wrdreg s26  }
.Ltmp0:
0xf: {  	s25 =	sshrl.u32 s10, $0x2;
	[dreg:$0x9] =	wrdreg s3;
	(pc) =	sbr.rel .LBB2_1-.Ltmp0, $4  }
0x10: {  	s26 =	simm.s32 $0x2;
	s15 =	sadd.s32 s25, s2;
	s0 =	smax.u32 s14, $0x1  }
0x11: {  	s16 =	sadd.s32 $0x2800, s15;
	s17 =	sadd.s32 $0x5000, s15;
	s18 =	sadd.s32 $0x7800, s15  }
0x12: {  	s19 =	sadd.s32 $0xA000, s15;
	s20 =	sadd.s32 $0xC800, s15;
	s21 =	sadd.s32 $0xF000, s15  }
0x13: {  	v0 =	vimm.f32 $0.0e+00;
	s22 =	sadd.s32 $0x11800, s15;
	[dreg:$0xa] =	wrdreg s0;
	s0 =	simm.s32 $0x1  }
.LBB2_23:
0x14: {  	s3 =	sadd.s32 s3, s24;
	[bflag:$0x0] =	sbarrier.arrive $0xFFFF  }
0x15: {  	[hbm:s3], [sflag:s9] =	dma.local [spmem:s10], $0x2800  }
0x16: {  	_ =	swait.ge [sflag:s26], $0x2800  }
0x17: {  	s28 =	sadd.s32 $0x1, s28;
	s25 =	rddreg [dreg:$0xa]  }
0x18: {  	p1 =	sne.s32 s28, s25  }
.Ltmp1:
0x19: {  	_ = 	snop;
	(pc) =	sbr.rel @!p1 .LBB2_24-.Ltmp1, $3  }
0x1a: {  	[sflag:s26] =	ssyncset.done $0x0  }
0x1b: {  	[sflag:s26] =	ssyncadd.s32 $0xFFFFD800  }
0x1c: {  	[bflag:$0x0] =	sbarrier.arrive $0xFFFF;
	_ =	sdelay $0x1  }
.LBB2_1:
0x1d: {  	s3 =	simm.s32 $0x0;
	s4 =	rddreg [dreg:$0x8]  }
0x1e: {  	[tilespmem:s3], [sflag:$0x2] =	stream.linear.gather [hbm4b:s4+s3], $0x3E80, $0x38;
	[tilespmem:$0x1ED00] =	vst v63  }
0x1f: {  	_ =	swait.ge [sflag:s26], $0x3E80  }
0x20: {  	[sflag:s26] =	ssyncset.done $0x0  }
0x21: {  	s9 =	simm.s32 $0x4000;
	s25 =	rddreg [dreg:$0x9];
	[sflag:s26] =	ssyncadd.s32 $0xFFFFC180  }
0x22: {  	[tilespmem:s9], [sflag:$0x2] =	stream.linear.gather [hbm4b:s25+s3], $0x3E80, $0x38;
	[tilespmem:$0x1ED00] =	vst v63  }
0x23: {  	_ =	swait.ge [sflag:s26], $0x3E80  }
0x24: {  	[sflag:s26] =	ssyncset.done $0x0  }
0x25: {  	s4 =	simm.s32 $0x200;
	s3 =	simm.s32 $0x0;
	[sflag:s26] =	ssyncadd.s32 $0xFFFFC180  }
.LBB2_2:
0x26: {  	p1 =	sne.s32 s4, $0x9E00;
	[tilespmem:s3+$0x8570] =	vst v0  }
0x27: {  	[tilespmem:s3+$0x8500] =	vst v0  }
0x28: {  	[tilespmem:s3+$0x8510] =	vst v0  }
.Ltmp2:
0x29: {  	[tilespmem:s3+$0x8520] =	vst v0;
	(pc) =	sbr.rel @p1 .LBB2_2-.Ltmp2, $4  }
0x2a: {  	[tilespmem:s3+$0x8530] =	vst v0  }
0x2b: {  	[tilespmem:s3+$0x8540] =	vst v0  }
0x2c: {  	[tilespmem:s3+$0x8550] =	vst v0  }
0x2d: {  	[tilespmem:s3+$0x8560] =	vst v0;
	s3 =	sshra.s32 s4, $0x2;
	s4 =	sadd.s32 $0x200, s4  }
0x2e: {  	[tilespmem:s3+$0x8570] =	vst v0  }
0x2f: {  	[tilespmem:s3+$0x8500] =	vst v0  }
0x30: {  	[tilespmem:s3+$0x8510] =	vst v0  }
0x31: {  	[tilespmem:s3+$0x8520] =	vst v0  }
0x32: {  	[tilespmem:s3+$0x8530] =	vst v0  }
0x33: {  	[tilespmem:s3+$0x8540] =	vst v0  }
0x34: {  	[tilespmem:s3+$0x8550] =	vst v0  }
0x35: {  	[tilespmem:s3+$0x8560] =	vst v0  }
0x36: {  	[spmem:s15] =	stream.linear.scatter [tilespmem:s29], [sflag:$0x2], $0x2800, $0x38;
	[tilespmem:$0x1ED00] =	vst v63  }
0x37: {  	_ =	swait.ge [sflag:s26], $0x2800  }
0x38: {  	[sflag:s26] =	ssyncset.done $0x0  }
0x39: {  	[sflag:s26] =	ssyncadd.s32 $0xFFFFD800  }
0x3a: {  	[spmem:s16] =	stream.linear.scatter [tilespmem:s29], [sflag:$0x2], $0x2800, $0x38;
	[tilespmem:$0x1ED00] =	vst v63  }
0x3b: {  	_ =	swait.ge [sflag:s26], $0x2800  }
0x3c: {  	[sflag:s26] =	ssyncset.done $0x0  }
0x3d: {  	[sflag:s26] =	ssyncadd.s32 $0xFFFFD800  }
0x3e: {  	[spmem:s17] =	stream.linear.scatter [tilespmem:s29], [sflag:$0x2], $0x2800, $0x38;
	[tilespmem:$0x1ED00] =	vst v63  }
0x3f: {  	_ =	swait.ge [sflag:s26], $0x2800  }
0x40: {  	[sflag:s26] =	ssyncset.done $0x0  }
0x41: {  	[sflag:s26] =	ssyncadd.s32 $0xFFFFD800  }
0x42: {  	[spmem:s18] =	stream.linear.scatter [tilespmem:s29], [sflag:$0x2], $0x2800, $0x38;
	[tilespmem:$0x1ED00] =	vst v63  }
0x43: {  	_ =	swait.ge [sflag:s26], $0x2800  }
0x44: {  	[sflag:s26] =	ssyncset.done $0x0  }
0x45: {  	[sflag:s26] =	ssyncadd.s32 $0xFFFFD800  }
0x46: {  	[spmem:s19] =	stream.linear.scatter [tilespmem:s29], [sflag:$0x2], $0x2800, $0x38;
	[tilespmem:$0x1ED00] =	vst v63  }
0x47: {  	_ =	swait.ge [sflag:s26], $0x2800  }
0x48: {  	[sflag:s26] =	ssyncset.done $0x0  }
0x49: {  	[sflag:s26] =	ssyncadd.s32 $0xFFFFD800  }
0x4a: {  	[spmem:s20] =	stream.linear.scatter [tilespmem:s29], [sflag:$0x2], $0x2800, $0x38;
	[tilespmem:$0x1ED00] =	vst v63  }
0x4b: {  	_ =	swait.ge [sflag:s26], $0x2800  }
0x4c: {  	[sflag:s26] =	ssyncset.done $0x0  }
0x4d: {  	[sflag:s26] =	ssyncadd.s32 $0xFFFFD800  }
0x4e: {  	[spmem:s21] =	stream.linear.scatter [tilespmem:s29], [sflag:$0x2], $0x2800, $0x38;
	[tilespmem:$0x1ED00] =	vst v63  }
0x4f: {  	_ =	swait.ge [sflag:s26], $0x2800  }
0x50: {  	[sflag:s26] =	ssyncset.done $0x0  }
0x51: {  	[sflag:s26] =	ssyncadd.s32 $0xFFFFD800  }
0x52: {  	[spmem:s22] =	stream.linear.scatter [tilespmem:s29], [sflag:$0x2], $0x2800, $0x38;
	[tilespmem:$0x1ED00] =	vst v63  }
.Ltmp3:
0x53: {  	_ =	swait.ge [sflag:s26], $0x2800;
	(pc) =	sbr.rel @p0 .LBB2_8-.Ltmp3, $4  }
0x54: {  	[sflag:s26] =	ssyncset.done $0x0  }
0x55: {  	[sflag:s26] =	ssyncadd.s32 $0xFFFFD800  }
0x56: {  	[bflag:$0x0] =	sbarrier.arrive $0xFFFF  }
0x57: {  	s9 =	simm.s32 $0x0;
	s10 =	simm.s32 $0x0;
	s11 =	simm.s32 $0x0  }
.LBB2_4:
0x58: {  	s3 =	sadd.s32 s23, s10  }
0x59: {  	s3 =	smul.u32 $0xA0, s3;
	_ =	sdelay $0x1  }
0x5a: {  	s3 =	sadd.s32 s1, s3  }
0x5b: {  	[tilespmem:s30], [sflag:$0x2] =	stream.linear.gather [hbm4b:s3+s9], $0x500, $0x38;
	[tilespmem:$0x1ED00] =	vst v63  }
0x5c: {  	_ =	swait.ge [sflag:s26], $0x500  }
0x5d: {  	[sflag:s26] =	ssyncset.done $0x0  }
0x5e: {  	s4 =	sshll.u32 s10, $0x7;
	[sflag:s26] =	ssyncadd.s32 $0xFFFFFB00  }
0x5f: {  	[tilespmem:s29], [sflag:$0x1] =	stream.indirect.gather [hbm4b:s5+s31], $0x80, s4, s31, $0xb8;
	[tilespmem:$0x1ED00] =	vst v63  }
0x60: {  	_ =	swait.ge [sflag:s0], $0x2800  }
0x61: {  	[sflag:s0] =	ssyncset.done $0x0  }
0x62: {  	s11 =	simm.s32 $0x8540;
	[sflag:s0] =	ssyncadd.s32 $0xFFFFD800  }
0x63: {  	v5 =	vld [tilespmem:s11+$0x30]  }
0x64: {  	v8 =	vld [tilespmem:s11+$0x10]  }
0x65: {  	s25 =	simm.s32 $0x0;
	v6 =	vld [tilespmem:s11+$0xFFFFFFC0]  }
0x66: {  	v2 =	vld [tilespmem:s25+$0x8000]  }
0x67: {  	v10 =	vld [tilespmem:s11+$0xFFFFFFE0]  }
0x68: {  	v1 =	vld [tilespmem:s11+$0xFFFFFFF0]  }
0x69: {  	v3 =	vld [tilespmem:s11+$0x20]  }
0x6a: {  	v4 =	vld [tilespmem:s11+$0xFFFFFFD0]  }
0x6b: {  	v9 =	vmul.f32 v5, v2;
	v5 =	vld [tilespmem:s11+$0x0]  }
0x6c: {  	v7 =	vmul.f32 v6, v2  }
0x6d: {  	s12 =	simm.s32 $0x8540;
	s3 =	simm.s32 $0x40;
	v6 =	vmul.f32 v10, v2;
	v8 =	vmul.f32 v8, v2  }
.LBB2_5:
0x6e: {  	p1 =	sne.s32 s3, $0x13C0  }
0x6f: {  	v4 =	vmul.f32 v4, v2;
	v3 =	vmul.f32 v3, v2;
	[tilespmem:s11+$0x30] =	vst v9;
	s12 =	sadd.s32 $0x80, s12;
	s13 =	smov.u32 s3;
	s3 =	sadd.s32 $0x40, s3  }
0x70: {  	[tilespmem:s11+$0xFFFFFFC0] =	vst v7;
	v7 =	vmul.f32 v1, v2;
	v2 =	vmul.f32 v5, v2  }
0x71: {  	[tilespmem:s11+$0x10] =	vst v8  }
0x72: {  	v1 =	vld [tilespmem:s12+$0xFFFFFFF0];
	[tilespmem:s11+$0xFFFFFFE0] =	vst v6  }
0x73: {  	v6 =	vld [tilespmem:s12+$0x30];
	[tilespmem:s11+$0xFFFFFFF0] =	vst v7  }
0x74: {  	v8 =	vld [tilespmem:s12+$0x10];
	[tilespmem:s11+$0x0] =	vst v2  }
0x75: {  	v7 =	vld [tilespmem:s12+$0xFFFFFFC0];
	[tilespmem:s11+$0x20] =	vst v3  }
0x76: {  	s13 =	sshra.s32 s13, $0x2;
	v10 =	vld [tilespmem:s12+$0xFFFFFFE0];
	[tilespmem:s11+$0xFFFFFFD0] =	vst v4;
	s11 =	smov.u32 s12  }
0x77: {  	v2 =	vld [tilespmem:s13+$0x8000]  }
0x78: {  	v3 =	vld [tilespmem:s12+$0x20]  }
.Ltmp4:
0x79: {  	v4 =	vld [tilespmem:s12+$0xFFFFFFD0];
	(pc) =	sbr.rel @p1 .LBB2_5-.Ltmp4, $3  }
0x7a: {  	v5 =	vld [tilespmem:s12+$0x0];
	_ =	sdelay $0x1  }
0x7b: {  	v7 =	vmul.f32 v7, v2;
	v9 =	vmul.f32 v6, v2  }
0x7c: {  	v6 =	vmul.f32 v10, v2;
	v8 =	vmul.f32 v8, v2  }
0x7d: {  	[tilespmem:s11+$0x30] =	vst v9  }
0x7e: {  	[tilespmem:s11+$0xFFFFFFC0] =	vst v7  }
0x7f: {  	v1 =	vmul.f32 v1, v2;
	[tilespmem:s11+$0x10] =	vst v8  }
0x80: {  	v3 =	vmul.f32 v3, v2;
	[tilespmem:s11+$0xFFFFFFE0] =	vst v6  }
0x81: {  	v5 =	vmul.f32 v5, v2;
	[tilespmem:s11+$0xFFFFFFF0] =	vst v1  }
0x82: {  	s10 =	sadd.s32 $0x1, s10;
	v1 =	vmul.f32 v4, v2;
	[tilespmem:s11+$0x20] =	vst v3  }
0x83: {  	p1 =	seq.s32 s10, $0x7D;
	[tilespmem:s11+$0x0] =	vst v5  }
.Ltmp5:
0x84: {  	s3 =	sadd.s32 $0x4000, s4;
	[tilespmem:s11+$0xFFFFFFD0] =	vst v1;
	(pc) =	sbr.rel @!p1 .LBB2_4-.Ltmp5, $4  }
0x85: {  	[spmem:s2] =	stream.indirect.scatter.add.f32 [tilespmem:s29], [sflag:$0x2], $0x80, s3, s31, $0xb8;
	[tilespmem:$0x1ED00] =	vst v63  }
0x86: {  	_ =	swait.ge [sflag:s26], $0x2800  }
0x87: {  	[sflag:s26] =	ssyncset.done $0x0  }
0x88: {  	[sflag:s26] =	ssyncadd.s32 $0xFFFFD800  }
.Ltmp6:
0x89: {  	(pc) =	sbr.rel .LBB2_12-.Ltmp6, $2  }
0x8a: {  	_ =	sdelay $0x2  }
0x8b: {  	s3 =	rddreg [dreg:$0x4]  }
.LBB2_8:
0x8c: {  	s3 =	sadd.s32 s23, s11  }
0x8d: {  	s3 =	smul.u32 $0xA0, s3;
	_ =	sdelay $0x1  }
0x8e: {  	s3 =	sadd.s32 s1, s3  }
0x8f: {  	[tilespmem:s30], [sflag:$0x2] =	stream.linear.gather [hbm4b:s3+s9], $0x500, $0x38;
	[tilespmem:$0x1ED00] =	vst v63  }
0x90: {  	_ =	swait.ge [sflag:s26], $0x500  }
0x91: {  	[sflag:s26] =	ssyncset.done $0x0  }
0x92: {  	s4 =	sshll.u32 s11, $0x7;
	[sflag:s26] =	ssyncadd.s32 $0xFFFFFB00  }
0x93: {  	[tilespmem:s29], [sflag:$0x1] =	stream.indirect.gather [hbm4b:s7+s31], $0x80, s4, s31, $0xb8;
	[tilespmem:$0x1ED00] =	vst v63  }
0x94: {  	_ =	swait.ge [sflag:s0], $0x2800  }
0x95: {  	[sflag:s0] =	ssyncset.done $0x0  }
0x96: {  	s10 =	simm.s32 $0x8540;
	[sflag:s0] =	ssyncadd.s32 $0xFFFFD800  }
0x97: {  	v5 =	vld [tilespmem:s10+$0x30]  }
0x98: {  	v8 =	vld [tilespmem:s10+$0x10]  }
0x99: {  	s25 =	simm.s32 $0x0;
	v6 =	vld [tilespmem:s10+$0xFFFFFFC0]  }
0x9a: {  	v2 =	vld [tilespmem:s25+$0x8000]  }
0x9b: {  	v10 =	vld [tilespmem:s10+$0xFFFFFFE0]  }
0x9c: {  	v1 =	vld [tilespmem:s10+$0xFFFFFFF0]  }
0x9d: {  	v3 =	vld [tilespmem:s10+$0x20]  }
0x9e: {  	v4 =	vld [tilespmem:s10+$0xFFFFFFD0]  }
0x9f: {  	v9 =	vmul.f32 v5, v2;
	v5 =	vld [tilespmem:s10+$0x0]  }
0xa0: {  	v7 =	vmul.f32 v6, v2  }
0xa1: {  	s12 =	simm.s32 $0x8540;
	s3 =	simm.s32 $0x40;
	v6 =	vmul.f32 v10, v2;
	v8 =	vmul.f32 v8, v2  }
.LBB2_9:
0xa2: {  	p1 =	sne.s32 s3, $0x13C0  }
0xa3: {  	v4 =	vmul.f32 v4, v2;
	v3 =	vmul.f32 v3, v2;
	[tilespmem:s10+$0x30] =	vst v9;
	s12 =	sadd.s32 $0x80, s12;
	s13 =	smov.u32 s3;
	s3 =	sadd.s32 $0x40, s3  }
0xa4: {  	[tilespmem:s10+$0xFFFFFFC0] =	vst v7;
	v7 =	vmul.f32 v1, v2;
	v2 =	vmul.f32 v5, v2  }
0xa5: {  	[tilespmem:s10+$0x10] =	vst v8  }
0xa6: {  	v1 =	vld [tilespmem:s12+$0xFFFFFFF0];
	[tilespmem:s10+$0xFFFFFFE0] =	vst v6  }
0xa7: {  	v6 =	vld [tilespmem:s12+$0x30];
	[tilespmem:s10+$0xFFFFFFF0] =	vst v7  }
0xa8: {  	v8 =	vld [tilespmem:s12+$0x10];
	[tilespmem:s10+$0x0] =	vst v2  }
0xa9: {  	v7 =	vld [tilespmem:s12+$0xFFFFFFC0];
	[tilespmem:s10+$0x20] =	vst v3  }
0xaa: {  	s13 =	sshra.s32 s13, $0x2;
	v10 =	vld [tilespmem:s12+$0xFFFFFFE0];
	[tilespmem:s10+$0xFFFFFFD0] =	vst v4;
	s10 =	smov.u32 s12  }
0xab: {  	v2 =	vld [tilespmem:s13+$0x8000]  }
0xac: {  	v3 =	vld [tilespmem:s12+$0x20]  }
.Ltmp7:
0xad: {  	v4 =	vld [tilespmem:s12+$0xFFFFFFD0];
	(pc) =	sbr.rel @p1 .LBB2_9-.Ltmp7, $3  }
0xae: {  	v5 =	vld [tilespmem:s12+$0x0];
	_ =	sdelay $0x1  }
0xaf: {  	v7 =	vmul.f32 v7, v2;
	v9 =	vmul.f32 v6, v2  }
0xb0: {  	v6 =	vmul.f32 v10, v2;
	v8 =	vmul.f32 v8, v2  }
0xb1: {  	[tilespmem:s10+$0x30] =	vst v9  }
0xb2: {  	[tilespmem:s10+$0xFFFFFFC0] =	vst v7  }
0xb3: {  	v1 =	vmul.f32 v1, v2;
	[tilespmem:s10+$0x10] =	vst v8  }
0xb4: {  	v3 =	vmul.f32 v3, v2;
	[tilespmem:s10+$0xFFFFFFE0] =	vst v6  }
0xb5: {  	v5 =	vmul.f32 v5, v2;
	[tilespmem:s10+$0xFFFFFFF0] =	vst v1  }
0xb6: {  	s11 =	sadd.s32 $0x1, s11;
	v1 =	vmul.f32 v4, v2;
	[tilespmem:s10+$0x20] =	vst v3  }
0xb7: {  	p1 =	sne.s32 s11, $0x7D;
	[tilespmem:s10+$0x0] =	vst v5  }
.Ltmp8:
0xb8: {  	s3 =	sadd.s32 $0x4000, s4;
	[tilespmem:s10+$0xFFFFFFD0] =	vst v1;
	(pc) =	sbr.rel @p1 .LBB2_8-.Ltmp8, $4  }
0xb9: {  	[spmem:s2] =	stream.indirect.scatter.add.f32 [tilespmem:s29], [sflag:$0x2], $0x80, s3, s31, $0xb8;
	[tilespmem:$0x1ED00] =	vst v63  }
0xba: {  	_ =	swait.ge [sflag:s26], $0x2800  }
0xbb: {  	[sflag:s26] =	ssyncset.done $0x0  }
0xbc: {  	[sflag:s26] =	ssyncadd.s32 $0xFFFFD800  }
0xbd: {  	s3 =	rddreg [dreg:$0x6]  }
.LBB2_12:
0xbe: {  	s4 =	stileid.u32  }
0xbf: {  	s3 =	sadd.s32 s3, s24;
	s4 =	sshll.u32 s4, $0x6  }
0xc0: {  	[bflag:$0x0] =	sbarrier.arrive $0xFFFF;
	s10 =	sshrl.u32 s15, $0x3;
	s9 =	sor.u32 $0x1C02, s4  }
0xc1: {  	[hbm:s3], [sflag:s9] =	dma.local [spmem:s10], $0x2800  }
0xc2: {  	_ =	swait.ge [sflag:s26], $0x2800  }
0xc3: {  	[sflag:s26] =	ssyncset.done $0x0  }
0xc4: {  	[sflag:s26] =	ssyncadd.s32 $0xFFFFD800  }
0xc5: {  	s4 =	simm.s32 $0x200;
	s3 =	simm.s32 $0x0;
	[bflag:$0x0] =	sbarrier.arrive $0xFFFF  }
.LBB2_13:
0xc6: {  	p1 =	sne.s32 s4, $0x9E00;
	[tilespmem:s3+$0x8570] =	vst v0  }
0xc7: {  	[tilespmem:s3+$0x8500] =	vst v0  }
0xc8: {  	[tilespmem:s3+$0x8510] =	vst v0  }
.Ltmp9:
0xc9: {  	[tilespmem:s3+$0x8520] =	vst v0;
	(pc) =	sbr.rel @p1 .LBB2_13-.Ltmp9, $4  }
0xca: {  	[tilespmem:s3+$0x8530] =	vst v0  }
0xcb: {  	[tilespmem:s3+$0x8540] =	vst v0  }
0xcc: {  	[tilespmem:s3+$0x8550] =	vst v0  }
0xcd: {  	[tilespmem:s3+$0x8560] =	vst v0;
	s3 =	sshra.s32 s4, $0x2;
	s4 =	sadd.s32 $0x200, s4  }
0xce: {  	[tilespmem:s3+$0x8570] =	vst v0  }
0xcf: {  	[tilespmem:s3+$0x8500] =	vst v0  }
0xd0: {  	[tilespmem:s3+$0x8510] =	vst v0  }
0xd1: {  	[tilespmem:s3+$0x8520] =	vst v0  }
0xd2: {  	[tilespmem:s3+$0x8530] =	vst v0  }
0xd3: {  	[tilespmem:s3+$0x8540] =	vst v0  }
0xd4: {  	[tilespmem:s3+$0x8550] =	vst v0  }
0xd5: {  	[tilespmem:s3+$0x8560] =	vst v0  }
0xd6: {  	[spmem:s15] =	stream.linear.scatter [tilespmem:s29], [sflag:$0x2], $0x2800, $0x38;
	[tilespmem:$0x1ED00] =	vst v63  }
0xd7: {  	_ =	swait.ge [sflag:s26], $0x2800  }
0xd8: {  	[sflag:s26] =	ssyncset.done $0x0  }
0xd9: {  	[sflag:s26] =	ssyncadd.s32 $0xFFFFD800  }
0xda: {  	[spmem:s16] =	stream.linear.scatter [tilespmem:s29], [sflag:$0x2], $0x2800, $0x38;
	[tilespmem:$0x1ED00] =	vst v63  }
0xdb: {  	_ =	swait.ge [sflag:s26], $0x2800  }
0xdc: {  	[sflag:s26] =	ssyncset.done $0x0  }
0xdd: {  	[sflag:s26] =	ssyncadd.s32 $0xFFFFD800  }
0xde: {  	[spmem:s17] =	stream.linear.scatter [tilespmem:s29], [sflag:$0x2], $0x2800, $0x38;
	[tilespmem:$0x1ED00] =	vst v63  }
0xdf: {  	_ =	swait.ge [sflag:s26], $0x2800  }
0xe0: {  	[sflag:s26] =	ssyncset.done $0x0  }
0xe1: {  	[sflag:s26] =	ssyncadd.s32 $0xFFFFD800  }
0xe2: {  	[spmem:s18] =	stream.linear.scatter [tilespmem:s29], [sflag:$0x2], $0x2800, $0x38;
	[tilespmem:$0x1ED00] =	vst v63  }
0xe3: {  	_ =	swait.ge [sflag:s26], $0x2800  }
0xe4: {  	[sflag:s26] =	ssyncset.done $0x0  }
0xe5: {  	[sflag:s26] =	ssyncadd.s32 $0xFFFFD800  }
0xe6: {  	[spmem:s19] =	stream.linear.scatter [tilespmem:s29], [sflag:$0x2], $0x2800, $0x38;
	[tilespmem:$0x1ED00] =	vst v63  }
0xe7: {  	_ =	swait.ge [sflag:s26], $0x2800  }
0xe8: {  	[sflag:s26] =	ssyncset.done $0x0  }
0xe9: {  	[sflag:s26] =	ssyncadd.s32 $0xFFFFD800  }
0xea: {  	[spmem:s20] =	stream.linear.scatter [tilespmem:s29], [sflag:$0x2], $0x2800, $0x38;
	[tilespmem:$0x1ED00] =	vst v63  }
0xeb: {  	_ =	swait.ge [sflag:s26], $0x2800  }
0xec: {  	[sflag:s26] =	ssyncset.done $0x0  }
0xed: {  	[sflag:s26] =	ssyncadd.s32 $0xFFFFD800  }
0xee: {  	[spmem:s21] =	stream.linear.scatter [tilespmem:s29], [sflag:$0x2], $0x2800, $0x38;
	[tilespmem:$0x1ED00] =	vst v63  }
0xef: {  	_ =	swait.ge [sflag:s26], $0x2800  }
0xf0: {  	[sflag:s26] =	ssyncset.done $0x0  }
0xf1: {  	[sflag:s26] =	ssyncadd.s32 $0xFFFFD800  }
0xf2: {  	[spmem:s22] =	stream.linear.scatter [tilespmem:s29], [sflag:$0x2], $0x2800, $0x38;
	[tilespmem:$0x1ED00] =	vst v63  }
.Ltmp10:
0xf3: {  	_ =	swait.ge [sflag:s26], $0x2800;
	(pc) =	sbr.rel @p0 .LBB2_19-.Ltmp10, $4  }
0xf4: {  	[sflag:s26] =	ssyncset.done $0x0  }
0xf5: {  	[sflag:s26] =	ssyncadd.s32 $0xFFFFD800  }
0xf6: {  	[bflag:$0x0] =	sbarrier.arrive $0xFFFF  }
0xf7: {  	s11 =	simm.s32 $0x0;
	s12 =	simm.s32 $0x0;
	s4 =	simm.s32 $0x0  }
.LBB2_15:
0xf8: {  	s3 =	sadd.s32 s23, s12  }
0xf9: {  	s3 =	smul.u32 $0xA0, s3;
	_ =	sdelay $0x1  }
0xfa: {  	s3 =	sadd.s32 s1, s3  }
0xfb: {  	[tilespmem:s30], [sflag:$0x2] =	stream.linear.gather [hbm4b:s3+s11], $0x500, $0x38;
	[tilespmem:$0x1ED00] =	vst v63  }
0xfc: {  	_ =	swait.ge [sflag:s26], $0x500  }
0xfd: {  	[sflag:s26] =	ssyncset.done $0x0  }
0xfe: {  	s4 =	sshll.u32 s12, $0x7;
	[sflag:s26] =	ssyncadd.s32 $0xFFFFFB00  }
0xff: {  	[tilespmem:s29], [sflag:$0x1] =	stream.indirect.gather [hbm4b:s6+s31], $0x80, s4, s31, $0xb8;
	[tilespmem:$0x1ED00] =	vst v63  }
0x100: {  	_ =	swait.ge [sflag:s0], $0x2800  }
0x101: {  	[sflag:s0] =	ssyncset.done $0x0  }
0x102: {  	s3 =	simm.s32 $0x8540;
	[sflag:s0] =	ssyncadd.s32 $0xFFFFD800  }
0x103: {  	v5 =	vld [tilespmem:s3+$0x30]  }
0x104: {  	v8 =	vld [tilespmem:s3+$0x10]  }
0x105: {  	s13 =	simm.s32 $0x0;
	v6 =	vld [tilespmem:s3+$0xFFFFFFC0]  }
0x106: {  	v2 =	vld [tilespmem:s13+$0x8000]  }
0x107: {  	v10 =	vld [tilespmem:s3+$0xFFFFFFE0]  }
0x108: {  	v1 =	vld [tilespmem:s3+$0xFFFFFFF0]  }
0x109: {  	v3 =	vld [tilespmem:s3+$0x20]  }
0x10a: {  	v4 =	vld [tilespmem:s3+$0xFFFFFFD0]  }
0x10b: {  	v9 =	vmul.f32 v5, v2;
	v5 =	vld [tilespmem:s3+$0x0]  }
0x10c: {  	v7 =	vmul.f32 v6, v2  }
0x10d: {  	s14 =	simm.s32 $0x8540;
	s13 =	simm.s32 $0x40;
	v6 =	vmul.f32 v10, v2;
	v8 =	vmul.f32 v8, v2  }
.LBB2_16:
0x10e: {  	p1 =	sne.s32 s13, $0x13C0  }
0x10f: {  	v4 =	vmul.f32 v4, v2;
	v3 =	vmul.f32 v3, v2;
	[tilespmem:s3+$0x30] =	vst v9;
	s14 =	sadd.s32 $0x80, s14;
	s25 =	smov.u32 s13;
	s13 =	sadd.s32 $0x40, s13  }
0x110: {  	[tilespmem:s3+$0xFFFFFFC0] =	vst v7;
	v7 =	vmul.f32 v1, v2;
	v2 =	vmul.f32 v5, v2  }
0x111: {  	[tilespmem:s3+$0x10] =	vst v8  }
0x112: {  	v1 =	vld [tilespmem:s14+$0xFFFFFFF0];
	[tilespmem:s3+$0xFFFFFFE0] =	vst v6  }
0x113: {  	v6 =	vld [tilespmem:s14+$0x30];
	[tilespmem:s3+$0xFFFFFFF0] =	vst v7  }
0x114: {  	v8 =	vld [tilespmem:s14+$0x10];
	[tilespmem:s3+$0x0] =	vst v2  }
0x115: {  	v7 =	vld [tilespmem:s14+$0xFFFFFFC0];
	[tilespmem:s3+$0x20] =	vst v3  }
0x116: {  	s25 =	sshra.s32 s25, $0x2;
	v10 =	vld [tilespmem:s14+$0xFFFFFFE0];
	[tilespmem:s3+$0xFFFFFFD0] =	vst v4;
	s3 =	smov.u32 s14  }
0x117: {  	v2 =	vld [tilespmem:s25+$0x8000]  }
0x118: {  	v3 =	vld [tilespmem:s14+$0x20]  }
.Ltmp11:
0x119: {  	v4 =	vld [tilespmem:s14+$0xFFFFFFD0];
	(pc) =	sbr.rel @p1 .LBB2_16-.Ltmp11, $3  }
0x11a: {  	v5 =	vld [tilespmem:s14+$0x0];
	_ =	sdelay $0x1  }
0x11b: {  	v7 =	vmul.f32 v7, v2;
	v9 =	vmul.f32 v6, v2  }
0x11c: {  	v6 =	vmul.f32 v10, v2;
	v8 =	vmul.f32 v8, v2  }
0x11d: {  	[tilespmem:s3+$0x30] =	vst v9  }
0x11e: {  	[tilespmem:s3+$0xFFFFFFC0] =	vst v7  }
0x11f: {  	v1 =	vmul.f32 v1, v2;
	[tilespmem:s3+$0x10] =	vst v8  }
0x120: {  	v3 =	vmul.f32 v3, v2;
	[tilespmem:s3+$0xFFFFFFE0] =	vst v6  }
0x121: {  	v5 =	vmul.f32 v5, v2;
	[tilespmem:s3+$0xFFFFFFF0] =	vst v1  }
0x122: {  	s12 =	sadd.s32 $0x1, s12;
	v1 =	vmul.f32 v4, v2;
	[tilespmem:s3+$0x20] =	vst v3  }
0x123: {  	p1 =	seq.s32 s12, $0x7D;
	[tilespmem:s3+$0x0] =	vst v5  }
.Ltmp12:
0x124: {  	s25 =	sadd.s32 $0x4000, s4;
	[tilespmem:s3+$0xFFFFFFD0] =	vst v1;
	(pc) =	sbr.rel @!p1 .LBB2_15-.Ltmp12, $4  }
0x125: {  	[spmem:s2] =	stream.indirect.scatter.add.f32 [tilespmem:s29], [sflag:$0x2], $0x80, s25, s31, $0xb8;
	[tilespmem:$0x1ED00] =	vst v63  }
0x126: {  	_ =	swait.ge [sflag:s26], $0x2800  }
0x127: {  	[sflag:s26] =	ssyncset.done $0x0  }
0x128: {  	[sflag:s26] =	ssyncadd.s32 $0xFFFFD800  }
.Ltmp13:
0x129: {  	(pc) =	sbr.rel .LBB2_23-.Ltmp13, $2  }
0x12a: {  	_ =	sdelay $0x2  }
0x12b: {  	s3 =	rddreg [dreg:$0x5]  }
.LBB2_19:
0x12c: {  	s3 =	sadd.s32 s23, s4  }
0x12d: {  	s3 =	smul.u32 $0xA0, s3;
	_ =	sdelay $0x1  }
0x12e: {  	s3 =	sadd.s32 s1, s3  }
0x12f: {  	[tilespmem:s30], [sflag:$0x2] =	stream.linear.gather [hbm4b:s3+s11], $0x500, $0x38;
	[tilespmem:$0x1ED00] =	vst v63  }
0x130: {  	_ =	swait.ge [sflag:s26], $0x500  }
0x131: {  	[sflag:s26] =	ssyncset.done $0x0  }
0x132: {  	s12 =	sshll.u32 s4, $0x7;
	[sflag:s26] =	ssyncadd.s32 $0xFFFFFB00  }
0x133: {  	[tilespmem:s29], [sflag:$0x1] =	stream.indirect.gather [hbm4b:s8+s31], $0x80, s12, s31, $0xb8;
	[tilespmem:$0x1ED00] =	vst v63  }
0x134: {  	_ =	swait.ge [sflag:s0], $0x2800  }
0x135: {  	[sflag:s0] =	ssyncset.done $0x0  }
0x136: {  	s3 =	simm.s32 $0x8540;
	[sflag:s0] =	ssyncadd.s32 $0xFFFFD800  }
0x137: {  	v5 =	vld [tilespmem:s3+$0x30]  }
0x138: {  	v8 =	vld [tilespmem:s3+$0x10]  }
0x139: {  	s13 =	simm.s32 $0x0;
	v6 =	vld [tilespmem:s3+$0xFFFFFFC0]  }
0x13a: {  	v2 =	vld [tilespmem:s13+$0x8000]  }
0x13b: {  	v10 =	vld [tilespmem:s3+$0xFFFFFFE0]  }
0x13c: {  	v1 =	vld [tilespmem:s3+$0xFFFFFFF0]  }
0x13d: {  	v3 =	vld [tilespmem:s3+$0x20]  }
0x13e: {  	v4 =	vld [tilespmem:s3+$0xFFFFFFD0]  }
0x13f: {  	v9 =	vmul.f32 v5, v2;
	v5 =	vld [tilespmem:s3+$0x0]  }
0x140: {  	v7 =	vmul.f32 v6, v2  }
0x141: {  	s14 =	simm.s32 $0x8540;
	s13 =	simm.s32 $0x40;
	v6 =	vmul.f32 v10, v2;
	v8 =	vmul.f32 v8, v2  }
.LBB2_20:
0x142: {  	p1 =	sne.s32 s13, $0x13C0  }
0x143: {  	v4 =	vmul.f32 v4, v2;
	v3 =	vmul.f32 v3, v2;
	[tilespmem:s3+$0x30] =	vst v9;
	s14 =	sadd.s32 $0x80, s14;
	s25 =	smov.u32 s13;
	s13 =	sadd.s32 $0x40, s13  }
0x144: {  	[tilespmem:s3+$0xFFFFFFC0] =	vst v7;
	v7 =	vmul.f32 v1, v2;
	v2 =	vmul.f32 v5, v2  }
0x145: {  	[tilespmem:s3+$0x10] =	vst v8  }
0x146: {  	v1 =	vld [tilespmem:s14+$0xFFFFFFF0];
	[tilespmem:s3+$0xFFFFFFE0] =	vst v6  }
0x147: {  	v6 =	vld [tilespmem:s14+$0x30];
	[tilespmem:s3+$0xFFFFFFF0] =	vst v7  }
0x148: {  	v8 =	vld [tilespmem:s14+$0x10];
	[tilespmem:s3+$0x0] =	vst v2  }
0x149: {  	v7 =	vld [tilespmem:s14+$0xFFFFFFC0];
	[tilespmem:s3+$0x20] =	vst v3  }
0x14a: {  	s25 =	sshra.s32 s25, $0x2;
	v10 =	vld [tilespmem:s14+$0xFFFFFFE0];
	[tilespmem:s3+$0xFFFFFFD0] =	vst v4;
	s3 =	smov.u32 s14  }
0x14b: {  	v2 =	vld [tilespmem:s25+$0x8000]  }
0x14c: {  	v3 =	vld [tilespmem:s14+$0x20]  }
.Ltmp14:
0x14d: {  	v4 =	vld [tilespmem:s14+$0xFFFFFFD0];
	(pc) =	sbr.rel @p1 .LBB2_20-.Ltmp14, $3  }
0x14e: {  	v5 =	vld [tilespmem:s14+$0x0];
	_ =	sdelay $0x1  }
0x14f: {  	v7 =	vmul.f32 v7, v2;
	v9 =	vmul.f32 v6, v2  }
0x150: {  	v6 =	vmul.f32 v10, v2;
	v8 =	vmul.f32 v8, v2  }
0x151: {  	[tilespmem:s3+$0x30] =	vst v9  }
0x152: {  	[tilespmem:s3+$0xFFFFFFC0] =	vst v7  }
0x153: {  	v1 =	vmul.f32 v1, v2;
	[tilespmem:s3+$0x10] =	vst v8  }
0x154: {  	v3 =	vmul.f32 v3, v2;
	[tilespmem:s3+$0xFFFFFFE0] =	vst v6  }
0x155: {  	v5 =	vmul.f32 v5, v2;
	[tilespmem:s3+$0xFFFFFFF0] =	vst v1  }
0x156: {  	s4 =	sadd.s32 $0x1, s4;
	v1 =	vmul.f32 v4, v2;
	[tilespmem:s3+$0x20] =	vst v3  }
0x157: {  	p1 =	sne.s32 s4, $0x7D;
	[tilespmem:s3+$0x0] =	vst v5  }
.Ltmp15:
0x158: {  	s25 =	sadd.s32 $0x4000, s12;
	[tilespmem:s3+$0xFFFFFFD0] =	vst v1;
	(pc) =	sbr.rel @p1 .LBB2_19-.Ltmp15, $4  }
0x159: {  	[spmem:s2] =	stream.indirect.scatter.add.f32 [tilespmem:s29], [sflag:$0x2], $0x80, s25, s31, $0xb8;
	[tilespmem:$0x1ED00] =	vst v63  }
0x15a: {  	_ =	swait.ge [sflag:s26], $0x2800  }
0x15b: {  	[sflag:s26] =	ssyncset.done $0x0  }
0x15c: {  	[sflag:s26] =	ssyncadd.s32 $0xFFFFD800  }
.Ltmp16:
0x15d: {  	(pc) =	sbr.rel .LBB2_23-.Ltmp16, $2  }
0x15e: {  	_ =	sdelay $0x2  }
0x15f: {  	s3 =	rddreg [dreg:$0x7]  }
.LBB2_24:
0x160: {  	_ =	sfence.sel $0x180000  }
0x161: {  	[bflag:$0x0] =	sbarrier.arrive $0xFFFF  }
0x162: {  	_ =	strace $0x90000047  }
0x163: {  	s0 =	stileid.u32;
	[bflag:$0x2] =	sbarrier.arrive $0xFFFF  }
0x164: {  	p0 =	sne.s32 s0, $0x0;
	s0 =	rddreg [dreg:$0x3]  }
0x165: {  	s0 =	sadd.s32 @!p0 $0x100000, s0  }
0x166: {  	[sflag:s0] =	ssyncadd.tile.s32 @!p0 $0x1;
	_ =	shalt  }
.Lfunc_end2:
_tile_overlayer_lowered:
.L_overlay_start_2:
0x167: {  	(tag) =	ssettag $0x2  }
0x168: {  	s0 =	rddreg [dreg:$0x0];
	s2 =	stileid.u32  }
0x169: {  	s1 =	rddreg [dreg:$0x1];
	p0 =	sne.s32 s2, $0x0  }
0x16a: {  	s3 =	rddreg [dreg:$0x2];
	[bflag:$0x3] =	sbarrier.arrive $0xFFFF;
	s2 =	simm.s32 @!p0 $0x1C02  }
0x16b: {  	[timem:s3], [sflag:s2] =	dma.local @!p0 [hbm:s0], s1  }
0x16c: {  	s0 =	simm.s32 @!p0 $0x2  }
0x16d: {  	_ =	swait.ge @!p0 [sflag:s0], s1  }
0x16e: {  	s1 =	ssub.s32 @!p0 $0x0, s1;
	[sflag:s0] =	ssyncset.done @!p0 $0x0  }
0x16f: {  	[sflag:s0] =	ssyncadd.s32 @!p0 s1  }
0x170: {  	[bflag:$0x3] =	sbarrier.arrive $0xFFFF  }
0x171: {  	_ =	shalt  }

</sc_bundles>
